<compile_context>
chip_gen: v7x
topology: tpu7x:2x2x1
jax: 0.10.2.dev20260603
libtpu: 0.0.44.dev20260713+nightly
codegen_flags: <defaults>
</compile_context>

<pallas_src>
import jax
import jax.numpy as jnp
from jax import lax
from jax.experimental import pallas as pl
from jax.experimental.pallas import tpu as pltpu
from jax.experimental.pallas import tpu_sc as plsc

N = 10000
E = 320000
D = 128
DH = D // 2
NC = 2
NS = 16
K = 128
CH = 160
EPW = CH * K
EPAD = NS * EPW - E
CHH = CH // 2
NP = 10240
RPS = NP // NS
CW = 16


def _sc_pass(with_counts: bool):
  nb = 4 if with_counts else 5
  out_type = [jax.ShapeDtypeStruct((NP, D), jnp.float32)]
  scratch = [
      pltpu.VMEM((CH, K), jnp.int32),
      pltpu.VMEM((CH, K), jnp.int32),
  ]
  scratch += [pltpu.VMEM((K, DH), jnp.float32) for _ in range(nb)]
  scratch += [pltpu.SemaphoreType.DMA for _ in range(2 * nb)]
  if with_counts:
    out_type.append(jax.ShapeDtypeStruct((NC, NP, CW), jnp.float32))
    scratch += [pltpu.VMEM((K, CW), jnp.float32)]
  scratch += [pltpu.VMEM_SHARED((NP, DH), jnp.float32)]
  if with_counts:
    scratch += [pltpu.VMEM_SHARED((NP, CW), jnp.float32)]

  mesh = plsc.VectorSubcoreMesh(core_axis_name="c", subcore_axis_name="s")

  def body(table, srcs, dsts, ones_h, *rest):
    if with_counts:
      agg_out, cnt_out = rest[0], rest[1]
      rest = rest[2:]
    else:
      agg_out = rest[0]
      rest = rest[1:]
    src_v, dst_v = rest[0], rest[1]
    bufs = rest[2:2 + nb]
    sem_g = rest[2 + nb:2 + 2 * nb]
    sem_s = rest[2 + 2 * nb:2 + 3 * nb]
    rest = rest[2 + 3 * nb:]
    if with_counts:
      ones_v, agg_sh, cnt_sh = rest
    else:
      (agg_sh,) = rest
    cid = lax.axis_index("c")
    sid = lax.axis_index("s")

    pltpu.sync_copy(srcs.at[sid], src_v)
    pltpu.sync_copy(dsts.at[sid], dst_v)
    if with_counts:
      pltpu.sync_copy(ones_h, ones_v)
    z16 = jnp.zeros((16,), jnp.float32)

    def zrow(r, _):
      for c in range(DH // 16):
        bufs[0][r, pl.ds(c * 16, 16)] = z16
      return 0

    lax.fori_loop(0, K, zrow, 0)
    for r in range(RPS // K):
      pltpu.sync_copy(bufs[0], agg_sh.at[pl.ds(sid * RPS + r * K, K)])
    if with_counts:
      for r in range(RPS // K):
        pltpu.sync_copy(bufs[0].at[:, pl.ds(0, CW)],
                        cnt_sh.at[pl.ds(sid * RPS + r * K, K)])
    plsc.subcore_barrier()

    tbl = table.at[pl.ds(cid, NC * N - 1)]

    def gather(jj, b):
      return pltpu.async_copy(tbl.at[src_v.at[jj]], bufs[b], sem_g[b])

    def scatter(jj, b):
      return pltpu.async_copy(bufs[b], agg_sh.at[dst_v.at[jj]], sem_s[b],
                              add=True)

    for b in range(nb):
      gather(b, b)

    def step(j, _):
      for b in range(nb):
        jj = j * nb + b
        pltpu.make_async_copy(tbl.at[src_v.at[jj]], bufs[b],
                              sem_g[b]).wait()
        scatter(jj, b)
        if with_counts:
          @pl.when(lax.select(cid == 0, jj < CHH, jj >= CHH))
          def _():
            pltpu.sync_copy(ones_v, cnt_sh.at[dst_v.at[jj]], add=True)
        bp = (b + nb - 1) % nb

        @pl.when(jnp.logical_and(jj >= 1, jj + nb - 1 < CH))
        def _():
          pltpu.make_async_copy(bufs[bp], agg_sh.at[dst_v.at[jj - 1]],
                                sem_s[bp]).wait()
          gather(jj + nb - 1, bp)
      return 0

    lax.fori_loop(0, CH // nb, step, 0)
    for b in range(nb):
      m = CH - nb + b
      pltpu.make_async_copy(bufs[m % nb], agg_sh.at[dst_v.at[m]],
                            sem_s[m % nb]).wait()
    plsc.subcore_barrier()

    row_sl = pl.ds(sid * RPS, RPS)

    @pl.when(cid == 0)
    def _():
      pltpu.sync_copy(agg_sh.at[row_sl], agg_out.at[row_sl, pl.ds(0, DH)])

    @pl.when(cid == 1)
    def _():
      pltpu.sync_copy(agg_sh.at[row_sl], agg_out.at[row_sl, pl.ds(DH, DH)])
    if with_counts:
      pltpu.sync_copy(cnt_sh.at[row_sl], cnt_out.at[cid].at[row_sl])

  return pl.kernel(body, out_type=tuple(out_type), mesh=mesh,
                   scratch_types=scratch,
                   compiler_params=pltpu.CompilerParams(
                       use_tc_tiling_on_sc=False))


_sc_agg_counts = _sc_pass(with_counts=True)
_sc_agg = _sc_pass(with_counts=False)


def _tc_combine(relu: bool):
  BLK = 2000
  GRID = N // BLK

  def body(agg, cntp, x, wlt, wrt, b, o):
    cnt = cntp[0, :, 0:1] + cntp[1, :, 0:1]
    mean = agg[...] / jnp.maximum(cnt, 1.0)
    y = (jnp.dot(mean, wlt[...], preferred_element_type=jnp.float32)
         + jnp.dot(x[...], wrt[...], preferred_element_type=jnp.float32)
         + b[...])
    o[...] = jnp.maximum(y, 0.0) if relu else y

  return pl.pallas_call(
      body,
      grid=(GRID,),
      in_specs=[
          pl.BlockSpec((BLK, D), lambda i: (i, 0)),
          pl.BlockSpec((NC, BLK, CW), lambda i: (0, i, 0)),
          pl.BlockSpec((BLK, D), lambda i: (i, 0)),
          pl.BlockSpec((D, D), lambda i: (0, 0)),
          pl.BlockSpec((D, D), lambda i: (0, 0)),
          pl.BlockSpec((1, D), lambda i: (0, 0)),
      ],
      out_specs=pl.BlockSpec((BLK, D), lambda i: (i, 0)),
      out_shape=jax.ShapeDtypeStruct((N, D), jnp.float32),
  )


_tc_combine1 = _tc_combine(relu=True)
_tc_combine2 = _tc_combine(relu=False)


def kernel(x, edge_index, W1l, b1, W1r, W2l, b2, W2r):
  pad_src = jnp.arange(EPAD, dtype=jnp.int32) % N
  src = (jnp.concatenate([edge_index[0], pad_src]) * 2).reshape(NS, CH, K)
  pad_dst = N + (jnp.arange(EPAD, dtype=jnp.int32) % (NP - N))
  dst = jnp.concatenate([edge_index[1], pad_dst]).reshape(NS, CH, K)
  ones_h = jnp.ones((K, CW), jnp.float32)

  agg1, cnt = _sc_agg_counts(x.reshape(NC * N, DH), src, dst, ones_h)
  h = _tc_combine1(agg1, cnt, x, W1l.T, W1r.T, b1.reshape(1, D))
  (agg2,) = _sc_agg(h.reshape(NC * N, DH), src, dst, ones_h)
  out = _tc_combine2(agg2, cnt, h, W2l.T, W2r.T, b2.reshape(1, D))
  return out

# --- scband reference (transcript-rebuilt; emitter-appended) ---
"""Pipeline reference for scband-sage-7404523618676 (READ-ONLY COPY).

The authoritative reference and input builder live on the scoring server;
editing this copy changes nothing except your own understanding.
"""

import jax, jax.numpy as jnp
import numpy as np

N = 10000
E = 320000
D_IN = 128
D_HID = 128
D_OUT = 128


def setup_inputs(seed: int = 0) -> dict:
    key = jax.random.key(seed)
    ks = jax.random.split(key, 9)
    x = jax.random.normal(ks[0], (N, D_IN), dtype=jnp.float32)
    edge_index = jax.random.randint(ks[1], (2, E), 0, N, dtype=jnp.int32)
    # SAGEConv layer 1: lin_l (aggregated neighbors, with bias), lin_r (root, no bias)
    W1l = jax.random.normal(ks[2], (D_HID, D_IN), dtype=jnp.float32) * 0.05
    b1 = jax.random.normal(ks[3], (D_HID,), dtype=jnp.float32) * 0.05
    W1r = jax.random.normal(ks[4], (D_HID, D_IN), dtype=jnp.float32) * 0.05
    # SAGEConv layer 2
    W2l = jax.random.normal(ks[5], (D_OUT, D_HID), dtype=jnp.float32) * 0.05
    b2 = jax.random.normal(ks[6], (D_OUT,), dtype=jnp.float32) * 0.05
    W2r = jax.random.normal(ks[7], (D_OUT, D_HID), dtype=jnp.float32) * 0.05
    return {"x": x, "edge_index": edge_index, "W1l": W1l, "b1": b1, "W1r": W1r,
            "W2l": W2l, "b2": b2, "W2r": W2r}


def _sage_conv(x, src, dst, Wl, Wr, b):
    # mean aggregation of neighbor messages (src -> dst)
    msg = jnp.take(x, src, axis=0)
    agg = jax.ops.segment_sum(msg, dst, num_segments=N)
    cnt = jax.ops.segment_sum(jnp.ones((E, 1), dtype=jnp.float32), dst, num_segments=N)
    agg = agg / jnp.maximum(cnt, 1.0)
    return agg @ Wl.T + b + x @ Wr.T


def reference(x, edge_index, W1l, b1, W1r, W2l, b2, W2r):
    src = edge_index[0]
    dst = edge_index[1]
    h = _sage_conv(x, src, dst, W1l, W1r, b1)
    h = jax.nn.relu(h)
    # dropout p=0.0 -> identity
    out = _sage_conv(h, src, dst, W2l, W2r, b2)
    return out

if __name__ == "__main__":
    import jax
    _d = setup_inputs()
    print(jax.jit(kernel)(*tuple(_d.values())))

</pallas_src>

<mosaic_0001>
#map = affine_map<(d0, d1) -> (0, 0)>
#map1 = affine_map<(d0, d1) -> (0, 0, 0)>
module attributes {stable_mosaic.version = 14 : i64} {
  func.func @body(%arg0: i32, %arg1: i32, %arg2: memref<20000x64xf32, #tpu.memory_space<hbm>>, %arg3: memref<16x160x128xi32, #tpu.memory_space<hbm>>, %arg4: memref<16x160x128xi32, #tpu.memory_space<hbm>>, %arg5: memref<128x16xf32, #tpu.memory_space<hbm>>, %arg6: memref<10240x128xf32, #tpu.memory_space<hbm>>, %arg7: memref<2x10240x16xf32, #tpu.memory_space<hbm>>, %arg8: memref<160x128xi32, #tpu.memory_space<vmem>>, %arg9: memref<160x128xi32, #tpu.memory_space<vmem>>, %arg10: memref<128x64xf32, #tpu.memory_space<vmem>>, %arg11: memref<128x64xf32, #tpu.memory_space<vmem>>, %arg12: memref<128x64xf32, #tpu.memory_space<vmem>>, %arg13: memref<128x64xf32, #tpu.memory_space<vmem>>, %arg14: memref<!tpu.dma_semaphore, #tpu.memory_space<semaphore_mem>>, %arg15: memref<!tpu.dma_semaphore, #tpu.memory_space<semaphore_mem>>, %arg16: memref<!tpu.dma_semaphore, #tpu.memory_space<semaphore_mem>>, %arg17: memref<!tpu.dma_semaphore, #tpu.memory_space<semaphore_mem>>, %arg18: memref<!tpu.dma_semaphore, #tpu.memory_space<semaphore_mem>>, %arg19: memref<!tpu.dma_semaphore, #tpu.memory_space<semaphore_mem>>, %arg20: memref<!tpu.dma_semaphore, #tpu.memory_space<semaphore_mem>>, %arg21: memref<!tpu.dma_semaphore, #tpu.memory_space<semaphore_mem>>, %arg22: memref<128x16xf32, #tpu.memory_space<vmem>>, %arg23: memref<10240x64xf32, #tpu.memory_space<vmem_shared>>, %arg24: memref<10240x16xf32, #tpu.memory_space<vmem_shared>>) attributes {dimension_semantics = [#tpu.dimension_semantics<core_parallel>, #tpu.dimension_semantics<subcore_parallel>], iteration_bounds = array<i64: 2, 16>, scalar_prefetch = 0 : i64, scratch_operands = 17 : i64, tpu.core_type = #tpu.core_type<sc_vector_subcore>, window_params = [{transform_indices = #map}, {transform_indices = #map1}, {transform_indices = #map1}, {transform_indices = #map}, {transform_indices = #map}, {transform_indices = #map1}]} {
    "tpu.region"() ({
      %run_scoped3A = tpu.sem_alloc : memref<!tpu.dma_semaphore, #tpu.memory_space<semaphore_mem>>
      %dma_start3A_124 = arith.constant 0 : i32
      %dma_start3A_125 = arith.constant 0 : i32
      %dma_start3A_126 = tpu.memref_slice %arg3[%arg1, %dma_start3A_124, %dma_start3A_125] : memref<16x160x128xi32, #tpu.memory_space<hbm>> -> memref<1x160x128xi32, #tpu.memory_space<hbm>>
      %dma_start3A_127 = tpu.memref_squeeze %dma_start3A_126 : memref<1x160x128xi32, #tpu.memory_space<hbm>> -> memref<160x128xi32, #tpu.memory_space<hbm>>
      %dma_start3A_128 = arith.constant 0 : i32
      %dma_start3A_129 = arith.constant 0 : i32
      %dma_start3A_130 = tpu.memref_slice %arg3[%arg1, %dma_start3A_128, %dma_start3A_129] : memref<16x160x128xi32, #tpu.memory_space<hbm>> -> memref<1x160x128xi32, #tpu.memory_space<hbm>>
      %dma_start3A_131 = tpu.memref_squeeze %dma_start3A_130 : memref<1x160x128xi32, #tpu.memory_space<hbm>> -> memref<160x128xi32, #tpu.memory_space<hbm>>
      tpu.enqueue_dma source(%dma_start3A_131 : memref<160x128xi32, #tpu.memory_space<hbm>>) target(%arg8 : memref<160x128xi32, #tpu.memory_space<vmem>>) target_semaphore(%run_scoped3A : memref<!tpu.dma_semaphore, #tpu.memory_space<semaphore_mem>>)
      %dma_wait3A_132 = arith.constant 0 : i32
      %dma_wait3A_133 = arith.constant 0 : i32
      %dma_wait3A_134 = tpu.memref_slice %arg3[%arg1, %dma_wait3A_132, %dma_wait3A_133] : memref<16x160x128xi32, #tpu.memory_space<hbm>> -> memref<1x160x128xi32, #tpu.memory_space<hbm>>
      %dma_wait3A_135 = tpu.memref_squeeze %dma_wait3A_134 : memref<1x160x128xi32, #tpu.memory_space<hbm>> -> memref<160x128xi32, #tpu.memory_space<hbm>>
      %dma_wait3A_136 = arith.constant 0 : i32
      %dma_wait3A_137 = arith.constant 0 : i32
      %dma_wait3A_138 = tpu.memref_slice %arg3[%arg1, %dma_wait3A_136, %dma_wait3A_137] : memref<16x160x128xi32, #tpu.memory_space<hbm>> -> memref<1x160x128xi32, #tpu.memory_space<hbm>>
      %dma_wait3A_139 = tpu.memref_squeeze %dma_wait3A_138 : memref<1x160x128xi32, #tpu.memory_space<hbm>> -> memref<160x128xi32, #tpu.memory_space<hbm>>
      tpu.wait_dma2 semaphore(%run_scoped3A : memref<!tpu.dma_semaphore, #tpu.memory_space<semaphore_mem>>) src(%dma_wait3A_139 : memref<160x128xi32, #tpu.memory_space<hbm>>) dst(%arg8 : memref<160x128xi32, #tpu.memory_space<vmem>>)
      tpu.yield
    }) : () -> ()
    "tpu.region"() ({
      %run_scoped3A = tpu.sem_alloc : memref<!tpu.dma_semaphore, #tpu.memory_space<semaphore_mem>>
      %dma_start3A_124 = arith.constant 0 : i32
      %dma_start3A_125 = arith.constant 0 : i32
      %dma_start3A_126 = tpu.memref_slice %arg4[%arg1, %dma_start3A_124, %dma_start3A_125] : memref<16x160x128xi32, #tpu.memory_space<hbm>> -> memref<1x160x128xi32, #tpu.memory_space<hbm>>
      %dma_start3A_127 = tpu.memref_squeeze %dma_start3A_126 : memref<1x160x128xi32, #tpu.memory_space<hbm>> -> memref<160x128xi32, #tpu.memory_space<hbm>>
      %dma_start3A_128 = arith.constant 0 : i32
      %dma_start3A_129 = arith.constant 0 : i32
      %dma_start3A_130 = tpu.memref_slice %arg4[%arg1, %dma_start3A_128, %dma_start3A_129] : memref<16x160x128xi32, #tpu.memory_space<hbm>> -> memref<1x160x128xi32, #tpu.memory_space<hbm>>
      %dma_start3A_131 = tpu.memref_squeeze %dma_start3A_130 : memref<1x160x128xi32, #tpu.memory_space<hbm>> -> memref<160x128xi32, #tpu.memory_space<hbm>>
      tpu.enqueue_dma source(%dma_start3A_131 : memref<160x128xi32, #tpu.memory_space<hbm>>) target(%arg9 : memref<160x128xi32, #tpu.memory_space<vmem>>) target_semaphore(%run_scoped3A : memref<!tpu.dma_semaphore, #tpu.memory_space<semaphore_mem>>)
      %dma_wait3A_132 = arith.constant 0 : i32
      %dma_wait3A_133 = arith.constant 0 : i32
      %dma_wait3A_134 = tpu.memref_slice %arg4[%arg1, %dma_wait3A_132, %dma_wait3A_133] : memref<16x160x128xi32, #tpu.memory_space<hbm>> -> memref<1x160x128xi32, #tpu.memory_space<hbm>>
      %dma_wait3A_135 = tpu.memref_squeeze %dma_wait3A_134 : memref<1x160x128xi32, #tpu.memory_space<hbm>> -> memref<160x128xi32, #tpu.memory_space<hbm>>
      %dma_wait3A_136 = arith.constant 0 : i32
      %dma_wait3A_137 = arith.constant 0 : i32
      %dma_wait3A_138 = tpu.memref_slice %arg4[%arg1, %dma_wait3A_136, %dma_wait3A_137] : memref<16x160x128xi32, #tpu.memory_space<hbm>> -> memref<1x160x128xi32, #tpu.memory_space<hbm>>
      %dma_wait3A_139 = tpu.memref_squeeze %dma_wait3A_138 : memref<1x160x128xi32, #tpu.memory_space<hbm>> -> memref<160x128xi32, #tpu.memory_space<hbm>>
      tpu.wait_dma2 semaphore(%run_scoped3A : memref<!tpu.dma_semaphore, #tpu.memory_space<semaphore_mem>>) src(%dma_wait3A_139 : memref<160x128xi32, #tpu.memory_space<hbm>>) dst(%arg9 : memref<160x128xi32, #tpu.memory_space<vmem>>)
      tpu.yield
    }) : () -> ()
    "tpu.region"() ({
      %run_scoped3A = tpu.sem_alloc : memref<!tpu.dma_semaphore, #tpu.memory_space<semaphore_mem>>
      tpu.enqueue_dma source(%arg5 : memref<128x16xf32, #tpu.memory_space<hbm>>) target(%arg22 : memref<128x16xf32, #tpu.memory_space<vmem>>) target_semaphore(%run_scoped3A : memref<!tpu.dma_semaphore, #tpu.memory_space<semaphore_mem>>)
      tpu.wait_dma2 semaphore(%run_scoped3A : memref<!tpu.dma_semaphore, #tpu.memory_space<semaphore_mem>>) src(%arg5 : memref<128x16xf32, #tpu.memory_space<hbm>>) dst(%arg22 : memref<128x16xf32, #tpu.memory_space<vmem>>)
      tpu.yield
    }) : () -> ()
    %broadcast_in_dim3A = arith.constant 0.000000e+00 : f32
    %broadcast_in_dim3A_0 = vector.broadcast %broadcast_in_dim3A : f32 to vector<16xf32>
    %scan3A = arith.constant 0 : i32
    %scan3A_1 = arith.constant 0 : i32
    %scan3A_2 = arith.constant 128 : i32
    %scan3A_3 = arith.addi %scan3A_1, %scan3A_2 : i32
    %scan3A_4 = arith.constant 1 : i32
    %scan3A_5 = scf.for %scan3A_124 = %scan3A_1 to %scan3A_3 step %scan3A_4 iter_args(%scan3A_125 = %scan3A) -> (i32)  : i32 {
      %swap3A = arith.index_cast %scan3A_124 : i32 to index
      %swap3A_126 = arith.constant 0 : index
      %swap3A_127 = tpu.vector_load %arg10[%swap3A, %swap3A_126] {strides = array<i32>} : memref<128x64xf32, #tpu.memory_space<vmem>>, vector<1x16xf32>,
      %swap3A_128 = vector.shape_cast %swap3A_127 : vector<1x16xf32> to vector<16xf32>
      %swap3A_129 = vector.shape_cast %broadcast_in_dim3A_0 : vector<16xf32> to vector<1x16xf32>
      tpu.vector_store %arg10[%swap3A, %swap3A_126], %swap3A_129 {strides = array<i32>} : memref<128x64xf32, #tpu.memory_space<vmem>>, vector<1x16xf32>,
      %swap3A_130 = arith.index_cast %scan3A_124 : i32 to index
      %swap3A_131 = arith.constant 16 : index
      %swap3A_132 = tpu.vector_load %arg10[%swap3A_130, %swap3A_131] {strides = array<i32>} : memref<128x64xf32, #tpu.memory_space<vmem>>, vector<1x16xf32>,
      %swap3A_133 = vector.shape_cast %swap3A_132 : vector<1x16xf32> to vector<16xf32>
      %swap3A_134 = vector.shape_cast %broadcast_in_dim3A_0 : vector<16xf32> to vector<1x16xf32>
      tpu.vector_store %arg10[%swap3A_130, %swap3A_131], %swap3A_134 {strides = array<i32>} : memref<128x64xf32, #tpu.memory_space<vmem>>, vector<1x16xf32>,
      %swap3A_135 = arith.index_cast %scan3A_124 : i32 to index
      %swap3A_136 = arith.constant 32 : index
      %swap3A_137 = tpu.vector_load %arg10[%swap3A_135, %swap3A_136] {strides = array<i32>} : memref<128x64xf32, #tpu.memory_space<vmem>>, vector<1x16xf32>,
      %swap3A_138 = vector.shape_cast %swap3A_137 : vector<1x16xf32> to vector<16xf32>
      %swap3A_139 = vector.shape_cast %broadcast_in_dim3A_0 : vector<16xf32> to vector<1x16xf32>
      tpu.vector_store %arg10[%swap3A_135, %swap3A_136], %swap3A_139 {strides = array<i32>} : memref<128x64xf32, #tpu.memory_space<vmem>>, vector<1x16xf32>,
      %swap3A_140 = arith.index_cast %scan3A_124 : i32 to index
      %swap3A_141 = arith.constant 48 : index
      %swap3A_142 = tpu.vector_load %arg10[%swap3A_140, %swap3A_141] {strides = array<i32>} : memref<128x64xf32, #tpu.memory_space<vmem>>, vector<1x16xf32>,
      %swap3A_143 = vector.shape_cast %swap3A_142 : vector<1x16xf32> to vector<16xf32>
      %swap3A_144 = vector.shape_cast %broadcast_in_dim3A_0 : vector<16xf32> to vector<1x16xf32>
      tpu.vector_store %arg10[%swap3A_140, %swap3A_141], %swap3A_144 {strides = array<i32>} : memref<128x64xf32, #tpu.memory_space<vmem>>, vector<1x16xf32>,
      %scan3A_145 = arith.constant 0 : i32
      scf.yield %scan3A_145 : i32
    }
    %scan3A_6 = arith.constant 128 : i32
    %mul3A = arith.constant 640 : i32
    %mul3A_7 = arith.muli %arg1, %mul3A : i32
    %add3A = arith.constant 0 : i32
    %add3A_8 = arith.addi %mul3A_7, %add3A : i32
    "tpu.region"() ({
      %run_scoped3A = tpu.sem_alloc : memref<!tpu.dma_semaphore, #tpu.memory_space<semaphore_mem>>
      %dma_start3A_124 = arith.constant 0 : i32
      %dma_start3A_125 = tpu.memref_slice %arg23[%add3A_8, %dma_start3A_124] : memref<10240x64xf32, #tpu.memory_space<vmem_shared>> -> memref<128x64xf32, #tpu.memory_space<vmem_shared>>
      %dma_start3A_126 = arith.constant 0 : i32
      %dma_start3A_127 = tpu.memref_slice %arg23[%add3A_8, %dma_start3A_126] : memref<10240x64xf32, #tpu.memory_space<vmem_shared>> -> memref<128x64xf32, #tpu.memory_space<vmem_shared>>
      tpu.enqueue_dma source(%arg10 : memref<128x64xf32, #tpu.memory_space<vmem>>) target(%dma_start3A_127 : memref<128x64xf32, #tpu.memory_space<vmem_shared>>) target_semaphore(%run_scoped3A : memref<!tpu.dma_semaphore, #tpu.memory_space<semaphore_mem>>)
      %dma_wait3A_128 = arith.constant 0 : i32
      %dma_wait3A_129 = tpu.memref_slice %arg23[%add3A_8, %dma_wait3A_128] : memref<10240x64xf32, #tpu.memory_space<vmem_shared>> -> memref<128x64xf32, #tpu.memory_space<vmem_shared>>
      %dma_wait3A_130 = arith.constant 0 : i32
      %dma_wait3A_131 = tpu.memref_slice %arg23[%add3A_8, %dma_wait3A_130] : memref<10240x64xf32, #tpu.memory_space<vmem_shared>> -> memref<128x64xf32, #tpu.memory_space<vmem_shared>>
      tpu.wait_dma2 semaphore(%run_scoped3A : memref<!tpu.dma_semaphore, #tpu.memory_space<semaphore_mem>>) src(%arg10 : memref<128x64xf32, #tpu.memory_space<vmem>>) dst(%dma_wait3A_131 : memref<128x64xf32, #tpu.memory_space<vmem_shared>>)
      tpu.yield
    }) : () -> ()
    %mul3A_9 = arith.constant 640 : i32
    %mul3A_10 = arith.muli %arg1, %mul3A_9 : i32
    %add3A_11 = arith.constant 128 : i32
    %add3A_12 = arith.addi %mul3A_10, %add3A_11 : i32
    "tpu.region"() ({
      %run_scoped3A = tpu.sem_alloc : memref<!tpu.dma_semaphore, #tpu.memory_space<semaphore_mem>>
      %dma_start3A_124 = arith.constant 0 : i32
      %dma_start3A_125 = tpu.memref_slice %arg23[%add3A_12, %dma_start3A_124] : memref<10240x64xf32, #tpu.memory_space<vmem_shared>> -> memref<128x64xf32, #tpu.memory_space<vmem_shared>>
      %dma_start3A_126 = arith.constant 0 : i32
      %dma_start3A_127 = tpu.memref_slice %arg23[%add3A_12, %dma_start3A_126] : memref<10240x64xf32, #tpu.memory_space<vmem_shared>> -> memref<128x64xf32, #tpu.memory_space<vmem_shared>>
      tpu.enqueue_dma source(%arg10 : memref<128x64xf32, #tpu.memory_space<vmem>>) target(%dma_start3A_127 : memref<128x64xf32, #tpu.memory_space<vmem_shared>>) target_semaphore(%run_scoped3A : memref<!tpu.dma_semaphore, #tpu.memory_space<semaphore_mem>>)
      %dma_wait3A_128 = arith.constant 0 : i32
      %dma_wait3A_129 = tpu.memref_slice %arg23[%add3A_12, %dma_wait3A_128] : memref<10240x64xf32, #tpu.memory_space<vmem_shared>> -> memref<128x64xf32, #tpu.memory_space<vmem_shared>>
      %dma_wait3A_130 = arith.constant 0 : i32
      %dma_wait3A_131 = tpu.memref_slice %arg23[%add3A_12, %dma_wait3A_130] : memref<10240x64xf32, #tpu.memory_space<vmem_shared>> -> memref<128x64xf32, #tpu.memory_space<vmem_shared>>
      tpu.wait_dma2 semaphore(%run_scoped3A : memref<!tpu.dma_semaphore, #tpu.memory_space<semaphore_mem>>) src(%arg10 : memref<128x64xf32, #tpu.memory_space<vmem>>) dst(%dma_wait3A_131 : memref<128x64xf32, #tpu.memory_space<vmem_shared>>)
      tpu.yield
    }) : () -> ()
    %mul3A_13 = arith.constant 640 : i32
    %mul3A_14 = arith.muli %arg1, %mul3A_13 : i32
    %add3A_15 = arith.constant 256 : i32
    %add3A_16 = arith.addi %mul3A_14, %add3A_15 : i32
    "tpu.region"() ({
      %run_scoped3A = tpu.sem_alloc : memref<!tpu.dma_semaphore, #tpu.memory_space<semaphore_mem>>
      %dma_start3A_124 = arith.constant 0 : i32
      %dma_start3A_125 = tpu.memref_slice %arg23[%add3A_16, %dma_start3A_124] : memref<10240x64xf32, #tpu.memory_space<vmem_shared>> -> memref<128x64xf32, #tpu.memory_space<vmem_shared>>
      %dma_start3A_126 = arith.constant 0 : i32
      %dma_start3A_127 = tpu.memref_slice %arg23[%add3A_16, %dma_start3A_126] : memref<10240x64xf32, #tpu.memory_space<vmem_shared>> -> memref<128x64xf32, #tpu.memory_space<vmem_shared>>
      tpu.enqueue_dma source(%arg10 : memref<128x64xf32, #tpu.memory_space<vmem>>) target(%dma_start3A_127 : memref<128x64xf32, #tpu.memory_space<vmem_shared>>) target_semaphore(%run_scoped3A : memref<!tpu.dma_semaphore, #tpu.memory_space<semaphore_mem>>)
      %dma_wait3A_128 = arith.constant 0 : i32
      %dma_wait3A_129 = tpu.memref_slice %arg23[%add3A_16, %dma_wait3A_128] : memref<10240x64xf32, #tpu.memory_space<vmem_shared>> -> memref<128x64xf32, #tpu.memory_space<vmem_shared>>
      %dma_wait3A_130 = arith.constant 0 : i32
      %dma_wait3A_131 = tpu.memref_slice %arg23[%add3A_16, %dma_wait3A_130] : memref<10240x64xf32, #tpu.memory_space<vmem_shared>> -> memref<128x64xf32, #tpu.memory_space<vmem_shared>>
      tpu.wait_dma2 semaphore(%run_scoped3A : memref<!tpu.dma_semaphore, #tpu.memory_space<semaphore_mem>>) src(%arg10 : memref<128x64xf32, #tpu.memory_space<vmem>>) dst(%dma_wait3A_131 : memref<128x64xf32, #tpu.memory_space<vmem_shared>>)
      tpu.yield
    }) : () -> ()
    %mul3A_17 = arith.constant 640 : i32
    %mul3A_18 = arith.muli %arg1, %mul3A_17 : i32
    %add3A_19 = arith.constant 384 : i32
    %add3A_20 = arith.addi %mul3A_18, %add3A_19 : i32
    "tpu.region"() ({
      %run_scoped3A = tpu.sem_alloc : memref<!tpu.dma_semaphore, #tpu.memory_space<semaphore_mem>>
      %dma_start3A_124 = arith.constant 0 : i32
      %dma_start3A_125 = tpu.memref_slice %arg23[%add3A_20, %dma_start3A_124] : memref<10240x64xf32, #tpu.memory_space<vmem_shared>> -> memref<128x64xf32, #tpu.memory_space<vmem_shared>>
      %dma_start3A_126 = arith.constant 0 : i32
      %dma_start3A_127 = tpu.memref_slice %arg23[%add3A_20, %dma_start3A_126] : memref<10240x64xf32, #tpu.memory_space<vmem_shared>> -> memref<128x64xf32, #tpu.memory_space<vmem_shared>>
      tpu.enqueue_dma source(%arg10 : memref<128x64xf32, #tpu.memory_space<vmem>>) target(%dma_start3A_127 : memref<128x64xf32, #tpu.memory_space<vmem_shared>>) target_semaphore(%run_scoped3A : memref<!tpu.dma_semaphore, #tpu.memory_space<semaphore_mem>>)
      %dma_wait3A_128 = arith.constant 0 : i32
      %dma_wait3A_129 = tpu.memref_slice %arg23[%add3A_20, %dma_wait3A_128] : memref<10240x64xf32, #tpu.memory_space<vmem_shared>> -> memref<128x64xf32, #tpu.memory_space<vmem_shared>>
      %dma_wait3A_130 = arith.constant 0 : i32
      %dma_wait3A_131 = tpu.memref_slice %arg23[%add3A_20, %dma_wait3A_130] : memref<10240x64xf32, #tpu.memory_space<vmem_shared>> -> memref<128x64xf32, #tpu.memory_space<vmem_shared>>
      tpu.wait_dma2 semaphore(%run_scoped3A : memref<!tpu.dma_semaphore, #tpu.memory_space<semaphore_mem>>) src(%arg10 : memref<128x64xf32, #tpu.memory_space<vmem>>) dst(%dma_wait3A_131 : memref<128x64xf32, #tpu.memory_space<vmem_shared>>)
      tpu.yield
    }) : () -> ()
    %mul3A_21 = arith.constant 640 : i32
    %mul3A_22 = arith.muli %arg1, %mul3A_21 : i32
    %add3A_23 = arith.constant 512 : i32
    %add3A_24 = arith.addi %mul3A_22, %add3A_23 : i32
    "tpu.region"() ({
      %run_scoped3A = tpu.sem_alloc : memref<!tpu.dma_semaphore, #tpu.memory_space<semaphore_mem>>
      %dma_start3A_124 = arith.constant 0 : i32
      %dma_start3A_125 = tpu.memref_slice %arg23[%add3A_24, %dma_start3A_124] : memref<10240x64xf32, #tpu.memory_space<vmem_shared>> -> memref<128x64xf32, #tpu.memory_space<vmem_shared>>
      %dma_start3A_126 = arith.constant 0 : i32
      %dma_start3A_127 = tpu.memref_slice %arg23[%add3A_24, %dma_start3A_126] : memref<10240x64xf32, #tpu.memory_space<vmem_shared>> -> memref<128x64xf32, #tpu.memory_space<vmem_shared>>
      tpu.enqueue_dma source(%arg10 : memref<128x64xf32, #tpu.memory_space<vmem>>) target(%dma_start3A_127 : memref<128x64xf32, #tpu.memory_space<vmem_shared>>) target_semaphore(%run_scoped3A : memref<!tpu.dma_semaphore, #tpu.memory_space<semaphore_mem>>)
      %dma_wait3A_128 = arith.constant 0 : i32
      %dma_wait3A_129 = tpu.memref_slice %arg23[%add3A_24, %dma_wait3A_128] : memref<10240x64xf32, #tpu.memory_space<vmem_shared>> -> memref<128x64xf32, #tpu.memory_space<vmem_shared>>
      %dma_wait3A_130 = arith.constant 0 : i32
      %dma_wait3A_131 = tpu.memref_slice %arg23[%add3A_24, %dma_wait3A_130] : memref<10240x64xf32, #tpu.memory_space<vmem_shared>> -> memref<128x64xf32, #tpu.memory_space<vmem_shared>>
      tpu.wait_dma2 semaphore(%run_scoped3A : memref<!tpu.dma_semaphore, #tpu.memory_space<semaphore_mem>>) src(%arg10 : memref<128x64xf32, #tpu.memory_space<vmem>>) dst(%dma_wait3A_131 : memref<128x64xf32, #tpu.memory_space<vmem_shared>>)
      tpu.yield
    }) : () -> ()
    %mul3A_25 = arith.constant 640 : i32
    %mul3A_26 = arith.muli %arg1, %mul3A_25 : i32
    %add3A_27 = arith.constant 0 : i32
    %add3A_28 = arith.addi %mul3A_26, %add3A_27 : i32
    "tpu.region"() ({
      %run_scoped3A = tpu.sem_alloc : memref<!tpu.dma_semaphore, #tpu.memory_space<semaphore_mem>>
      %dma_start3A_124 = arith.constant 0 : i32
      %dma_start3A_125 = arith.constant 0 : i32
      %dma_start3A_126 = tpu.memref_slice %arg10[%dma_start3A_124, %dma_start3A_125] : memref<128x64xf32, #tpu.memory_space<vmem>> -> memref<128x16xf32, #tpu.memory_space<vmem>>
      %dma_start3A_127 = arith.constant 0 : i32
      %dma_start3A_128 = tpu.memref_slice %arg24[%add3A_28, %dma_start3A_127] : memref<10240x16xf32, #tpu.memory_space<vmem_shared>> -> memref<128x16xf32, #tpu.memory_space<vmem_shared>>
      %dma_start3A_129 = arith.constant 0 : i32
      %dma_start3A_130 = tpu.memref_slice %arg24[%add3A_28, %dma_start3A_129] : memref<10240x16xf32, #tpu.memory_space<vmem_shared>> -> memref<128x16xf32, #tpu.memory_space<vmem_shared>>
      %dma_start3A_131 = arith.constant 0 : i32
      %dma_start3A_132 = arith.constant 0 : i32
      %dma_start3A_133 = tpu.memref_slice %arg10[%dma_start3A_131, %dma_start3A_132] : memref<128x64xf32, #tpu.memory_space<vmem>> -> memref<128x16xf32, #tpu.memory_space<vmem>>
      tpu.enqueue_dma source(%dma_start3A_133 : memref<128x16xf32, #tpu.memory_space<vmem>>) target(%dma_start3A_130 : memref<128x16xf32, #tpu.memory_space<vmem_shared>>) target_semaphore(%run_scoped3A : memref<!tpu.dma_semaphore, #tpu.memory_space<semaphore_mem>>)
      %dma_wait3A_134 = arith.constant 0 : i32
      %dma_wait3A_135 = arith.constant 0 : i32
      %dma_wait3A_136 = tpu.memref_slice %arg10[%dma_wait3A_134, %dma_wait3A_135] : memref<128x64xf32, #tpu.memory_space<vmem>> -> memref<128x16xf32, #tpu.memory_space<vmem>>
      %dma_wait3A_137 = arith.constant 0 : i32
      %dma_wait3A_138 = tpu.memref_slice %arg24[%add3A_28, %dma_wait3A_137] : memref<10240x16xf32, #tpu.memory_space<vmem_shared>> -> memref<128x16xf32, #tpu.memory_space<vmem_shared>>
      %dma_wait3A_139 = arith.constant 0 : i32
      %dma_wait3A_140 = tpu.memref_slice %arg24[%add3A_28, %dma_wait3A_139] : memref<10240x16xf32, #tpu.memory_space<vmem_shared>> -> memref<128x16xf32, #tpu.memory_space<vmem_shared>>
      %dma_wait3A_141 = arith.constant 0 : i32
      %dma_wait3A_142 = arith.constant 0 : i32
      %dma_wait3A_143 = tpu.memref_slice %arg10[%dma_wait3A_141, %dma_wait3A_142] : memref<128x64xf32, #tpu.memory_space<vmem>> -> memref<128x16xf32, #tpu.memory_space<vmem>>
      tpu.wait_dma2 semaphore(%run_scoped3A : memref<!tpu.dma_semaphore, #tpu.memory_space<semaphore_mem>>) src(%dma_wait3A_143 : memref<128x16xf32, #tpu.memory_space<vmem>>) dst(%dma_wait3A_140 : memref<128x16xf32, #tpu.memory_space<vmem_shared>>)
      tpu.yield
    }) : () -> ()
    %mul3A_29 = arith.constant 640 : i32
    %mul3A_30 = arith.muli %arg1, %mul3A_29 : i32
    %add3A_31 = arith.constant 128 : i32
    %add3A_32 = arith.addi %mul3A_30, %add3A_31 : i32
    "tpu.region"() ({
      %run_scoped3A = tpu.sem_alloc : memref<!tpu.dma_semaphore, #tpu.memory_space<semaphore_mem>>
      %dma_start3A_124 = arith.constant 0 : i32
      %dma_start3A_125 = arith.constant 0 : i32
      %dma_start3A_126 = tpu.memref_slice %arg10[%dma_start3A_124, %dma_start3A_125] : memref<128x64xf32, #tpu.memory_space<vmem>> -> memref<128x16xf32, #tpu.memory_space<vmem>>
      %dma_start3A_127 = arith.constant 0 : i32
      %dma_start3A_128 = tpu.memref_slice %arg24[%add3A_32, %dma_start3A_127] : memref<10240x16xf32, #tpu.memory_space<vmem_shared>> -> memref<128x16xf32, #tpu.memory_space<vmem_shared>>
      %dma_start3A_129 = arith.constant 0 : i32
      %dma_start3A_130 = tpu.memref_slice %arg24[%add3A_32, %dma_start3A_129] : memref<10240x16xf32, #tpu.memory_space<vmem_shared>> -> memref<128x16xf32, #tpu.memory_space<vmem_shared>>
      %dma_start3A_131 = arith.constant 0 : i32
      %dma_start3A_132 = arith.constant 0 : i32
      %dma_start3A_133 = tpu.memref_slice %arg10[%dma_start3A_131, %dma_start3A_132] : memref<128x64xf32, #tpu.memory_space<vmem>> -> memref<128x16xf32, #tpu.memory_space<vmem>>
      tpu.enqueue_dma source(%dma_start3A_133 : memref<128x16xf32, #tpu.memory_space<vmem>>) target(%dma_start3A_130 : memref<128x16xf32, #tpu.memory_space<vmem_shared>>) target_semaphore(%run_scoped3A : memref<!tpu.dma_semaphore, #tpu.memory_space<semaphore_mem>>)
      %dma_wait3A_134 = arith.constant 0 : i32
      %dma_wait3A_135 = arith.constant 0 : i32
      %dma_wait3A_136 = tpu.memref_slice %arg10[%dma_wait3A_134, %dma_wait3A_135] : memref<128x64xf32, #tpu.memory_space<vmem>> -> memref<128x16xf32, #tpu.memory_space<vmem>>
      %dma_wait3A_137 = arith.constant 0 : i32
      %dma_wait3A_138 = tpu.memref_slice %arg24[%add3A_32, %dma_wait3A_137] : memref<10240x16xf32, #tpu.memory_space<vmem_shared>> -> memref<128x16xf32, #tpu.memory_space<vmem_shared>>
      %dma_wait3A_139 = arith.constant 0 : i32
      %dma_wait3A_140 = tpu.memref_slice %arg24[%add3A_32, %dma_wait3A_139] : memref<10240x16xf32, #tpu.memory_space<vmem_shared>> -> memref<128x16xf32, #tpu.memory_space<vmem_shared>>
      %dma_wait3A_141 = arith.constant 0 : i32
      %dma_wait3A_142 = arith.constant 0 : i32
      %dma_wait3A_143 = tpu.memref_slice %arg10[%dma_wait3A_141, %dma_wait3A_142] : memref<128x64xf32, #tpu.memory_space<vmem>> -> memref<128x16xf32, #tpu.memory_space<vmem>>
      tpu.wait_dma2 semaphore(%run_scoped3A : memref<!tpu.dma_semaphore, #tpu.memory_space<semaphore_mem>>) src(%dma_wait3A_143 : memref<128x16xf32, #tpu.memory_space<vmem>>) dst(%dma_wait3A_140 : memref<128x16xf32, #tpu.memory_space<vmem_shared>>)
      tpu.yield
    }) : () -> ()
    %mul3A_33 = arith.constant 640 : i32
    %mul3A_34 = arith.muli %arg1, %mul3A_33 : i32
    %add3A_35 = arith.constant 256 : i32
    %add3A_36 = arith.addi %mul3A_34, %add3A_35 : i32
    "tpu.region"() ({
      %run_scoped3A = tpu.sem_alloc : memref<!tpu.dma_semaphore, #tpu.memory_space<semaphore_mem>>
      %dma_start3A_124 = arith.constant 0 : i32
      %dma_start3A_125 = arith.constant 0 : i32
      %dma_start3A_126 = tpu.memref_slice %arg10[%dma_start3A_124, %dma_start3A_125] : memref<128x64xf32, #tpu.memory_space<vmem>> -> memref<128x16xf32, #tpu.memory_space<vmem>>
      %dma_start3A_127 = arith.constant 0 : i32
      %dma_start3A_128 = tpu.memref_slice %arg24[%add3A_36, %dma_start3A_127] : memref<10240x16xf32, #tpu.memory_space<vmem_shared>> -> memref<128x16xf32, #tpu.memory_space<vmem_shared>>
      %dma_start3A_129 = arith.constant 0 : i32
      %dma_start3A_130 = tpu.memref_slice %arg24[%add3A_36, %dma_start3A_129] : memref<10240x16xf32, #tpu.memory_space<vmem_shared>> -> memref<128x16xf32, #tpu.memory_space<vmem_shared>>
      %dma_start3A_131 = arith.constant 0 : i32
      %dma_start3A_132 = arith.constant 0 : i32
      %dma_start3A_133 = tpu.memref_slice %arg10[%dma_start3A_131, %dma_start3A_132] : memref<128x64xf32, #tpu.memory_space<vmem>> -> memref<128x16xf32, #tpu.memory_space<vmem>>
      tpu.enqueue_dma source(%dma_start3A_133 : memref<128x16xf32, #tpu.memory_space<vmem>>) target(%dma_start3A_130 : memref<128x16xf32, #tpu.memory_space<vmem_shared>>) target_semaphore(%run_scoped3A : memref<!tpu.dma_semaphore, #tpu.memory_space<semaphore_mem>>)
      %dma_wait3A_134 = arith.constant 0 : i32
      %dma_wait3A_135 = arith.constant 0 : i32
      %dma_wait3A_136 = tpu.memref_slice %arg10[%dma_wait3A_134, %dma_wait3A_135] : memref<128x64xf32, #tpu.memory_space<vmem>> -> memref<128x16xf32, #tpu.memory_space<vmem>>
      %dma_wait3A_137 = arith.constant 0 : i32
      %dma_wait3A_138 = tpu.memref_slice %arg24[%add3A_36, %dma_wait3A_137] : memref<10240x16xf32, #tpu.memory_space<vmem_shared>> -> memref<128x16xf32, #tpu.memory_space<vmem_shared>>
      %dma_wait3A_139 = arith.constant 0 : i32
      %dma_wait3A_140 = tpu.memref_slice %arg24[%add3A_36, %dma_wait3A_139] : memref<10240x16xf32, #tpu.memory_space<vmem_shared>> -> memref<128x16xf32, #tpu.memory_space<vmem_shared>>
      %dma_wait3A_141 = arith.constant 0 : i32
      %dma_wait3A_142 = arith.constant 0 : i32
      %dma_wait3A_143 = tpu.memref_slice %arg10[%dma_wait3A_141, %dma_wait3A_142] : memref<128x64xf32, #tpu.memory_space<vmem>> -> memref<128x16xf32, #tpu.memory_space<vmem>>
      tpu.wait_dma2 semaphore(%run_scoped3A : memref<!tpu.dma_semaphore, #tpu.memory_space<semaphore_mem>>) src(%dma_wait3A_143 : memref<128x16xf32, #tpu.memory_space<vmem>>) dst(%dma_wait3A_140 : memref<128x16xf32, #tpu.memory_space<vmem_shared>>)
      tpu.yield
    }) : () -> ()
    %mul3A_37 = arith.constant 640 : i32
    %mul3A_38 = arith.muli %arg1, %mul3A_37 : i32
    %add3A_39 = arith.constant 384 : i32
    %add3A_40 = arith.addi %mul3A_38, %add3A_39 : i32
    "tpu.region"() ({
      %run_scoped3A = tpu.sem_alloc : memref<!tpu.dma_semaphore, #tpu.memory_space<semaphore_mem>>
      %dma_start3A_124 = arith.constant 0 : i32
      %dma_start3A_125 = arith.constant 0 : i32
      %dma_start3A_126 = tpu.memref_slice %arg10[%dma_start3A_124, %dma_start3A_125] : memref<128x64xf32, #tpu.memory_space<vmem>> -> memref<128x16xf32, #tpu.memory_space<vmem>>
      %dma_start3A_127 = arith.constant 0 : i32
      %dma_start3A_128 = tpu.memref_slice %arg24[%add3A_40, %dma_start3A_127] : memref<10240x16xf32, #tpu.memory_space<vmem_shared>> -> memref<128x16xf32, #tpu.memory_space<vmem_shared>>
      %dma_start3A_129 = arith.constant 0 : i32
      %dma_start3A_130 = tpu.memref_slice %arg24[%add3A_40, %dma_start3A_129] : memref<10240x16xf32, #tpu.memory_space<vmem_shared>> -> memref<128x16xf32, #tpu.memory_space<vmem_shared>>
      %dma_start3A_131 = arith.constant 0 : i32
      %dma_start3A_132 = arith.constant 0 : i32
      %dma_start3A_133 = tpu.memref_slice %arg10[%dma_start3A_131, %dma_start3A_132] : memref<128x64xf32, #tpu.memory_space<vmem>> -> memref<128x16xf32, #tpu.memory_space<vmem>>
      tpu.enqueue_dma source(%dma_start3A_133 : memref<128x16xf32, #tpu.memory_space<vmem>>) target(%dma_start3A_130 : memref<128x16xf32, #tpu.memory_space<vmem_shared>>) target_semaphore(%run_scoped3A : memref<!tpu.dma_semaphore, #tpu.memory_space<semaphore_mem>>)
      %dma_wait3A_134 = arith.constant 0 : i32
      %dma_wait3A_135 = arith.constant 0 : i32
      %dma_wait3A_136 = tpu.memref_slice %arg10[%dma_wait3A_134, %dma_wait3A_135] : memref<128x64xf32, #tpu.memory_space<vmem>> -> memref<128x16xf32, #tpu.memory_space<vmem>>
      %dma_wait3A_137 = arith.constant 0 : i32
      %dma_wait3A_138 = tpu.memref_slice %arg24[%add3A_40, %dma_wait3A_137] : memref<10240x16xf32, #tpu.memory_space<vmem_shared>> -> memref<128x16xf32, #tpu.memory_space<vmem_shared>>
      %dma_wait3A_139 = arith.constant 0 : i32
      %dma_wait3A_140 = tpu.memref_slice %arg24[%add3A_40, %dma_wait3A_139] : memref<10240x16xf32, #tpu.memory_space<vmem_shared>> -> memref<128x16xf32, #tpu.memory_space<vmem_shared>>
      %dma_wait3A_141 = arith.constant 0 : i32
      %dma_wait3A_142 = arith.constant 0 : i32
      %dma_wait3A_143 = tpu.memref_slice %arg10[%dma_wait3A_141, %dma_wait3A_142] : memref<128x64xf32, #tpu.memory_space<vmem>> -> memref<128x16xf32, #tpu.memory_space<vmem>>
      tpu.wait_dma2 semaphore(%run_scoped3A : memref<!tpu.dma_semaphore, #tpu.memory_space<semaphore_mem>>) src(%dma_wait3A_143 : memref<128x16xf32, #tpu.memory_space<vmem>>) dst(%dma_wait3A_140 : memref<128x16xf32, #tpu.memory_space<vmem_shared>>)
      tpu.yield
    }) : () -> ()
    %mul3A_41 = arith.constant 640 : i32
    %mul3A_42 = arith.muli %arg1, %mul3A_41 : i32
    %add3A_43 = arith.constant 512 : i32
    %add3A_44 = arith.addi %mul3A_42, %add3A_43 : i32
    "tpu.region"() ({
      %run_scoped3A = tpu.sem_alloc : memref<!tpu.dma_semaphore, #tpu.memory_space<semaphore_mem>>
      %dma_start3A_124 = arith.constant 0 : i32
      %dma_start3A_125 = arith.constant 0 : i32
      %dma_start3A_126 = tpu.memref_slice %arg10[%dma_start3A_124, %dma_start3A_125] : memref<128x64xf32, #tpu.memory_space<vmem>> -> memref<128x16xf32, #tpu.memory_space<vmem>>
      %dma_start3A_127 = arith.constant 0 : i32
      %dma_start3A_128 = tpu.memref_slice %arg24[%add3A_44, %dma_start3A_127] : memref<10240x16xf32, #tpu.memory_space<vmem_shared>> -> memref<128x16xf32, #tpu.memory_space<vmem_shared>>
      %dma_start3A_129 = arith.constant 0 : i32
      %dma_start3A_130 = tpu.memref_slice %arg24[%add3A_44, %dma_start3A_129] : memref<10240x16xf32, #tpu.memory_space<vmem_shared>> -> memref<128x16xf32, #tpu.memory_space<vmem_shared>>
      %dma_start3A_131 = arith.constant 0 : i32
      %dma_start3A_132 = arith.constant 0 : i32
      %dma_start3A_133 = tpu.memref_slice %arg10[%dma_start3A_131, %dma_start3A_132] : memref<128x64xf32, #tpu.memory_space<vmem>> -> memref<128x16xf32, #tpu.memory_space<vmem>>
      tpu.enqueue_dma source(%dma_start3A_133 : memref<128x16xf32, #tpu.memory_space<vmem>>) target(%dma_start3A_130 : memref<128x16xf32, #tpu.memory_space<vmem_shared>>) target_semaphore(%run_scoped3A : memref<!tpu.dma_semaphore, #tpu.memory_space<semaphore_mem>>)
      %dma_wait3A_134 = arith.constant 0 : i32
      %dma_wait3A_135 = arith.constant 0 : i32
      %dma_wait3A_136 = tpu.memref_slice %arg10[%dma_wait3A_134, %dma_wait3A_135] : memref<128x64xf32, #tpu.memory_space<vmem>> -> memref<128x16xf32, #tpu.memory_space<vmem>>
      %dma_wait3A_137 = arith.constant 0 : i32
      %dma_wait3A_138 = tpu.memref_slice %arg24[%add3A_44, %dma_wait3A_137] : memref<10240x16xf32, #tpu.memory_space<vmem_shared>> -> memref<128x16xf32, #tpu.memory_space<vmem_shared>>
      %dma_wait3A_139 = arith.constant 0 : i32
      %dma_wait3A_140 = tpu.memref_slice %arg24[%add3A_44, %dma_wait3A_139] : memref<10240x16xf32, #tpu.memory_space<vmem_shared>> -> memref<128x16xf32, #tpu.memory_space<vmem_shared>>
      %dma_wait3A_141 = arith.constant 0 : i32
      %dma_wait3A_142 = arith.constant 0 : i32
      %dma_wait3A_143 = tpu.memref_slice %arg10[%dma_wait3A_141, %dma_wait3A_142] : memref<128x64xf32, #tpu.memory_space<vmem>> -> memref<128x16xf32, #tpu.memory_space<vmem>>
      tpu.wait_dma2 semaphore(%run_scoped3A : memref<!tpu.dma_semaphore, #tpu.memory_space<semaphore_mem>>) src(%dma_wait3A_143 : memref<128x16xf32, #tpu.memory_space<vmem>>) dst(%dma_wait3A_140 : memref<128x16xf32, #tpu.memory_space<vmem_shared>>)
      tpu.yield
    }) : () -> ()
    %barrier3A = arith.constant 0 : index
    tpu.barrier barrier_id(%barrier3A)
    %dma_start3A = arith.constant 0 : i32
    %dma_start3A_45 = arith.constant 0 : i32
    %dma_start3A_46 = tpu.memref_slice %arg8[%dma_start3A, %dma_start3A_45] : memref<160x128xi32, #tpu.memory_space<vmem>> -> memref<1x128xi32, #tpu.memory_space<vmem>>
    %dma_start3A_47 = tpu.memref_squeeze %dma_start3A_46 : memref<1x128xi32, #tpu.memory_space<vmem>> -> memref<128xi32, #tpu.memory_space<vmem>>
    %dma_start3A_48 = arith.constant 0 : i32
    %dma_start3A_49 = tpu.memref_slice %arg2[%arg0, %dma_start3A_48] : memref<20000x64xf32, #tpu.memory_space<hbm>> -> memref<19999x64xf32, #tpu.memory_space<hbm>>
    %dma_start3A_50 = arith.constant 0 : i32
    %dma_start3A_51 = arith.constant 0 : i32
    %dma_start3A_52 = tpu.memref_slice %dma_start3A_49[%dma_start3A_50, %dma_start3A_51] : memref<19999x64xf32, #tpu.memory_space<hbm>> -> memref<19999x64xf32, #tpu.memory_space<hbm>>
    tpu.enqueue_indirect_dma source(%dma_start3A_52 : memref<19999x64xf32, #tpu.memory_space<hbm>>) target(%arg10 : memref<128x64xf32, #tpu.memory_space<vmem>>) offsets(%dma_start3A_47 : memref<128xi32, #tpu.memory_space<vmem>>) semaphore(%arg14 : memref<!tpu.dma_semaphore, #tpu.memory_space<semaphore_mem>>)
    %dma_start3A_53 = arith.constant 1 : i32
    %dma_start3A_54 = arith.constant 0 : i32
    %dma_start3A_55 = tpu.memref_slice %arg8[%dma_start3A_53, %dma_start3A_54] : memref<160x128xi32, #tpu.memory_space<vmem>> -> memref<1x128xi32, #tpu.memory_space<vmem>>
    %dma_start3A_56 = tpu.memref_squeeze %dma_start3A_55 : memref<1x128xi32, #tpu.memory_space<vmem>> -> memref<128xi32, #tpu.memory_space<vmem>>
    %dma_start3A_57 = arith.constant 0 : i32
    %dma_start3A_58 = tpu.memref_slice %arg2[%arg0, %dma_start3A_57] : memref<20000x64xf32, #tpu.memory_space<hbm>> -> memref<19999x64xf32, #tpu.memory_space<hbm>>
    %dma_start3A_59 = arith.constant 0 : i32
    %dma_start3A_60 = arith.constant 0 : i32
    %dma_start3A_61 = tpu.memref_slice %dma_start3A_58[%dma_start3A_59, %dma_start3A_60] : memref<19999x64xf32, #tpu.memory_space<hbm>> -> memref<19999x64xf32, #tpu.memory_space<hbm>>
    tpu.enqueue_indirect_dma source(%dma_start3A_61 : memref<19999x64xf32, #tpu.memory_space<hbm>>) target(%arg11 : memref<128x64xf32, #tpu.memory_space<vmem>>) offsets(%dma_start3A_56 : memref<128xi32, #tpu.memory_space<vmem>>) semaphore(%arg15 : memref<!tpu.dma_semaphore, #tpu.memory_space<semaphore_mem>>)
    %dma_start3A_62 = arith.constant 2 : i32
    %dma_start3A_63 = arith.constant 0 : i32
    %dma_start3A_64 = tpu.memref_slice %arg8[%dma_start3A_62, %dma_start3A_63] : memref<160x128xi32, #tpu.memory_space<vmem>> -> memref<1x128xi32, #tpu.memory_space<vmem>>
    %dma_start3A_65 = tpu.memref_squeeze %dma_start3A_64 : memref<1x128xi32, #tpu.memory_space<vmem>> -> memref<128xi32, #tpu.memory_space<vmem>>
    %dma_start3A_66 = arith.constant 0 : i32
    %dma_start3A_67 = tpu.memref_slice %arg2[%arg0, %dma_start3A_66] : memref<20000x64xf32, #tpu.memory_space<hbm>> -> memref<19999x64xf32, #tpu.memory_space<hbm>>
    %dma_start3A_68 = arith.constant 0 : i32
    %dma_start3A_69 = arith.constant 0 : i32
    %dma_start3A_70 = tpu.memref_slice %dma_start3A_67[%dma_start3A_68, %dma_start3A_69] : memref<19999x64xf32, #tpu.memory_space<hbm>> -> memref<19999x64xf32, #tpu.memory_space<hbm>>
    tpu.enqueue_indirect_dma source(%dma_start3A_70 : memref<19999x64xf32, #tpu.memory_space<hbm>>) target(%arg12 : memref<128x64xf32, #tpu.memory_space<vmem>>) offsets(%dma_start3A_65 : memref<128xi32, #tpu.memory_space<vmem>>) semaphore(%arg16 : memref<!tpu.dma_semaphore, #tpu.memory_space<semaphore_mem>>)
    %dma_start3A_71 = arith.constant 3 : i32
    %dma_start3A_72 = arith.constant 0 : i32
    %dma_start3A_73 = tpu.memref_slice %arg8[%dma_start3A_71, %dma_start3A_72] : memref<160x128xi32, #tpu.memory_space<vmem>> -> memref<1x128xi32, #tpu.memory_space<vmem>>
    %dma_start3A_74 = tpu.memref_squeeze %dma_start3A_73 : memref<1x128xi32, #tpu.memory_space<vmem>> -> memref<128xi32, #tpu.memory_space<vmem>>
    %dma_start3A_75 = arith.constant 0 : i32
    %dma_start3A_76 = tpu.memref_slice %arg2[%arg0, %dma_start3A_75] : memref<20000x64xf32, #tpu.memory_space<hbm>> -> memref<19999x64xf32, #tpu.memory_space<hbm>>
    %dma_start3A_77 = arith.constant 0 : i32
    %dma_start3A_78 = arith.constant 0 : i32
    %dma_start3A_79 = tpu.memref_slice %dma_start3A_76[%dma_start3A_77, %dma_start3A_78] : memref<19999x64xf32, #tpu.memory_space<hbm>> -> memref<19999x64xf32, #tpu.memory_space<hbm>>
    tpu.enqueue_indirect_dma source(%dma_start3A_79 : memref<19999x64xf32, #tpu.memory_space<hbm>>) target(%arg13 : memref<128x64xf32, #tpu.memory_space<vmem>>) offsets(%dma_start3A_74 : memref<128xi32, #tpu.memory_space<vmem>>) semaphore(%arg17 : memref<!tpu.dma_semaphore, #tpu.memory_space<semaphore_mem>>)
    %scan3A_80 = arith.constant 0 : i32
    %scan3A_81 = arith.constant 0 : i32
    %scan3A_82 = arith.constant 40 : i32
    %scan3A_83 = arith.addi %scan3A_81, %scan3A_82 : i32
    %scan3A_84 = arith.constant 1 : i32
    %scan3A_85 = scf.for %scan3A_124 = %scan3A_81 to %scan3A_83 step %scan3A_84 iter_args(%scan3A_125 = %scan3A_80) -> (i32)  : i32 {
      %mul3A_126 = arith.constant 4 : i32
      %mul3A_127 = arith.muli %scan3A_124, %mul3A_126 : i32
      %add3A_128 = arith.constant 0 : i32
      %add3A_129 = arith.addi %mul3A_127, %add3A_128 : i32
      %dma_wait3A_130 = arith.constant 0 : i32
      %dma_wait3A_131 = tpu.memref_slice %arg8[%add3A_129, %dma_wait3A_130] : memref<160x128xi32, #tpu.memory_space<vmem>> -> memref<1x128xi32, #tpu.memory_space<vmem>>
      %dma_wait3A_132 = tpu.memref_squeeze %dma_wait3A_131 : memref<1x128xi32, #tpu.memory_space<vmem>> -> memref<128xi32, #tpu.memory_space<vmem>>
      %dma_wait3A_133 = arith.constant 0 : i32
      %dma_wait3A_134 = tpu.memref_slice %arg2[%arg0, %dma_wait3A_133] : memref<20000x64xf32, #tpu.memory_space<hbm>> -> memref<19999x64xf32, #tpu.memory_space<hbm>>
      %dma_wait3A_135 = arith.constant 0 : i32
      %dma_wait3A_136 = arith.constant 0 : i32
      %dma_wait3A_137 = tpu.memref_slice %dma_wait3A_134[%dma_wait3A_135, %dma_wait3A_136] : memref<19999x64xf32, #tpu.memory_space<hbm>> -> memref<19999x64xf32, #tpu.memory_space<hbm>>
      tpu.wait_indirect_dma semaphore(%arg14 : memref<!tpu.dma_semaphore, #tpu.memory_space<semaphore_mem>>) src(%dma_wait3A_137 : memref<19999x64xf32, #tpu.memory_space<hbm>>) dst(%arg10 : memref<128x64xf32, #tpu.memory_space<vmem>>)
      %dma_start3A_138 = arith.constant 0 : i32
      %dma_start3A_139 = tpu.memref_slice %arg9[%add3A_129, %dma_start3A_138] : memref<160x128xi32, #tpu.memory_space<vmem>> -> memref<1x128xi32, #tpu.memory_space<vmem>>
      %dma_start3A_140 = tpu.memref_squeeze %dma_start3A_139 : memref<1x128xi32, #tpu.memory_space<vmem>> -> memref<128xi32, #tpu.memory_space<vmem>>
      %dma_start3A_141 = arith.constant 0 : i32
      %dma_start3A_142 = arith.constant 0 : i32
      %dma_start3A_143 = tpu.memref_slice %arg23[%dma_start3A_141, %dma_start3A_142] : memref<10240x64xf32, #tpu.memory_space<vmem_shared>> -> memref<10240x64xf32, #tpu.memory_space<vmem_shared>>
      tpu.enqueue_indirect_dma source(%arg10 : memref<128x64xf32, #tpu.memory_space<vmem>>) target(%dma_start3A_143 : memref<10240x64xf32, #tpu.memory_space<vmem_shared>>) offsets(%dma_start3A_140 : memref<128xi32, #tpu.memory_space<vmem>>) semaphore(%arg18 : memref<!tpu.dma_semaphore, #tpu.memory_space<semaphore_mem>>) {add = true}
      %eq3A_144 = arith.constant 0 : i32
      %eq3A_145 = arith.cmpi eq, %arg0, %eq3A_144 : i32
      %lt3A = arith.constant 80 : i32
      %lt3A_146 = arith.cmpi slt, %add3A_129, %lt3A : i32
      %ge3A = arith.constant 80 : i32
      %ge3A_147 = arith.cmpi sge, %add3A_129, %ge3A : i32
      %select_n3A = arith.select %eq3A_145, %lt3A_146, %ge3A_147 : i1
      %convert_element_type3A_148 = arith.extui %select_n3A : i1 to i32
      %cond3A_149 = arith.constant 0 : i32
      %cond3A_150 = arith.cmpi ne, %convert_element_type3A_148, %cond3A_149 : i32
      scf.if %cond3A_150 {
        "tpu.region"() ({
          %run_scoped3A = tpu.sem_alloc : memref<!tpu.dma_semaphore, #tpu.memory_space<semaphore_mem>>
          %dma_start3A_282 = arith.constant 0 : i32
          %dma_start3A_283 = tpu.memref_slice %arg9[%add3A_129, %dma_start3A_282] : memref<160x128xi32, #tpu.memory_space<vmem>> -> memref<1x128xi32, #tpu.memory_space<vmem>>
          %dma_start3A_284 = tpu.memref_squeeze %dma_start3A_283 : memref<1x128xi32, #tpu.memory_space<vmem>> -> memref<128xi32, #tpu.memory_space<vmem>>
          %dma_start3A_285 = arith.constant 0 : i32
          %dma_start3A_286 = arith.constant 0 : i32
          %dma_start3A_287 = tpu.memref_slice %arg24[%dma_start3A_285, %dma_start3A_286] : memref<10240x16xf32, #tpu.memory_space<vmem_shared>> -> memref<10240x16xf32, #tpu.memory_space<vmem_shared>>
          tpu.enqueue_indirect_dma source(%arg22 : memref<128x16xf32, #tpu.memory_space<vmem>>) target(%dma_start3A_287 : memref<10240x16xf32, #tpu.memory_space<vmem_shared>>) offsets(%dma_start3A_284 : memref<128xi32, #tpu.memory_space<vmem>>) semaphore(%run_scoped3A : memref<!tpu.dma_semaphore, #tpu.memory_space<semaphore_mem>>) {add = true}
          %dma_wait3A_288 = arith.constant 0 : i32
          %dma_wait3A_289 = tpu.memref_slice %arg9[%add3A_129, %dma_wait3A_288] : memref<160x128xi32, #tpu.memory_space<vmem>> -> memref<1x128xi32, #tpu.memory_space<vmem>>
          %dma_wait3A_290 = tpu.memref_squeeze %dma_wait3A_289 : memref<1x128xi32, #tpu.memory_space<vmem>> -> memref<128xi32, #tpu.memory_space<vmem>>
          %dma_wait3A_291 = arith.constant 0 : i32
          %dma_wait3A_292 = arith.constant 0 : i32
          %dma_wait3A_293 = tpu.memref_slice %arg24[%dma_wait3A_291, %dma_wait3A_292] : memref<10240x16xf32, #tpu.memory_space<vmem_shared>> -> memref<10240x16xf32, #tpu.memory_space<vmem_shared>>
          tpu.wait_indirect_dma semaphore(%run_scoped3A : memref<!tpu.dma_semaphore, #tpu.memory_space<semaphore_mem>>) src(%arg22 : memref<128x16xf32, #tpu.memory_space<vmem>>) dst(%dma_wait3A_293 : memref<10240x16xf32, #tpu.memory_space<vmem_shared>>)
          tpu.yield
        }) : () -> ()
      } else {
      }
      %ge3A_151 = arith.constant 1 : i32
      %ge3A_152 = arith.cmpi sge, %add3A_129, %ge3A_151 : i32
      %add3A_153 = arith.constant 4 : i32
      %add3A_154 = arith.addi %add3A_129, %add3A_153 : i32
      %sub3A = arith.constant 1 : i32
      %sub3A_155 = arith.subi %add3A_154, %sub3A : i32
      %lt3A_156 = arith.constant 160 : i32
      %lt3A_157 = arith.cmpi slt, %sub3A_155, %lt3A_156 : i32
      %and3A = arith.andi %ge3A_152, %lt3A_157 : i1
      %convert_element_type3A_158 = arith.extui %and3A : i1 to i32
      %cond3A_159 = arith.constant 0 : i32
      %cond3A_160 = arith.cmpi ne, %convert_element_type3A_158, %cond3A_159 : i32
      scf.if %cond3A_160 {
        %sub3A_282 = arith.constant 1 : i32
        %sub3A_283 = arith.subi %add3A_129, %sub3A_282 : i32
        %dma_wait3A_284 = arith.constant 0 : i32
        %dma_wait3A_285 = tpu.memref_slice %arg9[%sub3A_283, %dma_wait3A_284] : memref<160x128xi32, #tpu.memory_space<vmem>> -> memref<1x128xi32, #tpu.memory_space<vmem>>
        %dma_wait3A_286 = tpu.memref_squeeze %dma_wait3A_285 : memref<1x128xi32, #tpu.memory_space<vmem>> -> memref<128xi32, #tpu.memory_space<vmem>>
        %dma_wait3A_287 = arith.constant 0 : i32
        %dma_wait3A_288 = arith.constant 0 : i32
        %dma_wait3A_289 = tpu.memref_slice %arg23[%dma_wait3A_287, %dma_wait3A_288] : memref<10240x64xf32, #tpu.memory_space<vmem_shared>> -> memref<10240x64xf32, #tpu.memory_space<vmem_shared>>
        tpu.wait_indirect_dma semaphore(%arg21 : memref<!tpu.dma_semaphore, #tpu.memory_space<semaphore_mem>>) src(%arg13 : memref<128x64xf32, #tpu.memory_space<vmem>>) dst(%dma_wait3A_289 : memref<10240x64xf32, #tpu.memory_space<vmem_shared>>)
        %add3A_290 = arith.constant 4 : i32
        %add3A_291 = arith.addi %add3A_129, %add3A_290 : i32
        %sub3A_292 = arith.constant 1 : i32
        %sub3A_293 = arith.subi %add3A_291, %sub3A_292 : i32
        %dma_start3A_294 = arith.constant 0 : i32
        %dma_start3A_295 = tpu.memref_slice %arg8[%sub3A_293, %dma_start3A_294] : memref<160x128xi32, #tpu.memory_space<vmem>> -> memref<1x128xi32, #tpu.memory_space<vmem>>
        %dma_start3A_296 = tpu.memref_squeeze %dma_start3A_295 : memref<1x128xi32, #tpu.memory_space<vmem>> -> memref<128xi32, #tpu.memory_space<vmem>>
        %dma_start3A_297 = arith.constant 0 : i32
        %dma_start3A_298 = tpu.memref_slice %arg2[%arg0, %dma_start3A_297] : memref<20000x64xf32, #tpu.memory_space<hbm>> -> memref<19999x64xf32, #tpu.memory_space<hbm>>
        %dma_start3A_299 = arith.constant 0 : i32
        %dma_start3A_300 = arith.constant 0 : i32
        %dma_start3A_301 = tpu.memref_slice %dma_start3A_298[%dma_start3A_299, %dma_start3A_300] : memref<19999x64xf32, #tpu.memory_space<hbm>> -> memref<19999x64xf32, #tpu.memory_space<hbm>>
        tpu.enqueue_indirect_dma source(%dma_start3A_301 : memref<19999x64xf32, #tpu.memory_space<hbm>>) target(%arg13 : memref<128x64xf32, #tpu.memory_space<vmem>>) offsets(%dma_start3A_296 : memref<128xi32, #tpu.memory_space<vmem>>) semaphore(%arg17 : memref<!tpu.dma_semaphore, #tpu.memory_space<semaphore_mem>>)
      } else {
      }
      %mul3A_161 = arith.constant 4 : i32
      %mul3A_162 = arith.muli %scan3A_124, %mul3A_161 : i32
      %add3A_163 = arith.constant 1 : i32
      %add3A_164 = arith.addi %mul3A_162, %add3A_163 : i32
      %dma_wait3A_165 = arith.constant 0 : i32
      %dma_wait3A_166 = tpu.memref_slice %arg8[%add3A_164, %dma_wait3A_165] : memref<160x128xi32, #tpu.memory_space<vmem>> -> memref<1x128xi32, #tpu.memory_space<vmem>>
      %dma_wait3A_167 = tpu.memref_squeeze %dma_wait3A_166 : memref<1x128xi32, #tpu.memory_space<vmem>> -> memref<128xi32, #tpu.memory_space<vmem>>
      %dma_wait3A_168 = arith.constant 0 : i32
      %dma_wait3A_169 = tpu.memref_slice %arg2[%arg0, %dma_wait3A_168] : memref<20000x64xf32, #tpu.memory_space<hbm>> -> memref<19999x64xf32, #tpu.memory_space<hbm>>
      %dma_wait3A_170 = arith.constant 0 : i32
      %dma_wait3A_171 = arith.constant 0 : i32
      %dma_wait3A_172 = tpu.memref_slice %dma_wait3A_169[%dma_wait3A_170, %dma_wait3A_171] : memref<19999x64xf32, #tpu.memory_space<hbm>> -> memref<19999x64xf32, #tpu.memory_space<hbm>>
      tpu.wait_indirect_dma semaphore(%arg15 : memref<!tpu.dma_semaphore, #tpu.memory_space<semaphore_mem>>) src(%dma_wait3A_172 : memref<19999x64xf32, #tpu.memory_space<hbm>>) dst(%arg11 : memref<128x64xf32, #tpu.memory_space<vmem>>)
      %dma_start3A_173 = arith.constant 0 : i32
      %dma_start3A_174 = tpu.memref_slice %arg9[%add3A_164, %dma_start3A_173] : memref<160x128xi32, #tpu.memory_space<vmem>> -> memref<1x128xi32, #tpu.memory_space<vmem>>
      %dma_start3A_175 = tpu.memref_squeeze %dma_start3A_174 : memref<1x128xi32, #tpu.memory_space<vmem>> -> memref<128xi32, #tpu.memory_space<vmem>>
      %dma_start3A_176 = arith.constant 0 : i32
      %dma_start3A_177 = arith.constant 0 : i32
      %dma_start3A_178 = tpu.memref_slice %arg23[%dma_start3A_176, %dma_start3A_177] : memref<10240x64xf32, #tpu.memory_space<vmem_shared>> -> memref<10240x64xf32, #tpu.memory_space<vmem_shared>>
      tpu.enqueue_indirect_dma source(%arg11 : memref<128x64xf32, #tpu.memory_space<vmem>>) target(%dma_start3A_178 : memref<10240x64xf32, #tpu.memory_space<vmem_shared>>) offsets(%dma_start3A_175 : memref<128xi32, #tpu.memory_space<vmem>>) semaphore(%arg19 : memref<!tpu.dma_semaphore, #tpu.memory_space<semaphore_mem>>) {add = true}
      %eq3A_179 = arith.constant 0 : i32
      %eq3A_180 = arith.cmpi eq, %arg0, %eq3A_179 : i32
      %lt3A_181 = arith.constant 80 : i32
      %lt3A_182 = arith.cmpi slt, %add3A_164, %lt3A_181 : i32
      %ge3A_183 = arith.constant 80 : i32
      %ge3A_184 = arith.cmpi sge, %add3A_164, %ge3A_183 : i32
      %select_n3A_185 = arith.select %eq3A_180, %lt3A_182, %ge3A_184 : i1
      %convert_element_type3A_186 = arith.extui %select_n3A_185 : i1 to i32
      %cond3A_187 = arith.constant 0 : i32
      %cond3A_188 = arith.cmpi ne, %convert_element_type3A_186, %cond3A_187 : i32
      scf.if %cond3A_188 {
        "tpu.region"() ({
          %run_scoped3A = tpu.sem_alloc : memref<!tpu.dma_semaphore, #tpu.memory_space<semaphore_mem>>
          %dma_start3A_282 = arith.constant 0 : i32
          %dma_start3A_283 = tpu.memref_slice %arg9[%add3A_164, %dma_start3A_282] : memref<160x128xi32, #tpu.memory_space<vmem>> -> memref<1x128xi32, #tpu.memory_space<vmem>>
          %dma_start3A_284 = tpu.memref_squeeze %dma_start3A_283 : memref<1x128xi32, #tpu.memory_space<vmem>> -> memref<128xi32, #tpu.memory_space<vmem>>
          %dma_start3A_285 = arith.constant 0 : i32
          %dma_start3A_286 = arith.constant 0 : i32
          %dma_start3A_287 = tpu.memref_slice %arg24[%dma_start3A_285, %dma_start3A_286] : memref<10240x16xf32, #tpu.memory_space<vmem_shared>> -> memref<10240x16xf32, #tpu.memory_space<vmem_shared>>
          tpu.enqueue_indirect_dma source(%arg22 : memref<128x16xf32, #tpu.memory_space<vmem>>) target(%dma_start3A_287 : memref<10240x16xf32, #tpu.memory_space<vmem_shared>>) offsets(%dma_start3A_284 : memref<128xi32, #tpu.memory_space<vmem>>) semaphore(%run_scoped3A : memref<!tpu.dma_semaphore, #tpu.memory_space<semaphore_mem>>) {add = true}
          %dma_wait3A_288 = arith.constant 0 : i32
          %dma_wait3A_289 = tpu.memref_slice %arg9[%add3A_164, %dma_wait3A_288] : memref<160x128xi32, #tpu.memory_space<vmem>> -> memref<1x128xi32, #tpu.memory_space<vmem>>
          %dma_wait3A_290 = tpu.memref_squeeze %dma_wait3A_289 : memref<1x128xi32, #tpu.memory_space<vmem>> -> memref<128xi32, #tpu.memory_space<vmem>>
          %dma_wait3A_291 = arith.constant 0 : i32
          %dma_wait3A_292 = arith.constant 0 : i32
          %dma_wait3A_293 = tpu.memref_slice %arg24[%dma_wait3A_291, %dma_wait3A_292] : memref<10240x16xf32, #tpu.memory_space<vmem_shared>> -> memref<10240x16xf32, #tpu.memory_space<vmem_shared>>
          tpu.wait_indirect_dma semaphore(%run_scoped3A : memref<!tpu.dma_semaphore, #tpu.memory_space<semaphore_mem>>) src(%arg22 : memref<128x16xf32, #tpu.memory_space<vmem>>) dst(%dma_wait3A_293 : memref<10240x16xf32, #tpu.memory_space<vmem_shared>>)
          tpu.yield
        }) : () -> ()
      } else {
      }
      %ge3A_189 = arith.constant 1 : i32
      %ge3A_190 = arith.cmpi sge, %add3A_164, %ge3A_189 : i32
      %add3A_191 = arith.constant 4 : i32
      %add3A_192 = arith.addi %add3A_164, %add3A_191 : i32
      %sub3A_193 = arith.constant 1 : i32
      %sub3A_194 = arith.subi %add3A_192, %sub3A_193 : i32
      %lt3A_195 = arith.constant 160 : i32
      %lt3A_196 = arith.cmpi slt, %sub3A_194, %lt3A_195 : i32
      %and3A_197 = arith.andi %ge3A_190, %lt3A_196 : i1
      %convert_element_type3A_198 = arith.extui %and3A_197 : i1 to i32
      %cond3A_199 = arith.constant 0 : i32
      %cond3A_200 = arith.cmpi ne, %convert_element_type3A_198, %cond3A_199 : i32
      scf.if %cond3A_200 {
        %sub3A_282 = arith.constant 1 : i32
        %sub3A_283 = arith.subi %add3A_164, %sub3A_282 : i32
        %dma_wait3A_284 = arith.constant 0 : i32
        %dma_wait3A_285 = tpu.memref_slice %arg9[%sub3A_283, %dma_wait3A_284] : memref<160x128xi32, #tpu.memory_space<vmem>> -> memref<1x128xi32, #tpu.memory_space<vmem>>
        %dma_wait3A_286 = tpu.memref_squeeze %dma_wait3A_285 : memref<1x128xi32, #tpu.memory_space<vmem>> -> memref<128xi32, #tpu.memory_space<vmem>>
        %dma_wait3A_287 = arith.constant 0 : i32
        %dma_wait3A_288 = arith.constant 0 : i32
        %dma_wait3A_289 = tpu.memref_slice %arg23[%dma_wait3A_287, %dma_wait3A_288] : memref<10240x64xf32, #tpu.memory_space<vmem_shared>> -> memref<10240x64xf32, #tpu.memory_space<vmem_shared>>
        tpu.wait_indirect_dma semaphore(%arg18 : memref<!tpu.dma_semaphore, #tpu.memory_space<semaphore_mem>>) src(%arg10 : memref<128x64xf32, #tpu.memory_space<vmem>>) dst(%dma_wait3A_289 : memref<10240x64xf32, #tpu.memory_space<vmem_shared>>)
        %add3A_290 = arith.constant 4 : i32
        %add3A_291 = arith.addi %add3A_164, %add3A_290 : i32
        %sub3A_292 = arith.constant 1 : i32
        %sub3A_293 = arith.subi %add3A_291, %sub3A_292 : i32
        %dma_start3A_294 = arith.constant 0 : i32
        %dma_start3A_295 = tpu.memref_slice %arg8[%sub3A_293, %dma_start3A_294] : memref<160x128xi32, #tpu.memory_space<vmem>> -> memref<1x128xi32, #tpu.memory_space<vmem>>
        %dma_start3A_296 = tpu.memref_squeeze %dma_start3A_295 : memref<1x128xi32, #tpu.memory_space<vmem>> -> memref<128xi32, #tpu.memory_space<vmem>>
        %dma_start3A_297 = arith.constant 0 : i32
        %dma_start3A_298 = tpu.memref_slice %arg2[%arg0, %dma_start3A_297] : memref<20000x64xf32, #tpu.memory_space<hbm>> -> memref<19999x64xf32, #tpu.memory_space<hbm>>
        %dma_start3A_299 = arith.constant 0 : i32
        %dma_start3A_300 = arith.constant 0 : i32
        %dma_start3A_301 = tpu.memref_slice %dma_start3A_298[%dma_start3A_299, %dma_start3A_300] : memref<19999x64xf32, #tpu.memory_space<hbm>> -> memref<19999x64xf32, #tpu.memory_space<hbm>>
        tpu.enqueue_indirect_dma source(%dma_start3A_301 : memref<19999x64xf32, #tpu.memory_space<hbm>>) target(%arg10 : memref<128x64xf32, #tpu.memory_space<vmem>>) offsets(%dma_start3A_296 : memref<128xi32, #tpu.memory_space<vmem>>) semaphore(%arg14 : memref<!tpu.dma_semaphore, #tpu.memory_space<semaphore_mem>>)
      } else {
      }
      %mul3A_201 = arith.constant 4 : i32
      %mul3A_202 = arith.muli %scan3A_124, %mul3A_201 : i32
      %add3A_203 = arith.constant 2 : i32
      %add3A_204 = arith.addi %mul3A_202, %add3A_203 : i32
      %dma_wait3A_205 = arith.constant 0 : i32
      %dma_wait3A_206 = tpu.memref_slice %arg8[%add3A_204, %dma_wait3A_205] : memref<160x128xi32, #tpu.memory_space<vmem>> -> memref<1x128xi32, #tpu.memory_space<vmem>>
      %dma_wait3A_207 = tpu.memref_squeeze %dma_wait3A_206 : memref<1x128xi32, #tpu.memory_space<vmem>> -> memref<128xi32, #tpu.memory_space<vmem>>
      %dma_wait3A_208 = arith.constant 0 : i32
      %dma_wait3A_209 = tpu.memref_slice %arg2[%arg0, %dma_wait3A_208] : memref<20000x64xf32, #tpu.memory_space<hbm>> -> memref<19999x64xf32, #tpu.memory_space<hbm>>
      %dma_wait3A_210 = arith.constant 0 : i32
      %dma_wait3A_211 = arith.constant 0 : i32
      %dma_wait3A_212 = tpu.memref_slice %dma_wait3A_209[%dma_wait3A_210, %dma_wait3A_211] : memref<19999x64xf32, #tpu.memory_space<hbm>> -> memref<19999x64xf32, #tpu.memory_space<hbm>>
      tpu.wait_indirect_dma semaphore(%arg16 : memref<!tpu.dma_semaphore, #tpu.memory_space<semaphore_mem>>) src(%dma_wait3A_212 : memref<19999x64xf32, #tpu.memory_space<hbm>>) dst(%arg12 : memref<128x64xf32, #tpu.memory_space<vmem>>)
      %dma_start3A_213 = arith.constant 0 : i32
      %dma_start3A_214 = tpu.memref_slice %arg9[%add3A_204, %dma_start3A_213] : memref<160x128xi32, #tpu.memory_space<vmem>> -> memref<1x128xi32, #tpu.memory_space<vmem>>
      %dma_start3A_215 = tpu.memref_squeeze %dma_start3A_214 : memref<1x128xi32, #tpu.memory_space<vmem>> -> memref<128xi32, #tpu.memory_space<vmem>>
      %dma_start3A_216 = arith.constant 0 : i32
      %dma_start3A_217 = arith.constant 0 : i32
      %dma_start3A_218 = tpu.memref_slice %arg23[%dma_start3A_216, %dma_start3A_217] : memref<10240x64xf32, #tpu.memory_space<vmem_shared>> -> memref<10240x64xf32, #tpu.memory_space<vmem_shared>>
      tpu.enqueue_indirect_dma source(%arg12 : memref<128x64xf32, #tpu.memory_space<vmem>>) target(%dma_start3A_218 : memref<10240x64xf32, #tpu.memory_space<vmem_shared>>) offsets(%dma_start3A_215 : memref<128xi32, #tpu.memory_space<vmem>>) semaphore(%arg20 : memref<!tpu.dma_semaphore, #tpu.memory_space<semaphore_mem>>) {add = true}
      %eq3A_219 = arith.constant 0 : i32
      %eq3A_220 = arith.cmpi eq, %arg0, %eq3A_219 : i32
      %lt3A_221 = arith.constant 80 : i32
      %lt3A_222 = arith.cmpi slt, %add3A_204, %lt3A_221 : i32
      %ge3A_223 = arith.constant 80 : i32
      %ge3A_224 = arith.cmpi sge, %add3A_204, %ge3A_223 : i32
      %select_n3A_225 = arith.select %eq3A_220, %lt3A_222, %ge3A_224 : i1
      %convert_element_type3A_226 = arith.extui %select_n3A_225 : i1 to i32
      %cond3A_227 = arith.constant 0 : i32
      %cond3A_228 = arith.cmpi ne, %convert_element_type3A_226, %cond3A_227 : i32
      scf.if %cond3A_228 {
        "tpu.region"() ({
          %run_scoped3A = tpu.sem_alloc : memref<!tpu.dma_semaphore, #tpu.memory_space<semaphore_mem>>
          %dma_start3A_282 = arith.constant 0 : i32
          %dma_start3A_283 = tpu.memref_slice %arg9[%add3A_204, %dma_start3A_282] : memref<160x128xi32, #tpu.memory_space<vmem>> -> memref<1x128xi32, #tpu.memory_space<vmem>>
          %dma_start3A_284 = tpu.memref_squeeze %dma_start3A_283 : memref<1x128xi32, #tpu.memory_space<vmem>> -> memref<128xi32, #tpu.memory_space<vmem>>
          %dma_start3A_285 = arith.constant 0 : i32
          %dma_start3A_286 = arith.constant 0 : i32
          %dma_start3A_287 = tpu.memref_slice %arg24[%dma_start3A_285, %dma_start3A_286] : memref<10240x16xf32, #tpu.memory_space<vmem_shared>> -> memref<10240x16xf32, #tpu.memory_space<vmem_shared>>
          tpu.enqueue_indirect_dma source(%arg22 : memref<128x16xf32, #tpu.memory_space<vmem>>) target(%dma_start3A_287 : memref<10240x16xf32, #tpu.memory_space<vmem_shared>>) offsets(%dma_start3A_284 : memref<128xi32, #tpu.memory_space<vmem>>) semaphore(%run_scoped3A : memref<!tpu.dma_semaphore, #tpu.memory_space<semaphore_mem>>) {add = true}
          %dma_wait3A_288 = arith.constant 0 : i32
          %dma_wait3A_289 = tpu.memref_slice %arg9[%add3A_204, %dma_wait3A_288] : memref<160x128xi32, #tpu.memory_space<vmem>> -> memref<1x128xi32, #tpu.memory_space<vmem>>
          %dma_wait3A_290 = tpu.memref_squeeze %dma_wait3A_289 : memref<1x128xi32, #tpu.memory_space<vmem>> -> memref<128xi32, #tpu.memory_space<vmem>>
          %dma_wait3A_291 = arith.constant 0 : i32
          %dma_wait3A_292 = arith.constant 0 : i32
          %dma_wait3A_293 = tpu.memref_slice %arg24[%dma_wait3A_291, %dma_wait3A_292] : memref<10240x16xf32, #tpu.memory_space<vmem_shared>> -> memref<10240x16xf32, #tpu.memory_space<vmem_shared>>
          tpu.wait_indirect_dma semaphore(%run_scoped3A : memref<!tpu.dma_semaphore, #tpu.memory_space<semaphore_mem>>) src(%arg22 : memref<128x16xf32, #tpu.memory_space<vmem>>) dst(%dma_wait3A_293 : memref<10240x16xf32, #tpu.memory_space<vmem_shared>>)
          tpu.yield
        }) : () -> ()
      } else {
      }
      %ge3A_229 = arith.constant 1 : i32
      %ge3A_230 = arith.cmpi sge, %add3A_204, %ge3A_229 : i32
      %add3A_231 = arith.constant 4 : i32
      %add3A_232 = arith.addi %add3A_204, %add3A_231 : i32
      %sub3A_233 = arith.constant 1 : i32
      %sub3A_234 = arith.subi %add3A_232, %sub3A_233 : i32
      %lt3A_235 = arith.constant 160 : i32
      %lt3A_236 = arith.cmpi slt, %sub3A_234, %lt3A_235 : i32
      %and3A_237 = arith.andi %ge3A_230, %lt3A_236 : i1
      %convert_element_type3A_238 = arith.extui %and3A_237 : i1 to i32
      %cond3A_239 = arith.constant 0 : i32
      %cond3A_240 = arith.cmpi ne, %convert_element_type3A_238, %cond3A_239 : i32
      scf.if %cond3A_240 {
        %sub3A_282 = arith.constant 1 : i32
        %sub3A_283 = arith.subi %add3A_204, %sub3A_282 : i32
        %dma_wait3A_284 = arith.constant 0 : i32
        %dma_wait3A_285 = tpu.memref_slice %arg9[%sub3A_283, %dma_wait3A_284] : memref<160x128xi32, #tpu.memory_space<vmem>> -> memref<1x128xi32, #tpu.memory_space<vmem>>
        %dma_wait3A_286 = tpu.memref_squeeze %dma_wait3A_285 : memref<1x128xi32, #tpu.memory_space<vmem>> -> memref<128xi32, #tpu.memory_space<vmem>>
        %dma_wait3A_287 = arith.constant 0 : i32
        %dma_wait3A_288 = arith.constant 0 : i32
        %dma_wait3A_289 = tpu.memref_slice %arg23[%dma_wait3A_287, %dma_wait3A_288] : memref<10240x64xf32, #tpu.memory_space<vmem_shared>> -> memref<10240x64xf32, #tpu.memory_space<vmem_shared>>
        tpu.wait_indirect_dma semaphore(%arg19 : memref<!tpu.dma_semaphore, #tpu.memory_space<semaphore_mem>>) src(%arg11 : memref<128x64xf32, #tpu.memory_space<vmem>>) dst(%dma_wait3A_289 : memref<10240x64xf32, #tpu.memory_space<vmem_shared>>)
        %add3A_290 = arith.constant 4 : i32
        %add3A_291 = arith.addi %add3A_204, %add3A_290 : i32
        %sub3A_292 = arith.constant 1 : i32
        %sub3A_293 = arith.subi %add3A_291, %sub3A_292 : i32
        %dma_start3A_294 = arith.constant 0 : i32
        %dma_start3A_295 = tpu.memref_slice %arg8[%sub3A_293, %dma_start3A_294] : memref<160x128xi32, #tpu.memory_space<vmem>> -> memref<1x128xi32, #tpu.memory_space<vmem>>
        %dma_start3A_296 = tpu.memref_squeeze %dma_start3A_295 : memref<1x128xi32, #tpu.memory_space<vmem>> -> memref<128xi32, #tpu.memory_space<vmem>>
        %dma_start3A_297 = arith.constant 0 : i32
        %dma_start3A_298 = tpu.memref_slice %arg2[%arg0, %dma_start3A_297] : memref<20000x64xf32, #tpu.memory_space<hbm>> -> memref<19999x64xf32, #tpu.memory_space<hbm>>
        %dma_start3A_299 = arith.constant 0 : i32
        %dma_start3A_300 = arith.constant 0 : i32
        %dma_start3A_301 = tpu.memref_slice %dma_start3A_298[%dma_start3A_299, %dma_start3A_300] : memref<19999x64xf32, #tpu.memory_space<hbm>> -> memref<19999x64xf32, #tpu.memory_space<hbm>>
        tpu.enqueue_indirect_dma source(%dma_start3A_301 : memref<19999x64xf32, #tpu.memory_space<hbm>>) target(%arg11 : memref<128x64xf32, #tpu.memory_space<vmem>>) offsets(%dma_start3A_296 : memref<128xi32, #tpu.memory_space<vmem>>) semaphore(%arg15 : memref<!tpu.dma_semaphore, #tpu.memory_space<semaphore_mem>>)
      } else {
      }
      %mul3A_241 = arith.constant 4 : i32
      %mul3A_242 = arith.muli %scan3A_124, %mul3A_241 : i32
      %add3A_243 = arith.constant 3 : i32
      %add3A_244 = arith.addi %mul3A_242, %add3A_243 : i32
      %dma_wait3A_245 = arith.constant 0 : i32
      %dma_wait3A_246 = tpu.memref_slice %arg8[%add3A_244, %dma_wait3A_245] : memref<160x128xi32, #tpu.memory_space<vmem>> -> memref<1x128xi32, #tpu.memory_space<vmem>>
      %dma_wait3A_247 = tpu.memref_squeeze %dma_wait3A_246 : memref<1x128xi32, #tpu.memory_space<vmem>> -> memref<128xi32, #tpu.memory_space<vmem>>
      %dma_wait3A_248 = arith.constant 0 : i32
      %dma_wait3A_249 = tpu.memref_slice %arg2[%arg0, %dma_wait3A_248] : memref<20000x64xf32, #tpu.memory_space<hbm>> -> memref<19999x64xf32, #tpu.memory_space<hbm>>
      %dma_wait3A_250 = arith.constant 0 : i32
      %dma_wait3A_251 = arith.constant 0 : i32
      %dma_wait3A_252 = tpu.memref_slice %dma_wait3A_249[%dma_wait3A_250, %dma_wait3A_251] : memref<19999x64xf32, #tpu.memory_space<hbm>> -> memref<19999x64xf32, #tpu.memory_space<hbm>>
      tpu.wait_indirect_dma semaphore(%arg17 : memref<!tpu.dma_semaphore, #tpu.memory_space<semaphore_mem>>) src(%dma_wait3A_252 : memref<19999x64xf32, #tpu.memory_space<hbm>>) dst(%arg13 : memref<128x64xf32, #tpu.memory_space<vmem>>)
      %dma_start3A_253 = arith.constant 0 : i32
      %dma_start3A_254 = tpu.memref_slice %arg9[%add3A_244, %dma_start3A_253] : memref<160x128xi32, #tpu.memory_space<vmem>> -> memref<1x128xi32, #tpu.memory_space<vmem>>
      %dma_start3A_255 = tpu.memref_squeeze %dma_start3A_254 : memref<1x128xi32, #tpu.memory_space<vmem>> -> memref<128xi32, #tpu.memory_space<vmem>>
      %dma_start3A_256 = arith.constant 0 : i32
      %dma_start3A_257 = arith.constant 0 : i32
      %dma_start3A_258 = tpu.memref_slice %arg23[%dma_start3A_256, %dma_start3A_257] : memref<10240x64xf32, #tpu.memory_space<vmem_shared>> -> memref<10240x64xf32, #tpu.memory_space<vmem_shared>>
      tpu.enqueue_indirect_dma source(%arg13 : memref<128x64xf32, #tpu.memory_space<vmem>>) target(%dma_start3A_258 : memref<10240x64xf32, #tpu.memory_space<vmem_shared>>) offsets(%dma_start3A_255 : memref<128xi32, #tpu.memory_space<vmem>>) semaphore(%arg21 : memref<!tpu.dma_semaphore, #tpu.memory_space<semaphore_mem>>) {add = true}
      %eq3A_259 = arith.constant 0 : i32
      %eq3A_260 = arith.cmpi eq, %arg0, %eq3A_259 : i32
      %lt3A_261 = arith.constant 80 : i32
      %lt3A_262 = arith.cmpi slt, %add3A_244, %lt3A_261 : i32
      %ge3A_263 = arith.constant 80 : i32
      %ge3A_264 = arith.cmpi sge, %add3A_244, %ge3A_263 : i32
      %select_n3A_265 = arith.select %eq3A_260, %lt3A_262, %ge3A_264 : i1
      %convert_element_type3A_266 = arith.extui %select_n3A_265 : i1 to i32
      %cond3A_267 = arith.constant 0 : i32
      %cond3A_268 = arith.cmpi ne, %convert_element_type3A_266, %cond3A_267 : i32
      scf.if %cond3A_268 {
        "tpu.region"() ({
          %run_scoped3A = tpu.sem_alloc : memref<!tpu.dma_semaphore, #tpu.memory_space<semaphore_mem>>
          %dma_start3A_282 = arith.constant 0 : i32
          %dma_start3A_283 = tpu.memref_slice %arg9[%add3A_244, %dma_start3A_282] : memref<160x128xi32, #tpu.memory_space<vmem>> -> memref<1x128xi32, #tpu.memory_space<vmem>>
          %dma_start3A_284 = tpu.memref_squeeze %dma_start3A_283 : memref<1x128xi32, #tpu.memory_space<vmem>> -> memref<128xi32, #tpu.memory_space<vmem>>
          %dma_start3A_285 = arith.constant 0 : i32
          %dma_start3A_286 = arith.constant 0 : i32
          %dma_start3A_287 = tpu.memref_slice %arg24[%dma_start3A_285, %dma_start3A_286] : memref<10240x16xf32, #tpu.memory_space<vmem_shared>> -> memref<10240x16xf32, #tpu.memory_space<vmem_shared>>
          tpu.enqueue_indirect_dma source(%arg22 : memref<128x16xf32, #tpu.memory_space<vmem>>) target(%dma_start3A_287 : memref<10240x16xf32, #tpu.memory_space<vmem_shared>>) offsets(%dma_start3A_284 : memref<128xi32, #tpu.memory_space<vmem>>) semaphore(%run_scoped3A : memref<!tpu.dma_semaphore, #tpu.memory_space<semaphore_mem>>) {add = true}
          %dma_wait3A_288 = arith.constant 0 : i32
          %dma_wait3A_289 = tpu.memref_slice %arg9[%add3A_244, %dma_wait3A_288] : memref<160x128xi32, #tpu.memory_space<vmem>> -> memref<1x128xi32, #tpu.memory_space<vmem>>
          %dma_wait3A_290 = tpu.memref_squeeze %dma_wait3A_289 : memref<1x128xi32, #tpu.memory_space<vmem>> -> memref<128xi32, #tpu.memory_space<vmem>>
          %dma_wait3A_291 = arith.constant 0 : i32
          %dma_wait3A_292 = arith.constant 0 : i32
          %dma_wait3A_293 = tpu.memref_slice %arg24[%dma_wait3A_291, %dma_wait3A_292] : memref<10240x16xf32, #tpu.memory_space<vmem_shared>> -> memref<10240x16xf32, #tpu.memory_space<vmem_shared>>
          tpu.wait_indirect_dma semaphore(%run_scoped3A : memref<!tpu.dma_semaphore, #tpu.memory_space<semaphore_mem>>) src(%arg22 : memref<128x16xf32, #tpu.memory_space<vmem>>) dst(%dma_wait3A_293 : memref<10240x16xf32, #tpu.memory_space<vmem_shared>>)
          tpu.yield
        }) : () -> ()
      } else {
      }
      %ge3A_269 = arith.constant 1 : i32
      %ge3A_270 = arith.cmpi sge, %add3A_244, %ge3A_269 : i32
      %add3A_271 = arith.constant 4 : i32
      %add3A_272 = arith.addi %add3A_244, %add3A_271 : i32
      %sub3A_273 = arith.constant 1 : i32
      %sub3A_274 = arith.subi %add3A_272, %sub3A_273 : i32
      %lt3A_275 = arith.constant 160 : i32
      %lt3A_276 = arith.cmpi slt, %sub3A_274, %lt3A_275 : i32
      %and3A_277 = arith.andi %ge3A_270, %lt3A_276 : i1
      %convert_element_type3A_278 = arith.extui %and3A_277 : i1 to i32
      %cond3A_279 = arith.constant 0 : i32
      %cond3A_280 = arith.cmpi ne, %convert_element_type3A_278, %cond3A_279 : i32
      scf.if %cond3A_280 {
        %sub3A_282 = arith.constant 1 : i32
        %sub3A_283 = arith.subi %add3A_244, %sub3A_282 : i32
        %dma_wait3A_284 = arith.constant 0 : i32
        %dma_wait3A_285 = tpu.memref_slice %arg9[%sub3A_283, %dma_wait3A_284] : memref<160x128xi32, #tpu.memory_space<vmem>> -> memref<1x128xi32, #tpu.memory_space<vmem>>
        %dma_wait3A_286 = tpu.memref_squeeze %dma_wait3A_285 : memref<1x128xi32, #tpu.memory_space<vmem>> -> memref<128xi32, #tpu.memory_space<vmem>>
        %dma_wait3A_287 = arith.constant 0 : i32
        %dma_wait3A_288 = arith.constant 0 : i32
        %dma_wait3A_289 = tpu.memref_slice %arg23[%dma_wait3A_287, %dma_wait3A_288] : memref<10240x64xf32, #tpu.memory_space<vmem_shared>> -> memref<10240x64xf32, #tpu.memory_space<vmem_shared>>
        tpu.wait_indirect_dma semaphore(%arg20 : memref<!tpu.dma_semaphore, #tpu.memory_space<semaphore_mem>>) src(%arg12 : memref<128x64xf32, #tpu.memory_space<vmem>>) dst(%dma_wait3A_289 : memref<10240x64xf32, #tpu.memory_space<vmem_shared>>)
        %add3A_290 = arith.constant 4 : i32
        %add3A_291 = arith.addi %add3A_244, %add3A_290 : i32
        %sub3A_292 = arith.constant 1 : i32
        %sub3A_293 = arith.subi %add3A_291, %sub3A_292 : i32
        %dma_start3A_294 = arith.constant 0 : i32
        %dma_start3A_295 = tpu.memref_slice %arg8[%sub3A_293, %dma_start3A_294] : memref<160x128xi32, #tpu.memory_space<vmem>> -> memref<1x128xi32, #tpu.memory_space<vmem>>
        %dma_start3A_296 = tpu.memref_squeeze %dma_start3A_295 : memref<1x128xi32, #tpu.memory_space<vmem>> -> memref<128xi32, #tpu.memory_space<vmem>>
        %dma_start3A_297 = arith.constant 0 : i32
        %dma_start3A_298 = tpu.memref_slice %arg2[%arg0, %dma_start3A_297] : memref<20000x64xf32, #tpu.memory_space<hbm>> -> memref<19999x64xf32, #tpu.memory_space<hbm>>
        %dma_start3A_299 = arith.constant 0 : i32
        %dma_start3A_300 = arith.constant 0 : i32
        %dma_start3A_301 = tpu.memref_slice %dma_start3A_298[%dma_start3A_299, %dma_start3A_300] : memref<19999x64xf32, #tpu.memory_space<hbm>> -> memref<19999x64xf32, #tpu.memory_space<hbm>>
        tpu.enqueue_indirect_dma source(%dma_start3A_301 : memref<19999x64xf32, #tpu.memory_space<hbm>>) target(%arg12 : memref<128x64xf32, #tpu.memory_space<vmem>>) offsets(%dma_start3A_296 : memref<128xi32, #tpu.memory_space<vmem>>) semaphore(%arg16 : memref<!tpu.dma_semaphore, #tpu.memory_space<semaphore_mem>>)
      } else {
      }
      %scan3A_281 = arith.constant 0 : i32
      scf.yield %scan3A_281 : i32
    }
    %scan3A_86 = arith.constant 40 : i32
    %dma_wait3A = arith.constant 156 : i32
    %dma_wait3A_87 = arith.constant 0 : i32
    %dma_wait3A_88 = tpu.memref_slice %arg9[%dma_wait3A, %dma_wait3A_87] : memref<160x128xi32, #tpu.memory_space<vmem>> -> memref<1x128xi32, #tpu.memory_space<vmem>>
    %dma_wait3A_89 = tpu.memref_squeeze %dma_wait3A_88 : memref<1x128xi32, #tpu.memory_space<vmem>> -> memref<128xi32, #tpu.memory_space<vmem>>
    %dma_wait3A_90 = arith.constant 0 : i32
    %dma_wait3A_91 = arith.constant 0 : i32
    %dma_wait3A_92 = tpu.memref_slice %arg23[%dma_wait3A_90, %dma_wait3A_91] : memref<10240x64xf32, #tpu.memory_space<vmem_shared>> -> memref<10240x64xf32, #tpu.memory_space<vmem_shared>>
    tpu.wait_indirect_dma semaphore(%arg18 : memref<!tpu.dma_semaphore, #tpu.memory_space<semaphore_mem>>) src(%arg10 : memref<128x64xf32, #tpu.memory_space<vmem>>) dst(%dma_wait3A_92 : memref<10240x64xf32, #tpu.memory_space<vmem_shared>>)
    %dma_wait3A_93 = arith.constant 157 : i32
    %dma_wait3A_94 = arith.constant 0 : i32
    %dma_wait3A_95 = tpu.memref_slice %arg9[%dma_wait3A_93, %dma_wait3A_94] : memref<160x128xi32, #tpu.memory_space<vmem>> -> memref<1x128xi32, #tpu.memory_space<vmem>>
    %dma_wait3A_96 = tpu.memref_squeeze %dma_wait3A_95 : memref<1x128xi32, #tpu.memory_space<vmem>> -> memref<128xi32, #tpu.memory_space<vmem>>
    %dma_wait3A_97 = arith.constant 0 : i32
    %dma_wait3A_98 = arith.constant 0 : i32
    %dma_wait3A_99 = tpu.memref_slice %arg23[%dma_wait3A_97, %dma_wait3A_98] : memref<10240x64xf32, #tpu.memory_space<vmem_shared>> -> memref<10240x64xf32, #tpu.memory_space<vmem_shared>>
    tpu.wait_indirect_dma semaphore(%arg19 : memref<!tpu.dma_semaphore, #tpu.memory_space<semaphore_mem>>) src(%arg11 : memref<128x64xf32, #tpu.memory_space<vmem>>) dst(%dma_wait3A_99 : memref<10240x64xf32, #tpu.memory_space<vmem_shared>>)
    %dma_wait3A_100 = arith.constant 158 : i32
    %dma_wait3A_101 = arith.constant 0 : i32
    %dma_wait3A_102 = tpu.memref_slice %arg9[%dma_wait3A_100, %dma_wait3A_101] : memref<160x128xi32, #tpu.memory_space<vmem>> -> memref<1x128xi32, #tpu.memory_space<vmem>>
    %dma_wait3A_103 = tpu.memref_squeeze %dma_wait3A_102 : memref<1x128xi32, #tpu.memory_space<vmem>> -> memref<128xi32, #tpu.memory_space<vmem>>
    %dma_wait3A_104 = arith.constant 0 : i32
    %dma_wait3A_105 = arith.constant 0 : i32
    %dma_wait3A_106 = tpu.memref_slice %arg23[%dma_wait3A_104, %dma_wait3A_105] : memref<10240x64xf32, #tpu.memory_space<vmem_shared>> -> memref<10240x64xf32, #tpu.memory_space<vmem_shared>>
    tpu.wait_indirect_dma semaphore(%arg20 : memref<!tpu.dma_semaphore, #tpu.memory_space<semaphore_mem>>) src(%arg12 : memref<128x64xf32, #tpu.memory_space<vmem>>) dst(%dma_wait3A_106 : memref<10240x64xf32, #tpu.memory_space<vmem_shared>>)
    %dma_wait3A_107 = arith.constant 159 : i32
    %dma_wait3A_108 = arith.constant 0 : i32
    %dma_wait3A_109 = tpu.memref_slice %arg9[%dma_wait3A_107, %dma_wait3A_108] : memref<160x128xi32, #tpu.memory_space<vmem>> -> memref<1x128xi32, #tpu.memory_space<vmem>>
    %dma_wait3A_110 = tpu.memref_squeeze %dma_wait3A_109 : memref<1x128xi32, #tpu.memory_space<vmem>> -> memref<128xi32, #tpu.memory_space<vmem>>
    %dma_wait3A_111 = arith.constant 0 : i32
    %dma_wait3A_112 = arith.constant 0 : i32
    %dma_wait3A_113 = tpu.memref_slice %arg23[%dma_wait3A_111, %dma_wait3A_112] : memref<10240x64xf32, #tpu.memory_space<vmem_shared>> -> memref<10240x64xf32, #tpu.memory_space<vmem_shared>>
    tpu.wait_indirect_dma semaphore(%arg21 : memref<!tpu.dma_semaphore, #tpu.memory_space<semaphore_mem>>) src(%arg13 : memref<128x64xf32, #tpu.memory_space<vmem>>) dst(%dma_wait3A_113 : memref<10240x64xf32, #tpu.memory_space<vmem_shared>>)
    %barrier3A_114 = arith.constant 0 : index
    tpu.barrier barrier_id(%barrier3A_114)
    %mul3A_115 = arith.constant 640 : i32
    %mul3A_116 = arith.muli %arg1, %mul3A_115 : i32
    %eq3A = arith.constant 0 : i32
    %eq3A_117 = arith.cmpi eq, %arg0, %eq3A : i32
    %convert_element_type3A = arith.extui %eq3A_117 : i1 to i32
    %cond3A = arith.constant 0 : i32
    %cond3A_118 = arith.cmpi ne, %convert_element_type3A, %cond3A : i32
    scf.if %cond3A_118 {
      "tpu.region"() ({
        %run_scoped3A = tpu.sem_alloc : memref<!tpu.dma_semaphore, #tpu.memory_space<semaphore_mem>>
        %dma_start3A_124 = arith.constant 0 : i32
        %dma_start3A_125 = tpu.memref_slice %arg6[%mul3A_116, %dma_start3A_124] : memref<10240x128xf32, #tpu.memory_space<hbm>> -> memref<640x64xf32, #tpu.memory_space<hbm>>
        %dma_start3A_126 = arith.constant 0 : i32
        %dma_start3A_127 = tpu.memref_slice %arg23[%mul3A_116, %dma_start3A_126] : memref<10240x64xf32, #tpu.memory_space<vmem_shared>> -> memref<640x64xf32, #tpu.memory_space<vmem_shared>>
        tpu.enqueue_dma source(%dma_start3A_127 : memref<640x64xf32, #tpu.memory_space<vmem_shared>>) target(%dma_start3A_125 : memref<640x64xf32, #tpu.memory_space<hbm>>) target_semaphore(%run_scoped3A : memref<!tpu.dma_semaphore, #tpu.memory_space<semaphore_mem>>)
        %dma_wait3A_128 = arith.constant 0 : i32
        %dma_wait3A_129 = tpu.memref_slice %arg6[%mul3A_116, %dma_wait3A_128] : memref<10240x128xf32, #tpu.memory_space<hbm>> -> memref<640x64xf32, #tpu.memory_space<hbm>>
        %dma_wait3A_130 = arith.constant 0 : i32
        %dma_wait3A_131 = tpu.memref_slice %arg23[%mul3A_116, %dma_wait3A_130] : memref<10240x64xf32, #tpu.memory_space<vmem_shared>> -> memref<640x64xf32, #tpu.memory_space<vmem_shared>>
        tpu.wait_dma2 semaphore(%run_scoped3A : memref<!tpu.dma_semaphore, #tpu.memory_space<semaphore_mem>>) src(%dma_wait3A_131 : memref<640x64xf32, #tpu.memory_space<vmem_shared>>) dst(%dma_wait3A_129 : memref<640x64xf32, #tpu.memory_space<hbm>>)
        tpu.yield
      }) : () -> ()
    } else {
    }
    %eq3A_119 = arith.constant 1 : i32
    %eq3A_120 = arith.cmpi eq, %arg0, %eq3A_119 : i32
    %convert_element_type3A_121 = arith.extui %eq3A_120 : i1 to i32
    %cond3A_122 = arith.constant 0 : i32
    %cond3A_123 = arith.cmpi ne, %convert_element_type3A_121, %cond3A_122 : i32
    scf.if %cond3A_123 {
      "tpu.region"() ({
        %run_scoped3A = tpu.sem_alloc : memref<!tpu.dma_semaphore, #tpu.memory_space<semaphore_mem>>
        %dma_start3A_124 = arith.constant 64 : i32
        %dma_start3A_125 = tpu.memref_slice %arg6[%mul3A_116, %dma_start3A_124] : memref<10240x128xf32, #tpu.memory_space<hbm>> -> memref<640x64xf32, #tpu.memory_space<hbm>>
        %dma_start3A_126 = arith.constant 0 : i32
        %dma_start3A_127 = tpu.memref_slice %arg23[%mul3A_116, %dma_start3A_126] : memref<10240x64xf32, #tpu.memory_space<vmem_shared>> -> memref<640x64xf32, #tpu.memory_space<vmem_shared>>
        tpu.enqueue_dma source(%dma_start3A_127 : memref<640x64xf32, #tpu.memory_space<vmem_shared>>) target(%dma_start3A_125 : memref<640x64xf32, #tpu.memory_space<hbm>>) target_semaphore(%run_scoped3A : memref<!tpu.dma_semaphore, #tpu.memory_space<semaphore_mem>>)
        %dma_wait3A_128 = arith.constant 64 : i32
        %dma_wait3A_129 = tpu.memref_slice %arg6[%mul3A_116, %dma_wait3A_128] : memref<10240x128xf32, #tpu.memory_space<hbm>> -> memref<640x64xf32, #tpu.memory_space<hbm>>
        %dma_wait3A_130 = arith.constant 0 : i32
        %dma_wait3A_131 = tpu.memref_slice %arg23[%mul3A_116, %dma_wait3A_130] : memref<10240x64xf32, #tpu.memory_space<vmem_shared>> -> memref<640x64xf32, #tpu.memory_space<vmem_shared>>
        tpu.wait_dma2 semaphore(%run_scoped3A : memref<!tpu.dma_semaphore, #tpu.memory_space<semaphore_mem>>) src(%dma_wait3A_131 : memref<640x64xf32, #tpu.memory_space<vmem_shared>>) dst(%dma_wait3A_129 : memref<640x64xf32, #tpu.memory_space<hbm>>)
        tpu.yield
      }) : () -> ()
    } else {
    }
    "tpu.region"() ({
      %run_scoped3A = tpu.sem_alloc : memref<!tpu.dma_semaphore, #tpu.memory_space<semaphore_mem>>
      %dma_start3A_124 = arith.constant 0 : i32
      %dma_start3A_125 = arith.constant 0 : i32
      %dma_start3A_126 = tpu.memref_slice %arg7[%arg0, %dma_start3A_124, %dma_start3A_125] : memref<2x10240x16xf32, #tpu.memory_space<hbm>> -> memref<1x10240x16xf32, #tpu.memory_space<hbm>>
      %dma_start3A_127 = tpu.memref_squeeze %dma_start3A_126 : memref<1x10240x16xf32, #tpu.memory_space<hbm>> -> memref<10240x16xf32, #tpu.memory_space<hbm>>
      %dma_start3A_128 = arith.constant 0 : i32
      %dma_start3A_129 = tpu.memref_slice %dma_start3A_127[%mul3A_116, %dma_start3A_128] : memref<10240x16xf32, #tpu.memory_space<hbm>> -> memref<640x16xf32, #tpu.memory_space<hbm>>
      %dma_start3A_130 = arith.constant 0 : i32
      %dma_start3A_131 = tpu.memref_slice %arg24[%mul3A_116, %dma_start3A_130] : memref<10240x16xf32, #tpu.memory_space<vmem_shared>> -> memref<640x16xf32, #tpu.memory_space<vmem_shared>>
      tpu.enqueue_dma source(%dma_start3A_131 : memref<640x16xf32, #tpu.memory_space<vmem_shared>>) target(%dma_start3A_129 : memref<640x16xf32, #tpu.memory_space<hbm>>) target_semaphore(%run_scoped3A : memref<!tpu.dma_semaphore, #tpu.memory_space<semaphore_mem>>)
      %dma_wait3A_132 = arith.constant 0 : i32
      %dma_wait3A_133 = arith.constant 0 : i32
      %dma_wait3A_134 = tpu.memref_slice %arg7[%arg0, %dma_wait3A_132, %dma_wait3A_133] : memref<2x10240x16xf32, #tpu.memory_space<hbm>> -> memref<1x10240x16xf32, #tpu.memory_space<hbm>>
      %dma_wait3A_135 = tpu.memref_squeeze %dma_wait3A_134 : memref<1x10240x16xf32, #tpu.memory_space<hbm>> -> memref<10240x16xf32, #tpu.memory_space<hbm>>
      %dma_wait3A_136 = arith.constant 0 : i32
      %dma_wait3A_137 = tpu.memref_slice %dma_wait3A_135[%mul3A_116, %dma_wait3A_136] : memref<10240x16xf32, #tpu.memory_space<hbm>> -> memref<640x16xf32, #tpu.memory_space<hbm>>
      %dma_wait3A_138 = arith.constant 0 : i32
      %dma_wait3A_139 = tpu.memref_slice %arg24[%mul3A_116, %dma_wait3A_138] : memref<10240x16xf32, #tpu.memory_space<vmem_shared>> -> memref<640x16xf32, #tpu.memory_space<vmem_shared>>
      tpu.wait_dma2 semaphore(%run_scoped3A : memref<!tpu.dma_semaphore, #tpu.memory_space<semaphore_mem>>) src(%dma_wait3A_139 : memref<640x16xf32, #tpu.memory_space<vmem_shared>>) dst(%dma_wait3A_137 : memref<640x16xf32, #tpu.memory_space<hbm>>)
      tpu.yield
    }) : () -> ()
    return
  }
}

#map = affine_map<(d0, d1) -> (0, 0)>
#map1 = affine_map<(d0, d1) -> (0, 0, 0)>
module attributes {stable_mosaic.version = 14 : i64} {
  func.func @body(%arg0: i32, %arg1: i32, %arg2: memref<20000x64xf32, #tpu.memory_space<hbm>>, %arg3: memref<16x160x128xi32, #tpu.memory_space<hbm>>, %arg4: memref<16x160x128xi32, #tpu.memory_space<hbm>>, %arg5: memref<128x16xf32, #tpu.memory_space<hbm>>, %arg6: memref<10240x128xf32, #tpu.memory_space<hbm>>, %arg7: memref<160x128xi32, #tpu.memory_space<vmem>>, %arg8: memref<160x128xi32, #tpu.memory_space<vmem>>, %arg9: memref<128x64xf32, #tpu.memory_space<vmem>>, %arg10: memref<128x64xf32, #tpu.memory_space<vmem>>, %arg11: memref<128x64xf32, #tpu.memory_space<vmem>>, %arg12: memref<128x64xf32, #tpu.memory_space<vmem>>, %arg13: memref<128x64xf32, #tpu.memory_space<vmem>>, %arg14: memref<!tpu.dma_semaphore, #tpu.memory_space<semaphore_mem>>, %arg15: memref<!tpu.dma_semaphore, #tpu.memory_space<semaphore_mem>>, %arg16: memref<!tpu.dma_semaphore, #tpu.memory_space<semaphore_mem>>, %arg17: memref<!tpu.dma_semaphore, #tpu.memory_space<semaphore_mem>>, %arg18: memref<!tpu.dma_semaphore, #tpu.memory_space<semaphore_mem>>, %arg19: memref<!tpu.dma_semaphore, #tpu.memory_space<semaphore_mem>>, %arg20: memref<!tpu.dma_semaphore, #tpu.memory_space<semaphore_mem>>, %arg21: memref<!tpu.dma_semaphore, #tpu.memory_space<semaphore_mem>>, %arg22: memref<!tpu.dma_semaphore, #tpu.memory_space<semaphore_mem>>, %arg23: memref<!tpu.dma_semaphore, #tpu.memory_space<semaphore_mem>>, %arg24: memref<10240x64xf32, #tpu.memory_space<vmem_shared>>) attributes {dimension_semantics = [#tpu.dimension_semantics<core_parallel>, #tpu.dimension_semantics<subcore_parallel>], iteration_bounds = array<i64: 2, 16>, scalar_prefetch = 0 : i64, scratch_operands = 18 : i64, tpu.core_type = #tpu.core_type<sc_vector_subcore>, window_params = [{transform_indices = #map}, {transform_indices = #map1}, {transform_indices = #map1}, {transform_indices = #map}, {transform_indices = #map}]} {
    "tpu.region"() ({
      %run_scoped3A = tpu.sem_alloc : memref<!tpu.dma_semaphore, #tpu.memory_space<semaphore_mem>>
      %dma_start3A_120 = arith.constant 0 : i32
      %dma_start3A_121 = arith.constant 0 : i32
      %dma_start3A_122 = tpu.memref_slice %arg3[%arg1, %dma_start3A_120, %dma_start3A_121] : memref<16x160x128xi32, #tpu.memory_space<hbm>> -> memref<1x160x128xi32, #tpu.memory_space<hbm>>
      %dma_start3A_123 = tpu.memref_squeeze %dma_start3A_122 : memref<1x160x128xi32, #tpu.memory_space<hbm>> -> memref<160x128xi32, #tpu.memory_space<hbm>>
      %dma_start3A_124 = arith.constant 0 : i32
      %dma_start3A_125 = arith.constant 0 : i32
      %dma_start3A_126 = tpu.memref_slice %arg3[%arg1, %dma_start3A_124, %dma_start3A_125] : memref<16x160x128xi32, #tpu.memory_space<hbm>> -> memref<1x160x128xi32, #tpu.memory_space<hbm>>
      %dma_start3A_127 = tpu.memref_squeeze %dma_start3A_126 : memref<1x160x128xi32, #tpu.memory_space<hbm>> -> memref<160x128xi32, #tpu.memory_space<hbm>>
      tpu.enqueue_dma source(%dma_start3A_127 : memref<160x128xi32, #tpu.memory_space<hbm>>) target(%arg7 : memref<160x128xi32, #tpu.memory_space<vmem>>) target_semaphore(%run_scoped3A : memref<!tpu.dma_semaphore, #tpu.memory_space<semaphore_mem>>)
      %dma_wait3A_128 = arith.constant 0 : i32
      %dma_wait3A_129 = arith.constant 0 : i32
      %dma_wait3A_130 = tpu.memref_slice %arg3[%arg1, %dma_wait3A_128, %dma_wait3A_129] : memref<16x160x128xi32, #tpu.memory_space<hbm>> -> memref<1x160x128xi32, #tpu.memory_space<hbm>>
      %dma_wait3A_131 = tpu.memref_squeeze %dma_wait3A_130 : memref<1x160x128xi32, #tpu.memory_space<hbm>> -> memref<160x128xi32, #tpu.memory_space<hbm>>
      %dma_wait3A_132 = arith.constant 0 : i32
      %dma_wait3A_133 = arith.constant 0 : i32
      %dma_wait3A_134 = tpu.memref_slice %arg3[%arg1, %dma_wait3A_132, %dma_wait3A_133] : memref<16x160x128xi32, #tpu.memory_space<hbm>> -> memref<1x160x128xi32, #tpu.memory_space<hbm>>
      %dma_wait3A_135 = tpu.memref_squeeze %dma_wait3A_134 : memref<1x160x128xi32, #tpu.memory_space<hbm>> -> memref<160x128xi32, #tpu.memory_space<hbm>>
      tpu.wait_dma2 semaphore(%run_scoped3A : memref<!tpu.dma_semaphore, #tpu.memory_space<semaphore_mem>>) src(%dma_wait3A_135 : memref<160x128xi32, #tpu.memory_space<hbm>>) dst(%arg7 : memref<160x128xi32, #tpu.memory_space<vmem>>)
      tpu.yield
    }) : () -> ()
    "tpu.region"() ({
      %run_scoped3A = tpu.sem_alloc : memref<!tpu.dma_semaphore, #tpu.memory_space<semaphore_mem>>
      %dma_start3A_120 = arith.constant 0 : i32
      %dma_start3A_121 = arith.constant 0 : i32
      %dma_start3A_122 = tpu.memref_slice %arg4[%arg1, %dma_start3A_120, %dma_start3A_121] : memref<16x160x128xi32, #tpu.memory_space<hbm>> -> memref<1x160x128xi32, #tpu.memory_space<hbm>>
      %dma_start3A_123 = tpu.memref_squeeze %dma_start3A_122 : memref<1x160x128xi32, #tpu.memory_space<hbm>> -> memref<160x128xi32, #tpu.memory_space<hbm>>
      %dma_start3A_124 = arith.constant 0 : i32
      %dma_start3A_125 = arith.constant 0 : i32
      %dma_start3A_126 = tpu.memref_slice %arg4[%arg1, %dma_start3A_124, %dma_start3A_125] : memref<16x160x128xi32, #tpu.memory_space<hbm>> -> memref<1x160x128xi32, #tpu.memory_space<hbm>>
      %dma_start3A_127 = tpu.memref_squeeze %dma_start3A_126 : memref<1x160x128xi32, #tpu.memory_space<hbm>> -> memref<160x128xi32, #tpu.memory_space<hbm>>
      tpu.enqueue_dma source(%dma_start3A_127 : memref<160x128xi32, #tpu.memory_space<hbm>>) target(%arg8 : memref<160x128xi32, #tpu.memory_space<vmem>>) target_semaphore(%run_scoped3A : memref<!tpu.dma_semaphore, #tpu.memory_space<semaphore_mem>>)
      %dma_wait3A_128 = arith.constant 0 : i32
      %dma_wait3A_129 = arith.constant 0 : i32
      %dma_wait3A_130 = tpu.memref_slice %arg4[%arg1, %dma_wait3A_128, %dma_wait3A_129] : memref<16x160x128xi32, #tpu.memory_space<hbm>> -> memref<1x160x128xi32, #tpu.memory_space<hbm>>
      %dma_wait3A_131 = tpu.memref_squeeze %dma_wait3A_130 : memref<1x160x128xi32, #tpu.memory_space<hbm>> -> memref<160x128xi32, #tpu.memory_space<hbm>>
      %dma_wait3A_132 = arith.constant 0 : i32
      %dma_wait3A_133 = arith.constant 0 : i32
      %dma_wait3A_134 = tpu.memref_slice %arg4[%arg1, %dma_wait3A_132, %dma_wait3A_133] : memref<16x160x128xi32, #tpu.memory_space<hbm>> -> memref<1x160x128xi32, #tpu.memory_space<hbm>>
      %dma_wait3A_135 = tpu.memref_squeeze %dma_wait3A_134 : memref<1x160x128xi32, #tpu.memory_space<hbm>> -> memref<160x128xi32, #tpu.memory_space<hbm>>
      tpu.wait_dma2 semaphore(%run_scoped3A : memref<!tpu.dma_semaphore, #tpu.memory_space<semaphore_mem>>) src(%dma_wait3A_135 : memref<160x128xi32, #tpu.memory_space<hbm>>) dst(%arg8 : memref<160x128xi32, #tpu.memory_space<vmem>>)
      tpu.yield
    }) : () -> ()
    %broadcast_in_dim3A = arith.constant 0.000000e+00 : f32
    %broadcast_in_dim3A_0 = vector.broadcast %broadcast_in_dim3A : f32 to vector<16xf32>
    %scan3A = arith.constant 0 : i32
    %scan3A_1 = arith.constant 0 : i32
    %scan3A_2 = arith.constant 128 : i32
    %scan3A_3 = arith.addi %scan3A_1, %scan3A_2 : i32
    %scan3A_4 = arith.constant 1 : i32
    %scan3A_5 = scf.for %scan3A_120 = %scan3A_1 to %scan3A_3 step %scan3A_4 iter_args(%scan3A_121 = %scan3A) -> (i32)  : i32 {
      %swap3A = arith.index_cast %scan3A_120 : i32 to index
      %swap3A_122 = arith.constant 0 : index
      %swap3A_123 = tpu.vector_load %arg9[%swap3A, %swap3A_122] {strides = array<i32>} : memref<128x64xf32, #tpu.memory_space<vmem>>, vector<1x16xf32>,
      %swap3A_124 = vector.shape_cast %swap3A_123 : vector<1x16xf32> to vector<16xf32>
      %swap3A_125 = vector.shape_cast %broadcast_in_dim3A_0 : vector<16xf32> to vector<1x16xf32>
      tpu.vector_store %arg9[%swap3A, %swap3A_122], %swap3A_125 {strides = array<i32>} : memref<128x64xf32, #tpu.memory_space<vmem>>, vector<1x16xf32>,
      %swap3A_126 = arith.index_cast %scan3A_120 : i32 to index
      %swap3A_127 = arith.constant 16 : index
      %swap3A_128 = tpu.vector_load %arg9[%swap3A_126, %swap3A_127] {strides = array<i32>} : memref<128x64xf32, #tpu.memory_space<vmem>>, vector<1x16xf32>,
      %swap3A_129 = vector.shape_cast %swap3A_128 : vector<1x16xf32> to vector<16xf32>
      %swap3A_130 = vector.shape_cast %broadcast_in_dim3A_0 : vector<16xf32> to vector<1x16xf32>
      tpu.vector_store %arg9[%swap3A_126, %swap3A_127], %swap3A_130 {strides = array<i32>} : memref<128x64xf32, #tpu.memory_space<vmem>>, vector<1x16xf32>,
      %swap3A_131 = arith.index_cast %scan3A_120 : i32 to index
      %swap3A_132 = arith.constant 32 : index
      %swap3A_133 = tpu.vector_load %arg9[%swap3A_131, %swap3A_132] {strides = array<i32>} : memref<128x64xf32, #tpu.memory_space<vmem>>, vector<1x16xf32>,
      %swap3A_134 = vector.shape_cast %swap3A_133 : vector<1x16xf32> to vector<16xf32>
      %swap3A_135 = vector.shape_cast %broadcast_in_dim3A_0 : vector<16xf32> to vector<1x16xf32>
      tpu.vector_store %arg9[%swap3A_131, %swap3A_132], %swap3A_135 {strides = array<i32>} : memref<128x64xf32, #tpu.memory_space<vmem>>, vector<1x16xf32>,
      %swap3A_136 = arith.index_cast %scan3A_120 : i32 to index
      %swap3A_137 = arith.constant 48 : index
      %swap3A_138 = tpu.vector_load %arg9[%swap3A_136, %swap3A_137] {strides = array<i32>} : memref<128x64xf32, #tpu.memory_space<vmem>>, vector<1x16xf32>,
      %swap3A_139 = vector.shape_cast %swap3A_138 : vector<1x16xf32> to vector<16xf32>
      %swap3A_140 = vector.shape_cast %broadcast_in_dim3A_0 : vector<16xf32> to vector<1x16xf32>
      tpu.vector_store %arg9[%swap3A_136, %swap3A_137], %swap3A_140 {strides = array<i32>} : memref<128x64xf32, #tpu.memory_space<vmem>>, vector<1x16xf32>,
      %scan3A_141 = arith.constant 0 : i32
      scf.yield %scan3A_141 : i32
    }
    %scan3A_6 = arith.constant 128 : i32
    %mul3A = arith.constant 640 : i32
    %mul3A_7 = arith.muli %arg1, %mul3A : i32
    %add3A = arith.constant 0 : i32
    %add3A_8 = arith.addi %mul3A_7, %add3A : i32
    "tpu.region"() ({
      %run_scoped3A = tpu.sem_alloc : memref<!tpu.dma_semaphore, #tpu.memory_space<semaphore_mem>>
      %dma_start3A_120 = arith.constant 0 : i32
      %dma_start3A_121 = tpu.memref_slice %arg24[%add3A_8, %dma_start3A_120] : memref<10240x64xf32, #tpu.memory_space<vmem_shared>> -> memref<128x64xf32, #tpu.memory_space<vmem_shared>>
      %dma_start3A_122 = arith.constant 0 : i32
      %dma_start3A_123 = tpu.memref_slice %arg24[%add3A_8, %dma_start3A_122] : memref<10240x64xf32, #tpu.memory_space<vmem_shared>> -> memref<128x64xf32, #tpu.memory_space<vmem_shared>>
      tpu.enqueue_dma source(%arg9 : memref<128x64xf32, #tpu.memory_space<vmem>>) target(%dma_start3A_123 : memref<128x64xf32, #tpu.memory_space<vmem_shared>>) target_semaphore(%run_scoped3A : memref<!tpu.dma_semaphore, #tpu.memory_space<semaphore_mem>>)
      %dma_wait3A_124 = arith.constant 0 : i32
      %dma_wait3A_125 = tpu.memref_slice %arg24[%add3A_8, %dma_wait3A_124] : memref<10240x64xf32, #tpu.memory_space<vmem_shared>> -> memref<128x64xf32, #tpu.memory_space<vmem_shared>>
      %dma_wait3A_126 = arith.constant 0 : i32
      %dma_wait3A_127 = tpu.memref_slice %arg24[%add3A_8, %dma_wait3A_126] : memref<10240x64xf32, #tpu.memory_space<vmem_shared>> -> memref<128x64xf32, #tpu.memory_space<vmem_shared>>
      tpu.wait_dma2 semaphore(%run_scoped3A : memref<!tpu.dma_semaphore, #tpu.memory_space<semaphore_mem>>) src(%arg9 : memref<128x64xf32, #tpu.memory_space<vmem>>) dst(%dma_wait3A_127 : memref<128x64xf32, #tpu.memory_space<vmem_shared>>)
      tpu.yield
    }) : () -> ()
    %mul3A_9 = arith.constant 640 : i32
    %mul3A_10 = arith.muli %arg1, %mul3A_9 : i32
    %add3A_11 = arith.constant 128 : i32
    %add3A_12 = arith.addi %mul3A_10, %add3A_11 : i32
    "tpu.region"() ({
      %run_scoped3A = tpu.sem_alloc : memref<!tpu.dma_semaphore, #tpu.memory_space<semaphore_mem>>
      %dma_start3A_120 = arith.constant 0 : i32
      %dma_start3A_121 = tpu.memref_slice %arg24[%add3A_12, %dma_start3A_120] : memref<10240x64xf32, #tpu.memory_space<vmem_shared>> -> memref<128x64xf32, #tpu.memory_space<vmem_shared>>
      %dma_start3A_122 = arith.constant 0 : i32
      %dma_start3A_123 = tpu.memref_slice %arg24[%add3A_12, %dma_start3A_122] : memref<10240x64xf32, #tpu.memory_space<vmem_shared>> -> memref<128x64xf32, #tpu.memory_space<vmem_shared>>
      tpu.enqueue_dma source(%arg9 : memref<128x64xf32, #tpu.memory_space<vmem>>) target(%dma_start3A_123 : memref<128x64xf32, #tpu.memory_space<vmem_shared>>) target_semaphore(%run_scoped3A : memref<!tpu.dma_semaphore, #tpu.memory_space<semaphore_mem>>)
      %dma_wait3A_124 = arith.constant 0 : i32
      %dma_wait3A_125 = tpu.memref_slice %arg24[%add3A_12, %dma_wait3A_124] : memref<10240x64xf32, #tpu.memory_space<vmem_shared>> -> memref<128x64xf32, #tpu.memory_space<vmem_shared>>
      %dma_wait3A_126 = arith.constant 0 : i32
      %dma_wait3A_127 = tpu.memref_slice %arg24[%add3A_12, %dma_wait3A_126] : memref<10240x64xf32, #tpu.memory_space<vmem_shared>> -> memref<128x64xf32, #tpu.memory_space<vmem_shared>>
      tpu.wait_dma2 semaphore(%run_scoped3A : memref<!tpu.dma_semaphore, #tpu.memory_space<semaphore_mem>>) src(%arg9 : memref<128x64xf32, #tpu.memory_space<vmem>>) dst(%dma_wait3A_127 : memref<128x64xf32, #tpu.memory_space<vmem_shared>>)
      tpu.yield
    }) : () -> ()
    %mul3A_13 = arith.constant 640 : i32
    %mul3A_14 = arith.muli %arg1, %mul3A_13 : i32
    %add3A_15 = arith.constant 256 : i32
    %add3A_16 = arith.addi %mul3A_14, %add3A_15 : i32
    "tpu.region"() ({
      %run_scoped3A = tpu.sem_alloc : memref<!tpu.dma_semaphore, #tpu.memory_space<semaphore_mem>>
      %dma_start3A_120 = arith.constant 0 : i32
      %dma_start3A_121 = tpu.memref_slice %arg24[%add3A_16, %dma_start3A_120] : memref<10240x64xf32, #tpu.memory_space<vmem_shared>> -> memref<128x64xf32, #tpu.memory_space<vmem_shared>>
      %dma_start3A_122 = arith.constant 0 : i32
      %dma_start3A_123 = tpu.memref_slice %arg24[%add3A_16, %dma_start3A_122] : memref<10240x64xf32, #tpu.memory_space<vmem_shared>> -> memref<128x64xf32, #tpu.memory_space<vmem_shared>>
      tpu.enqueue_dma source(%arg9 : memref<128x64xf32, #tpu.memory_space<vmem>>) target(%dma_start3A_123 : memref<128x64xf32, #tpu.memory_space<vmem_shared>>) target_semaphore(%run_scoped3A : memref<!tpu.dma_semaphore, #tpu.memory_space<semaphore_mem>>)
      %dma_wait3A_124 = arith.constant 0 : i32
      %dma_wait3A_125 = tpu.memref_slice %arg24[%add3A_16, %dma_wait3A_124] : memref<10240x64xf32, #tpu.memory_space<vmem_shared>> -> memref<128x64xf32, #tpu.memory_space<vmem_shared>>
      %dma_wait3A_126 = arith.constant 0 : i32
      %dma_wait3A_127 = tpu.memref_slice %arg24[%add3A_16, %dma_wait3A_126] : memref<10240x64xf32, #tpu.memory_space<vmem_shared>> -> memref<128x64xf32, #tpu.memory_space<vmem_shared>>
      tpu.wait_dma2 semaphore(%run_scoped3A : memref<!tpu.dma_semaphore, #tpu.memory_space<semaphore_mem>>) src(%arg9 : memref<128x64xf32, #tpu.memory_space<vmem>>) dst(%dma_wait3A_127 : memref<128x64xf32, #tpu.memory_space<vmem_shared>>)
      tpu.yield
    }) : () -> ()
    %mul3A_17 = arith.constant 640 : i32
    %mul3A_18 = arith.muli %arg1, %mul3A_17 : i32
    %add3A_19 = arith.constant 384 : i32
    %add3A_20 = arith.addi %mul3A_18, %add3A_19 : i32
    "tpu.region"() ({
      %run_scoped3A = tpu.sem_alloc : memref<!tpu.dma_semaphore, #tpu.memory_space<semaphore_mem>>
      %dma_start3A_120 = arith.constant 0 : i32
      %dma_start3A_121 = tpu.memref_slice %arg24[%add3A_20, %dma_start3A_120] : memref<10240x64xf32, #tpu.memory_space<vmem_shared>> -> memref<128x64xf32, #tpu.memory_space<vmem_shared>>
      %dma_start3A_122 = arith.constant 0 : i32
      %dma_start3A_123 = tpu.memref_slice %arg24[%add3A_20, %dma_start3A_122] : memref<10240x64xf32, #tpu.memory_space<vmem_shared>> -> memref<128x64xf32, #tpu.memory_space<vmem_shared>>
      tpu.enqueue_dma source(%arg9 : memref<128x64xf32, #tpu.memory_space<vmem>>) target(%dma_start3A_123 : memref<128x64xf32, #tpu.memory_space<vmem_shared>>) target_semaphore(%run_scoped3A : memref<!tpu.dma_semaphore, #tpu.memory_space<semaphore_mem>>)
      %dma_wait3A_124 = arith.constant 0 : i32
      %dma_wait3A_125 = tpu.memref_slice %arg24[%add3A_20, %dma_wait3A_124] : memref<10240x64xf32, #tpu.memory_space<vmem_shared>> -> memref<128x64xf32, #tpu.memory_space<vmem_shared>>
      %dma_wait3A_126 = arith.constant 0 : i32
      %dma_wait3A_127 = tpu.memref_slice %arg24[%add3A_20, %dma_wait3A_126] : memref<10240x64xf32, #tpu.memory_space<vmem_shared>> -> memref<128x64xf32, #tpu.memory_space<vmem_shared>>
      tpu.wait_dma2 semaphore(%run_scoped3A : memref<!tpu.dma_semaphore, #tpu.memory_space<semaphore_mem>>) src(%arg9 : memref<128x64xf32, #tpu.memory_space<vmem>>) dst(%dma_wait3A_127 : memref<128x64xf32, #tpu.memory_space<vmem_shared>>)
      tpu.yield
    }) : () -> ()
    %mul3A_21 = arith.constant 640 : i32
    %mul3A_22 = arith.muli %arg1, %mul3A_21 : i32
    %add3A_23 = arith.constant 512 : i32
    %add3A_24 = arith.addi %mul3A_22, %add3A_23 : i32
    "tpu.region"() ({
      %run_scoped3A = tpu.sem_alloc : memref<!tpu.dma_semaphore, #tpu.memory_space<semaphore_mem>>
      %dma_start3A_120 = arith.constant 0 : i32
      %dma_start3A_121 = tpu.memref_slice %arg24[%add3A_24, %dma_start3A_120] : memref<10240x64xf32, #tpu.memory_space<vmem_shared>> -> memref<128x64xf32, #tpu.memory_space<vmem_shared>>
      %dma_start3A_122 = arith.constant 0 : i32
      %dma_start3A_123 = tpu.memref_slice %arg24[%add3A_24, %dma_start3A_122] : memref<10240x64xf32, #tpu.memory_space<vmem_shared>> -> memref<128x64xf32, #tpu.memory_space<vmem_shared>>
      tpu.enqueue_dma source(%arg9 : memref<128x64xf32, #tpu.memory_space<vmem>>) target(%dma_start3A_123 : memref<128x64xf32, #tpu.memory_space<vmem_shared>>) target_semaphore(%run_scoped3A : memref<!tpu.dma_semaphore, #tpu.memory_space<semaphore_mem>>)
      %dma_wait3A_124 = arith.constant 0 : i32
      %dma_wait3A_125 = tpu.memref_slice %arg24[%add3A_24, %dma_wait3A_124] : memref<10240x64xf32, #tpu.memory_space<vmem_shared>> -> memref<128x64xf32, #tpu.memory_space<vmem_shared>>
      %dma_wait3A_126 = arith.constant 0 : i32
      %dma_wait3A_127 = tpu.memref_slice %arg24[%add3A_24, %dma_wait3A_126] : memref<10240x64xf32, #tpu.memory_space<vmem_shared>> -> memref<128x64xf32, #tpu.memory_space<vmem_shared>>
      tpu.wait_dma2 semaphore(%run_scoped3A : memref<!tpu.dma_semaphore, #tpu.memory_space<semaphore_mem>>) src(%arg9 : memref<128x64xf32, #tpu.memory_space<vmem>>) dst(%dma_wait3A_127 : memref<128x64xf32, #tpu.memory_space<vmem_shared>>)
      tpu.yield
    }) : () -> ()
    %barrier3A = arith.constant 0 : index
    tpu.barrier barrier_id(%barrier3A)
    %dma_start3A = arith.constant 0 : i32
    %dma_start3A_25 = arith.constant 0 : i32
    %dma_start3A_26 = tpu.memref_slice %arg7[%dma_start3A, %dma_start3A_25] : memref<160x128xi32, #tpu.memory_space<vmem>> -> memref<1x128xi32, #tpu.memory_space<vmem>>
    %dma_start3A_27 = tpu.memref_squeeze %dma_start3A_26 : memref<1x128xi32, #tpu.memory_space<vmem>> -> memref<128xi32, #tpu.memory_space<vmem>>
    %dma_start3A_28 = arith.constant 0 : i32
    %dma_start3A_29 = tpu.memref_slice %arg2[%arg0, %dma_start3A_28] : memref<20000x64xf32, #tpu.memory_space<hbm>> -> memref<19999x64xf32, #tpu.memory_space<hbm>>
    %dma_start3A_30 = arith.constant 0 : i32
    %dma_start3A_31 = arith.constant 0 : i32
    %dma_start3A_32 = tpu.memref_slice %dma_start3A_29[%dma_start3A_30, %dma_start3A_31] : memref<19999x64xf32, #tpu.memory_space<hbm>> -> memref<19999x64xf32, #tpu.memory_space<hbm>>
    tpu.enqueue_indirect_dma source(%dma_start3A_32 : memref<19999x64xf32, #tpu.memory_space<hbm>>) target(%arg9 : memref<128x64xf32, #tpu.memory_space<vmem>>) offsets(%dma_start3A_27 : memref<128xi32, #tpu.memory_space<vmem>>) semaphore(%arg14 : memref<!tpu.dma_semaphore, #tpu.memory_space<semaphore_mem>>)
    %dma_start3A_33 = arith.constant 1 : i32
    %dma_start3A_34 = arith.constant 0 : i32
    %dma_start3A_35 = tpu.memref_slice %arg7[%dma_start3A_33, %dma_start3A_34] : memref<160x128xi32, #tpu.memory_space<vmem>> -> memref<1x128xi32, #tpu.memory_space<vmem>>
    %dma_start3A_36 = tpu.memref_squeeze %dma_start3A_35 : memref<1x128xi32, #tpu.memory_space<vmem>> -> memref<128xi32, #tpu.memory_space<vmem>>
    %dma_start3A_37 = arith.constant 0 : i32
    %dma_start3A_38 = tpu.memref_slice %arg2[%arg0, %dma_start3A_37] : memref<20000x64xf32, #tpu.memory_space<hbm>> -> memref<19999x64xf32, #tpu.memory_space<hbm>>
    %dma_start3A_39 = arith.constant 0 : i32
    %dma_start3A_40 = arith.constant 0 : i32
    %dma_start3A_41 = tpu.memref_slice %dma_start3A_38[%dma_start3A_39, %dma_start3A_40] : memref<19999x64xf32, #tpu.memory_space<hbm>> -> memref<19999x64xf32, #tpu.memory_space<hbm>>
    tpu.enqueue_indirect_dma source(%dma_start3A_41 : memref<19999x64xf32, #tpu.memory_space<hbm>>) target(%arg10 : memref<128x64xf32, #tpu.memory_space<vmem>>) offsets(%dma_start3A_36 : memref<128xi32, #tpu.memory_space<vmem>>) semaphore(%arg15 : memref<!tpu.dma_semaphore, #tpu.memory_space<semaphore_mem>>)
    %dma_start3A_42 = arith.constant 2 : i32
    %dma_start3A_43 = arith.constant 0 : i32
    %dma_start3A_44 = tpu.memref_slice %arg7[%dma_start3A_42, %dma_start3A_43] : memref<160x128xi32, #tpu.memory_space<vmem>> -> memref<1x128xi32, #tpu.memory_space<vmem>>
    %dma_start3A_45 = tpu.memref_squeeze %dma_start3A_44 : memref<1x128xi32, #tpu.memory_space<vmem>> -> memref<128xi32, #tpu.memory_space<vmem>>
    %dma_start3A_46 = arith.constant 0 : i32
    %dma_start3A_47 = tpu.memref_slice %arg2[%arg0, %dma_start3A_46] : memref<20000x64xf32, #tpu.memory_space<hbm>> -> memref<19999x64xf32, #tpu.memory_space<hbm>>
    %dma_start3A_48 = arith.constant 0 : i32
    %dma_start3A_49 = arith.constant 0 : i32
    %dma_start3A_50 = tpu.memref_slice %dma_start3A_47[%dma_start3A_48, %dma_start3A_49] : memref<19999x64xf32, #tpu.memory_space<hbm>> -> memref<19999x64xf32, #tpu.memory_space<hbm>>
    tpu.enqueue_indirect_dma source(%dma_start3A_50 : memref<19999x64xf32, #tpu.memory_space<hbm>>) target(%arg11 : memref<128x64xf32, #tpu.memory_space<vmem>>) offsets(%dma_start3A_45 : memref<128xi32, #tpu.memory_space<vmem>>) semaphore(%arg16 : memref<!tpu.dma_semaphore, #tpu.memory_space<semaphore_mem>>)
    %dma_start3A_51 = arith.constant 3 : i32
    %dma_start3A_52 = arith.constant 0 : i32
    %dma_start3A_53 = tpu.memref_slice %arg7[%dma_start3A_51, %dma_start3A_52] : memref<160x128xi32, #tpu.memory_space<vmem>> -> memref<1x128xi32, #tpu.memory_space<vmem>>
    %dma_start3A_54 = tpu.memref_squeeze %dma_start3A_53 : memref<1x128xi32, #tpu.memory_space<vmem>> -> memref<128xi32, #tpu.memory_space<vmem>>
    %dma_start3A_55 = arith.constant 0 : i32
    %dma_start3A_56 = tpu.memref_slice %arg2[%arg0, %dma_start3A_55] : memref<20000x64xf32, #tpu.memory_space<hbm>> -> memref<19999x64xf32, #tpu.memory_space<hbm>>
    %dma_start3A_57 = arith.constant 0 : i32
    %dma_start3A_58 = arith.constant 0 : i32
    %dma_start3A_59 = tpu.memref_slice %dma_start3A_56[%dma_start3A_57, %dma_start3A_58] : memref<19999x64xf32, #tpu.memory_space<hbm>> -> memref<19999x64xf32, #tpu.memory_space<hbm>>
    tpu.enqueue_indirect_dma source(%dma_start3A_59 : memref<19999x64xf32, #tpu.memory_space<hbm>>) target(%arg12 : memref<128x64xf32, #tpu.memory_space<vmem>>) offsets(%dma_start3A_54 : memref<128xi32, #tpu.memory_space<vmem>>) semaphore(%arg17 : memref<!tpu.dma_semaphore, #tpu.memory_space<semaphore_mem>>)
    %dma_start3A_60 = arith.constant 4 : i32
    %dma_start3A_61 = arith.constant 0 : i32
    %dma_start3A_62 = tpu.memref_slice %arg7[%dma_start3A_60, %dma_start3A_61] : memref<160x128xi32, #tpu.memory_space<vmem>> -> memref<1x128xi32, #tpu.memory_space<vmem>>
    %dma_start3A_63 = tpu.memref_squeeze %dma_start3A_62 : memref<1x128xi32, #tpu.memory_space<vmem>> -> memref<128xi32, #tpu.memory_space<vmem>>
    %dma_start3A_64 = arith.constant 0 : i32
    %dma_start3A_65 = tpu.memref_slice %arg2[%arg0, %dma_start3A_64] : memref<20000x64xf32, #tpu.memory_space<hbm>> -> memref<19999x64xf32, #tpu.memory_space<hbm>>
    %dma_start3A_66 = arith.constant 0 : i32
    %dma_start3A_67 = arith.constant 0 : i32
    %dma_start3A_68 = tpu.memref_slice %dma_start3A_65[%dma_start3A_66, %dma_start3A_67] : memref<19999x64xf32, #tpu.memory_space<hbm>> -> memref<19999x64xf32, #tpu.memory_space<hbm>>
    tpu.enqueue_indirect_dma source(%dma_start3A_68 : memref<19999x64xf32, #tpu.memory_space<hbm>>) target(%arg13 : memref<128x64xf32, #tpu.memory_space<vmem>>) offsets(%dma_start3A_63 : memref<128xi32, #tpu.memory_space<vmem>>) semaphore(%arg18 : memref<!tpu.dma_semaphore, #tpu.memory_space<semaphore_mem>>)
    %scan3A_69 = arith.constant 0 : i32
    %scan3A_70 = arith.constant 0 : i32
    %scan3A_71 = arith.constant 32 : i32
    %scan3A_72 = arith.addi %scan3A_70, %scan3A_71 : i32
    %scan3A_73 = arith.constant 1 : i32
    %scan3A_74 = scf.for %scan3A_120 = %scan3A_70 to %scan3A_72 step %scan3A_73 iter_args(%scan3A_121 = %scan3A_69) -> (i32)  : i32 {
      %mul3A_122 = arith.constant 5 : i32
      %mul3A_123 = arith.muli %scan3A_120, %mul3A_122 : i32
      %add3A_124 = arith.constant 0 : i32
      %add3A_125 = arith.addi %mul3A_123, %add3A_124 : i32
      %dma_wait3A_126 = arith.constant 0 : i32
      %dma_wait3A_127 = tpu.memref_slice %arg7[%add3A_125, %dma_wait3A_126] : memref<160x128xi32, #tpu.memory_space<vmem>> -> memref<1x128xi32, #tpu.memory_space<vmem>>
      %dma_wait3A_128 = tpu.memref_squeeze %dma_wait3A_127 : memref<1x128xi32, #tpu.memory_space<vmem>> -> memref<128xi32, #tpu.memory_space<vmem>>
      %dma_wait3A_129 = arith.constant 0 : i32
      %dma_wait3A_130 = tpu.memref_slice %arg2[%arg0, %dma_wait3A_129] : memref<20000x64xf32, #tpu.memory_space<hbm>> -> memref<19999x64xf32, #tpu.memory_space<hbm>>
      %dma_wait3A_131 = arith.constant 0 : i32
      %dma_wait3A_132 = arith.constant 0 : i32
      %dma_wait3A_133 = tpu.memref_slice %dma_wait3A_130[%dma_wait3A_131, %dma_wait3A_132] : memref<19999x64xf32, #tpu.memory_space<hbm>> -> memref<19999x64xf32, #tpu.memory_space<hbm>>
      tpu.wait_indirect_dma semaphore(%arg14 : memref<!tpu.dma_semaphore, #tpu.memory_space<semaphore_mem>>) src(%dma_wait3A_133 : memref<19999x64xf32, #tpu.memory_space<hbm>>) dst(%arg9 : memref<128x64xf32, #tpu.memory_space<vmem>>)
      %dma_start3A_134 = arith.constant 0 : i32
      %dma_start3A_135 = tpu.memref_slice %arg8[%add3A_125, %dma_start3A_134] : memref<160x128xi32, #tpu.memory_space<vmem>> -> memref<1x128xi32, #tpu.memory_space<vmem>>
      %dma_start3A_136 = tpu.memref_squeeze %dma_start3A_135 : memref<1x128xi32, #tpu.memory_space<vmem>> -> memref<128xi32, #tpu.memory_space<vmem>>
      %dma_start3A_137 = arith.constant 0 : i32
      %dma_start3A_138 = arith.constant 0 : i32
      %dma_start3A_139 = tpu.memref_slice %arg24[%dma_start3A_137, %dma_start3A_138] : memref<10240x64xf32, #tpu.memory_space<vmem_shared>> -> memref<10240x64xf32, #tpu.memory_space<vmem_shared>>
      tpu.enqueue_indirect_dma source(%arg9 : memref<128x64xf32, #tpu.memory_space<vmem>>) target(%dma_start3A_139 : memref<10240x64xf32, #tpu.memory_space<vmem_shared>>) offsets(%dma_start3A_136 : memref<128xi32, #tpu.memory_space<vmem>>) semaphore(%arg19 : memref<!tpu.dma_semaphore, #tpu.memory_space<semaphore_mem>>) {add = true}
      %ge3A = arith.constant 1 : i32
      %ge3A_140 = arith.cmpi sge, %add3A_125, %ge3A : i32
      %add3A_141 = arith.constant 5 : i32
      %add3A_142 = arith.addi %add3A_125, %add3A_141 : i32
      %sub3A = arith.constant 1 : i32
      %sub3A_143 = arith.subi %add3A_142, %sub3A : i32
      %lt3A = arith.constant 160 : i32
      %lt3A_144 = arith.cmpi slt, %sub3A_143, %lt3A : i32
      %and3A = arith.andi %ge3A_140, %lt3A_144 : i1
      %convert_element_type3A_145 = arith.extui %and3A : i1 to i32
      %cond3A_146 = arith.constant 0 : i32
      %cond3A_147 = arith.cmpi ne, %convert_element_type3A_145, %cond3A_146 : i32
      scf.if %cond3A_147 {
        %sub3A_269 = arith.constant 1 : i32
        %sub3A_270 = arith.subi %add3A_125, %sub3A_269 : i32
        %dma_wait3A_271 = arith.constant 0 : i32
        %dma_wait3A_272 = tpu.memref_slice %arg8[%sub3A_270, %dma_wait3A_271] : memref<160x128xi32, #tpu.memory_space<vmem>> -> memref<1x128xi32, #tpu.memory_space<vmem>>
        %dma_wait3A_273 = tpu.memref_squeeze %dma_wait3A_272 : memref<1x128xi32, #tpu.memory_space<vmem>> -> memref<128xi32, #tpu.memory_space<vmem>>
        %dma_wait3A_274 = arith.constant 0 : i32
        %dma_wait3A_275 = arith.constant 0 : i32
        %dma_wait3A_276 = tpu.memref_slice %arg24[%dma_wait3A_274, %dma_wait3A_275] : memref<10240x64xf32, #tpu.memory_space<vmem_shared>> -> memref<10240x64xf32, #tpu.memory_space<vmem_shared>>
        tpu.wait_indirect_dma semaphore(%arg23 : memref<!tpu.dma_semaphore, #tpu.memory_space<semaphore_mem>>) src(%arg13 : memref<128x64xf32, #tpu.memory_space<vmem>>) dst(%dma_wait3A_276 : memref<10240x64xf32, #tpu.memory_space<vmem_shared>>)
        %add3A_277 = arith.constant 5 : i32
        %add3A_278 = arith.addi %add3A_125, %add3A_277 : i32
        %sub3A_279 = arith.constant 1 : i32
        %sub3A_280 = arith.subi %add3A_278, %sub3A_279 : i32
        %dma_start3A_281 = arith.constant 0 : i32
        %dma_start3A_282 = tpu.memref_slice %arg7[%sub3A_280, %dma_start3A_281] : memref<160x128xi32, #tpu.memory_space<vmem>> -> memref<1x128xi32, #tpu.memory_space<vmem>>
        %dma_start3A_283 = tpu.memref_squeeze %dma_start3A_282 : memref<1x128xi32, #tpu.memory_space<vmem>> -> memref<128xi32, #tpu.memory_space<vmem>>
        %dma_start3A_284 = arith.constant 0 : i32
        %dma_start3A_285 = tpu.memref_slice %arg2[%arg0, %dma_start3A_284] : memref<20000x64xf32, #tpu.memory_space<hbm>> -> memref<19999x64xf32, #tpu.memory_space<hbm>>
        %dma_start3A_286 = arith.constant 0 : i32
        %dma_start3A_287 = arith.constant 0 : i32
        %dma_start3A_288 = tpu.memref_slice %dma_start3A_285[%dma_start3A_286, %dma_start3A_287] : memref<19999x64xf32, #tpu.memory_space<hbm>> -> memref<19999x64xf32, #tpu.memory_space<hbm>>
        tpu.enqueue_indirect_dma source(%dma_start3A_288 : memref<19999x64xf32, #tpu.memory_space<hbm>>) target(%arg13 : memref<128x64xf32, #tpu.memory_space<vmem>>) offsets(%dma_start3A_283 : memref<128xi32, #tpu.memory_space<vmem>>) semaphore(%arg18 : memref<!tpu.dma_semaphore, #tpu.memory_space<semaphore_mem>>)
      } else {
      }
      %mul3A_148 = arith.constant 5 : i32
      %mul3A_149 = arith.muli %scan3A_120, %mul3A_148 : i32
      %add3A_150 = arith.constant 1 : i32
      %add3A_151 = arith.addi %mul3A_149, %add3A_150 : i32
      %dma_wait3A_152 = arith.constant 0 : i32
      %dma_wait3A_153 = tpu.memref_slice %arg7[%add3A_151, %dma_wait3A_152] : memref<160x128xi32, #tpu.memory_space<vmem>> -> memref<1x128xi32, #tpu.memory_space<vmem>>
      %dma_wait3A_154 = tpu.memref_squeeze %dma_wait3A_153 : memref<1x128xi32, #tpu.memory_space<vmem>> -> memref<128xi32, #tpu.memory_space<vmem>>
      %dma_wait3A_155 = arith.constant 0 : i32
      %dma_wait3A_156 = tpu.memref_slice %arg2[%arg0, %dma_wait3A_155] : memref<20000x64xf32, #tpu.memory_space<hbm>> -> memref<19999x64xf32, #tpu.memory_space<hbm>>
      %dma_wait3A_157 = arith.constant 0 : i32
      %dma_wait3A_158 = arith.constant 0 : i32
      %dma_wait3A_159 = tpu.memref_slice %dma_wait3A_156[%dma_wait3A_157, %dma_wait3A_158] : memref<19999x64xf32, #tpu.memory_space<hbm>> -> memref<19999x64xf32, #tpu.memory_space<hbm>>
      tpu.wait_indirect_dma semaphore(%arg15 : memref<!tpu.dma_semaphore, #tpu.memory_space<semaphore_mem>>) src(%dma_wait3A_159 : memref<19999x64xf32, #tpu.memory_space<hbm>>) dst(%arg10 : memref<128x64xf32, #tpu.memory_space<vmem>>)
      %dma_start3A_160 = arith.constant 0 : i32
      %dma_start3A_161 = tpu.memref_slice %arg8[%add3A_151, %dma_start3A_160] : memref<160x128xi32, #tpu.memory_space<vmem>> -> memref<1x128xi32, #tpu.memory_space<vmem>>
      %dma_start3A_162 = tpu.memref_squeeze %dma_start3A_161 : memref<1x128xi32, #tpu.memory_space<vmem>> -> memref<128xi32, #tpu.memory_space<vmem>>
      %dma_start3A_163 = arith.constant 0 : i32
      %dma_start3A_164 = arith.constant 0 : i32
      %dma_start3A_165 = tpu.memref_slice %arg24[%dma_start3A_163, %dma_start3A_164] : memref<10240x64xf32, #tpu.memory_space<vmem_shared>> -> memref<10240x64xf32, #tpu.memory_space<vmem_shared>>
      tpu.enqueue_indirect_dma source(%arg10 : memref<128x64xf32, #tpu.memory_space<vmem>>) target(%dma_start3A_165 : memref<10240x64xf32, #tpu.memory_space<vmem_shared>>) offsets(%dma_start3A_162 : memref<128xi32, #tpu.memory_space<vmem>>) semaphore(%arg20 : memref<!tpu.dma_semaphore, #tpu.memory_space<semaphore_mem>>) {add = true}
      %ge3A_166 = arith.constant 1 : i32
      %ge3A_167 = arith.cmpi sge, %add3A_151, %ge3A_166 : i32
      %add3A_168 = arith.constant 5 : i32
      %add3A_169 = arith.addi %add3A_151, %add3A_168 : i32
      %sub3A_170 = arith.constant 1 : i32
      %sub3A_171 = arith.subi %add3A_169, %sub3A_170 : i32
      %lt3A_172 = arith.constant 160 : i32
      %lt3A_173 = arith.cmpi slt, %sub3A_171, %lt3A_172 : i32
      %and3A_174 = arith.andi %ge3A_167, %lt3A_173 : i1
      %convert_element_type3A_175 = arith.extui %and3A_174 : i1 to i32
      %cond3A_176 = arith.constant 0 : i32
      %cond3A_177 = arith.cmpi ne, %convert_element_type3A_175, %cond3A_176 : i32
      scf.if %cond3A_177 {
        %sub3A_269 = arith.constant 1 : i32
        %sub3A_270 = arith.subi %add3A_151, %sub3A_269 : i32
        %dma_wait3A_271 = arith.constant 0 : i32
        %dma_wait3A_272 = tpu.memref_slice %arg8[%sub3A_270, %dma_wait3A_271] : memref<160x128xi32, #tpu.memory_space<vmem>> -> memref<1x128xi32, #tpu.memory_space<vmem>>
        %dma_wait3A_273 = tpu.memref_squeeze %dma_wait3A_272 : memref<1x128xi32, #tpu.memory_space<vmem>> -> memref<128xi32, #tpu.memory_space<vmem>>
        %dma_wait3A_274 = arith.constant 0 : i32
        %dma_wait3A_275 = arith.constant 0 : i32
        %dma_wait3A_276 = tpu.memref_slice %arg24[%dma_wait3A_274, %dma_wait3A_275] : memref<10240x64xf32, #tpu.memory_space<vmem_shared>> -> memref<10240x64xf32, #tpu.memory_space<vmem_shared>>
        tpu.wait_indirect_dma semaphore(%arg19 : memref<!tpu.dma_semaphore, #tpu.memory_space<semaphore_mem>>) src(%arg9 : memref<128x64xf32, #tpu.memory_space<vmem>>) dst(%dma_wait3A_276 : memref<10240x64xf32, #tpu.memory_space<vmem_shared>>)
        %add3A_277 = arith.constant 5 : i32
        %add3A_278 = arith.addi %add3A_151, %add3A_277 : i32
        %sub3A_279 = arith.constant 1 : i32
        %sub3A_280 = arith.subi %add3A_278, %sub3A_279 : i32
        %dma_start3A_281 = arith.constant 0 : i32
        %dma_start3A_282 = tpu.memref_slice %arg7[%sub3A_280, %dma_start3A_281] : memref<160x128xi32, #tpu.memory_space<vmem>> -> memref<1x128xi32, #tpu.memory_space<vmem>>
        %dma_start3A_283 = tpu.memref_squeeze %dma_start3A_282 : memref<1x128xi32, #tpu.memory_space<vmem>> -> memref<128xi32, #tpu.memory_space<vmem>>
        %dma_start3A_284 = arith.constant 0 : i32
        %dma_start3A_285 = tpu.memref_slice %arg2[%arg0, %dma_start3A_284] : memref<20000x64xf32, #tpu.memory_space<hbm>> -> memref<19999x64xf32, #tpu.memory_space<hbm>>
        %dma_start3A_286 = arith.constant 0 : i32
        %dma_start3A_287 = arith.constant 0 : i32
        %dma_start3A_288 = tpu.memref_slice %dma_start3A_285[%dma_start3A_286, %dma_start3A_287] : memref<19999x64xf32, #tpu.memory_space<hbm>> -> memref<19999x64xf32, #tpu.memory_space<hbm>>
        tpu.enqueue_indirect_dma source(%dma_start3A_288 : memref<19999x64xf32, #tpu.memory_space<hbm>>) target(%arg9 : memref<128x64xf32, #tpu.memory_space<vmem>>) offsets(%dma_start3A_283 : memref<128xi32, #tpu.memory_space<vmem>>) semaphore(%arg14 : memref<!tpu.dma_semaphore, #tpu.memory_space<semaphore_mem>>)
      } else {
      }
      %mul3A_178 = arith.constant 5 : i32
      %mul3A_179 = arith.muli %scan3A_120, %mul3A_178 : i32
      %add3A_180 = arith.constant 2 : i32
      %add3A_181 = arith.addi %mul3A_179, %add3A_180 : i32
      %dma_wait3A_182 = arith.constant 0 : i32
      %dma_wait3A_183 = tpu.memref_slice %arg7[%add3A_181, %dma_wait3A_182] : memref<160x128xi32, #tpu.memory_space<vmem>> -> memref<1x128xi32, #tpu.memory_space<vmem>>
      %dma_wait3A_184 = tpu.memref_squeeze %dma_wait3A_183 : memref<1x128xi32, #tpu.memory_space<vmem>> -> memref<128xi32, #tpu.memory_space<vmem>>
      %dma_wait3A_185 = arith.constant 0 : i32
      %dma_wait3A_186 = tpu.memref_slice %arg2[%arg0, %dma_wait3A_185] : memref<20000x64xf32, #tpu.memory_space<hbm>> -> memref<19999x64xf32, #tpu.memory_space<hbm>>
      %dma_wait3A_187 = arith.constant 0 : i32
      %dma_wait3A_188 = arith.constant 0 : i32
      %dma_wait3A_189 = tpu.memref_slice %dma_wait3A_186[%dma_wait3A_187, %dma_wait3A_188] : memref<19999x64xf32, #tpu.memory_space<hbm>> -> memref<19999x64xf32, #tpu.memory_space<hbm>>
      tpu.wait_indirect_dma semaphore(%arg16 : memref<!tpu.dma_semaphore, #tpu.memory_space<semaphore_mem>>) src(%dma_wait3A_189 : memref<19999x64xf32, #tpu.memory_space<hbm>>) dst(%arg11 : memref<128x64xf32, #tpu.memory_space<vmem>>)
      %dma_start3A_190 = arith.constant 0 : i32
      %dma_start3A_191 = tpu.memref_slice %arg8[%add3A_181, %dma_start3A_190] : memref<160x128xi32, #tpu.memory_space<vmem>> -> memref<1x128xi32, #tpu.memory_space<vmem>>
      %dma_start3A_192 = tpu.memref_squeeze %dma_start3A_191 : memref<1x128xi32, #tpu.memory_space<vmem>> -> memref<128xi32, #tpu.memory_space<vmem>>
      %dma_start3A_193 = arith.constant 0 : i32
      %dma_start3A_194 = arith.constant 0 : i32
      %dma_start3A_195 = tpu.memref_slice %arg24[%dma_start3A_193, %dma_start3A_194] : memref<10240x64xf32, #tpu.memory_space<vmem_shared>> -> memref<10240x64xf32, #tpu.memory_space<vmem_shared>>
      tpu.enqueue_indirect_dma source(%arg11 : memref<128x64xf32, #tpu.memory_space<vmem>>) target(%dma_start3A_195 : memref<10240x64xf32, #tpu.memory_space<vmem_shared>>) offsets(%dma_start3A_192 : memref<128xi32, #tpu.memory_space<vmem>>) semaphore(%arg21 : memref<!tpu.dma_semaphore, #tpu.memory_space<semaphore_mem>>) {add = true}
      %ge3A_196 = arith.constant 1 : i32
      %ge3A_197 = arith.cmpi sge, %add3A_181, %ge3A_196 : i32
      %add3A_198 = arith.constant 5 : i32
      %add3A_199 = arith.addi %add3A_181, %add3A_198 : i32
      %sub3A_200 = arith.constant 1 : i32
      %sub3A_201 = arith.subi %add3A_199, %sub3A_200 : i32
      %lt3A_202 = arith.constant 160 : i32
      %lt3A_203 = arith.cmpi slt, %sub3A_201, %lt3A_202 : i32
      %and3A_204 = arith.andi %ge3A_197, %lt3A_203 : i1
      %convert_element_type3A_205 = arith.extui %and3A_204 : i1 to i32
      %cond3A_206 = arith.constant 0 : i32
      %cond3A_207 = arith.cmpi ne, %convert_element_type3A_205, %cond3A_206 : i32
      scf.if %cond3A_207 {
        %sub3A_269 = arith.constant 1 : i32
        %sub3A_270 = arith.subi %add3A_181, %sub3A_269 : i32
        %dma_wait3A_271 = arith.constant 0 : i32
        %dma_wait3A_272 = tpu.memref_slice %arg8[%sub3A_270, %dma_wait3A_271] : memref<160x128xi32, #tpu.memory_space<vmem>> -> memref<1x128xi32, #tpu.memory_space<vmem>>
        %dma_wait3A_273 = tpu.memref_squeeze %dma_wait3A_272 : memref<1x128xi32, #tpu.memory_space<vmem>> -> memref<128xi32, #tpu.memory_space<vmem>>
        %dma_wait3A_274 = arith.constant 0 : i32
        %dma_wait3A_275 = arith.constant 0 : i32
        %dma_wait3A_276 = tpu.memref_slice %arg24[%dma_wait3A_274, %dma_wait3A_275] : memref<10240x64xf32, #tpu.memory_space<vmem_shared>> -> memref<10240x64xf32, #tpu.memory_space<vmem_shared>>
        tpu.wait_indirect_dma semaphore(%arg20 : memref<!tpu.dma_semaphore, #tpu.memory_space<semaphore_mem>>) src(%arg10 : memref<128x64xf32, #tpu.memory_space<vmem>>) dst(%dma_wait3A_276 : memref<10240x64xf32, #tpu.memory_space<vmem_shared>>)
        %add3A_277 = arith.constant 5 : i32
        %add3A_278 = arith.addi %add3A_181, %add3A_277 : i32
        %sub3A_279 = arith.constant 1 : i32
        %sub3A_280 = arith.subi %add3A_278, %sub3A_279 : i32
        %dma_start3A_281 = arith.constant 0 : i32
        %dma_start3A_282 = tpu.memref_slice %arg7[%sub3A_280, %dma_start3A_281] : memref<160x128xi32, #tpu.memory_space<vmem>> -> memref<1x128xi32, #tpu.memory_space<vmem>>
        %dma_start3A_283 = tpu.memref_squeeze %dma_start3A_282 : memref<1x128xi32, #tpu.memory_space<vmem>> -> memref<128xi32, #tpu.memory_space<vmem>>
        %dma_start3A_284 = arith.constant 0 : i32
        %dma_start3A_285 = tpu.memref_slice %arg2[%arg0, %dma_start3A_284] : memref<20000x64xf32, #tpu.memory_space<hbm>> -> memref<19999x64xf32, #tpu.memory_space<hbm>>
        %dma_start3A_286 = arith.constant 0 : i32
        %dma_start3A_287 = arith.constant 0 : i32
        %dma_start3A_288 = tpu.memref_slice %dma_start3A_285[%dma_start3A_286, %dma_start3A_287] : memref<19999x64xf32, #tpu.memory_space<hbm>> -> memref<19999x64xf32, #tpu.memory_space<hbm>>
        tpu.enqueue_indirect_dma source(%dma_start3A_288 : memref<19999x64xf32, #tpu.memory_space<hbm>>) target(%arg10 : memref<128x64xf32, #tpu.memory_space<vmem>>) offsets(%dma_start3A_283 : memref<128xi32, #tpu.memory_space<vmem>>) semaphore(%arg15 : memref<!tpu.dma_semaphore, #tpu.memory_space<semaphore_mem>>)
      } else {
      }
      %mul3A_208 = arith.constant 5 : i32
      %mul3A_209 = arith.muli %scan3A_120, %mul3A_208 : i32
      %add3A_210 = arith.constant 3 : i32
      %add3A_211 = arith.addi %mul3A_209, %add3A_210 : i32
      %dma_wait3A_212 = arith.constant 0 : i32
      %dma_wait3A_213 = tpu.memref_slice %arg7[%add3A_211, %dma_wait3A_212] : memref<160x128xi32, #tpu.memory_space<vmem>> -> memref<1x128xi32, #tpu.memory_space<vmem>>
      %dma_wait3A_214 = tpu.memref_squeeze %dma_wait3A_213 : memref<1x128xi32, #tpu.memory_space<vmem>> -> memref<128xi32, #tpu.memory_space<vmem>>
      %dma_wait3A_215 = arith.constant 0 : i32
      %dma_wait3A_216 = tpu.memref_slice %arg2[%arg0, %dma_wait3A_215] : memref<20000x64xf32, #tpu.memory_space<hbm>> -> memref<19999x64xf32, #tpu.memory_space<hbm>>
      %dma_wait3A_217 = arith.constant 0 : i32
      %dma_wait3A_218 = arith.constant 0 : i32
      %dma_wait3A_219 = tpu.memref_slice %dma_wait3A_216[%dma_wait3A_217, %dma_wait3A_218] : memref<19999x64xf32, #tpu.memory_space<hbm>> -> memref<19999x64xf32, #tpu.memory_space<hbm>>
      tpu.wait_indirect_dma semaphore(%arg17 : memref<!tpu.dma_semaphore, #tpu.memory_space<semaphore_mem>>) src(%dma_wait3A_219 : memref<19999x64xf32, #tpu.memory_space<hbm>>) dst(%arg12 : memref<128x64xf32, #tpu.memory_space<vmem>>)
      %dma_start3A_220 = arith.constant 0 : i32
      %dma_start3A_221 = tpu.memref_slice %arg8[%add3A_211, %dma_start3A_220] : memref<160x128xi32, #tpu.memory_space<vmem>> -> memref<1x128xi32, #tpu.memory_space<vmem>>
      %dma_start3A_222 = tpu.memref_squeeze %dma_start3A_221 : memref<1x128xi32, #tpu.memory_space<vmem>> -> memref<128xi32, #tpu.memory_space<vmem>>
      %dma_start3A_223 = arith.constant 0 : i32
      %dma_start3A_224 = arith.constant 0 : i32
      %dma_start3A_225 = tpu.memref_slice %arg24[%dma_start3A_223, %dma_start3A_224] : memref<10240x64xf32, #tpu.memory_space<vmem_shared>> -> memref<10240x64xf32, #tpu.memory_space<vmem_shared>>
      tpu.enqueue_indirect_dma source(%arg12 : memref<128x64xf32, #tpu.memory_space<vmem>>) target(%dma_start3A_225 : memref<10240x64xf32, #tpu.memory_space<vmem_shared>>) offsets(%dma_start3A_222 : memref<128xi32, #tpu.memory_space<vmem>>) semaphore(%arg22 : memref<!tpu.dma_semaphore, #tpu.memory_space<semaphore_mem>>) {add = true}
      %ge3A_226 = arith.constant 1 : i32
      %ge3A_227 = arith.cmpi sge, %add3A_211, %ge3A_226 : i32
      %add3A_228 = arith.constant 5 : i32
      %add3A_229 = arith.addi %add3A_211, %add3A_228 : i32
      %sub3A_230 = arith.constant 1 : i32
      %sub3A_231 = arith.subi %add3A_229, %sub3A_230 : i32
      %lt3A_232 = arith.constant 160 : i32
      %lt3A_233 = arith.cmpi slt, %sub3A_231, %lt3A_232 : i32
      %and3A_234 = arith.andi %ge3A_227, %lt3A_233 : i1
      %convert_element_type3A_235 = arith.extui %and3A_234 : i1 to i32
      %cond3A_236 = arith.constant 0 : i32
      %cond3A_237 = arith.cmpi ne, %convert_element_type3A_235, %cond3A_236 : i32
      scf.if %cond3A_237 {
        %sub3A_269 = arith.constant 1 : i32
        %sub3A_270 = arith.subi %add3A_211, %sub3A_269 : i32
        %dma_wait3A_271 = arith.constant 0 : i32
        %dma_wait3A_272 = tpu.memref_slice %arg8[%sub3A_270, %dma_wait3A_271] : memref<160x128xi32, #tpu.memory_space<vmem>> -> memref<1x128xi32, #tpu.memory_space<vmem>>
        %dma_wait3A_273 = tpu.memref_squeeze %dma_wait3A_272 : memref<1x128xi32, #tpu.memory_space<vmem>> -> memref<128xi32, #tpu.memory_space<vmem>>
        %dma_wait3A_274 = arith.constant 0 : i32
        %dma_wait3A_275 = arith.constant 0 : i32
        %dma_wait3A_276 = tpu.memref_slice %arg24[%dma_wait3A_274, %dma_wait3A_275] : memref<10240x64xf32, #tpu.memory_space<vmem_shared>> -> memref<10240x64xf32, #tpu.memory_space<vmem_shared>>
        tpu.wait_indirect_dma semaphore(%arg21 : memref<!tpu.dma_semaphore, #tpu.memory_space<semaphore_mem>>) src(%arg11 : memref<128x64xf32, #tpu.memory_space<vmem>>) dst(%dma_wait3A_276 : memref<10240x64xf32, #tpu.memory_space<vmem_shared>>)
        %add3A_277 = arith.constant 5 : i32
        %add3A_278 = arith.addi %add3A_211, %add3A_277 : i32
        %sub3A_279 = arith.constant 1 : i32
        %sub3A_280 = arith.subi %add3A_278, %sub3A_279 : i32
        %dma_start3A_281 = arith.constant 0 : i32
        %dma_start3A_282 = tpu.memref_slice %arg7[%sub3A_280, %dma_start3A_281] : memref<160x128xi32, #tpu.memory_space<vmem>> -> memref<1x128xi32, #tpu.memory_space<vmem>>
        %dma_start3A_283 = tpu.memref_squeeze %dma_start3A_282 : memref<1x128xi32, #tpu.memory_space<vmem>> -> memref<128xi32, #tpu.memory_space<vmem>>
        %dma_start3A_284 = arith.constant 0 : i32
        %dma_start3A_285 = tpu.memref_slice %arg2[%arg0, %dma_start3A_284] : memref<20000x64xf32, #tpu.memory_space<hbm>> -> memref<19999x64xf32, #tpu.memory_space<hbm>>
        %dma_start3A_286 = arith.constant 0 : i32
        %dma_start3A_287 = arith.constant 0 : i32
        %dma_start3A_288 = tpu.memref_slice %dma_start3A_285[%dma_start3A_286, %dma_start3A_287] : memref<19999x64xf32, #tpu.memory_space<hbm>> -> memref<19999x64xf32, #tpu.memory_space<hbm>>
        tpu.enqueue_indirect_dma source(%dma_start3A_288 : memref<19999x64xf32, #tpu.memory_space<hbm>>) target(%arg11 : memref<128x64xf32, #tpu.memory_space<vmem>>) offsets(%dma_start3A_283 : memref<128xi32, #tpu.memory_space<vmem>>) semaphore(%arg16 : memref<!tpu.dma_semaphore, #tpu.memory_space<semaphore_mem>>)
      } else {
      }
      %mul3A_238 = arith.constant 5 : i32
      %mul3A_239 = arith.muli %scan3A_120, %mul3A_238 : i32
      %add3A_240 = arith.constant 4 : i32
      %add3A_241 = arith.addi %mul3A_239, %add3A_240 : i32
      %dma_wait3A_242 = arith.constant 0 : i32
      %dma_wait3A_243 = tpu.memref_slice %arg7[%add3A_241, %dma_wait3A_242] : memref<160x128xi32, #tpu.memory_space<vmem>> -> memref<1x128xi32, #tpu.memory_space<vmem>>
      %dma_wait3A_244 = tpu.memref_squeeze %dma_wait3A_243 : memref<1x128xi32, #tpu.memory_space<vmem>> -> memref<128xi32, #tpu.memory_space<vmem>>
      %dma_wait3A_245 = arith.constant 0 : i32
      %dma_wait3A_246 = tpu.memref_slice %arg2[%arg0, %dma_wait3A_245] : memref<20000x64xf32, #tpu.memory_space<hbm>> -> memref<19999x64xf32, #tpu.memory_space<hbm>>
      %dma_wait3A_247 = arith.constant 0 : i32
      %dma_wait3A_248 = arith.constant 0 : i32
      %dma_wait3A_249 = tpu.memref_slice %dma_wait3A_246[%dma_wait3A_247, %dma_wait3A_248] : memref<19999x64xf32, #tpu.memory_space<hbm>> -> memref<19999x64xf32, #tpu.memory_space<hbm>>
      tpu.wait_indirect_dma semaphore(%arg18 : memref<!tpu.dma_semaphore, #tpu.memory_space<semaphore_mem>>) src(%dma_wait3A_249 : memref<19999x64xf32, #tpu.memory_space<hbm>>) dst(%arg13 : memref<128x64xf32, #tpu.memory_space<vmem>>)
      %dma_start3A_250 = arith.constant 0 : i32
      %dma_start3A_251 = tpu.memref_slice %arg8[%add3A_241, %dma_start3A_250] : memref<160x128xi32, #tpu.memory_space<vmem>> -> memref<1x128xi32, #tpu.memory_space<vmem>>
      %dma_start3A_252 = tpu.memref_squeeze %dma_start3A_251 : memref<1x128xi32, #tpu.memory_space<vmem>> -> memref<128xi32, #tpu.memory_space<vmem>>
      %dma_start3A_253 = arith.constant 0 : i32
      %dma_start3A_254 = arith.constant 0 : i32
      %dma_start3A_255 = tpu.memref_slice %arg24[%dma_start3A_253, %dma_start3A_254] : memref<10240x64xf32, #tpu.memory_space<vmem_shared>> -> memref<10240x64xf32, #tpu.memory_space<vmem_shared>>
      tpu.enqueue_indirect_dma source(%arg13 : memref<128x64xf32, #tpu.memory_space<vmem>>) target(%dma_start3A_255 : memref<10240x64xf32, #tpu.memory_space<vmem_shared>>) offsets(%dma_start3A_252 : memref<128xi32, #tpu.memory_space<vmem>>) semaphore(%arg23 : memref<!tpu.dma_semaphore, #tpu.memory_space<semaphore_mem>>) {add = true}
      %ge3A_256 = arith.constant 1 : i32
      %ge3A_257 = arith.cmpi sge, %add3A_241, %ge3A_256 : i32
      %add3A_258 = arith.constant 5 : i32
      %add3A_259 = arith.addi %add3A_241, %add3A_258 : i32
      %sub3A_260 = arith.constant 1 : i32
      %sub3A_261 = arith.subi %add3A_259, %sub3A_260 : i32
      %lt3A_262 = arith.constant 160 : i32
      %lt3A_263 = arith.cmpi slt, %sub3A_261, %lt3A_262 : i32
      %and3A_264 = arith.andi %ge3A_257, %lt3A_263 : i1
      %convert_element_type3A_265 = arith.extui %and3A_264 : i1 to i32
      %cond3A_266 = arith.constant 0 : i32
      %cond3A_267 = arith.cmpi ne, %convert_element_type3A_265, %cond3A_266 : i32
      scf.if %cond3A_267 {
        %sub3A_269 = arith.constant 1 : i32
        %sub3A_270 = arith.subi %add3A_241, %sub3A_269 : i32
        %dma_wait3A_271 = arith.constant 0 : i32
        %dma_wait3A_272 = tpu.memref_slice %arg8[%sub3A_270, %dma_wait3A_271] : memref<160x128xi32, #tpu.memory_space<vmem>> -> memref<1x128xi32, #tpu.memory_space<vmem>>
        %dma_wait3A_273 = tpu.memref_squeeze %dma_wait3A_272 : memref<1x128xi32, #tpu.memory_space<vmem>> -> memref<128xi32, #tpu.memory_space<vmem>>
        %dma_wait3A_274 = arith.constant 0 : i32
        %dma_wait3A_275 = arith.constant 0 : i32
        %dma_wait3A_276 = tpu.memref_slice %arg24[%dma_wait3A_274, %dma_wait3A_275] : memref<10240x64xf32, #tpu.memory_space<vmem_shared>> -> memref<10240x64xf32, #tpu.memory_space<vmem_shared>>
        tpu.wait_indirect_dma semaphore(%arg22 : memref<!tpu.dma_semaphore, #tpu.memory_space<semaphore_mem>>) src(%arg12 : memref<128x64xf32, #tpu.memory_space<vmem>>) dst(%dma_wait3A_276 : memref<10240x64xf32, #tpu.memory_space<vmem_shared>>)
        %add3A_277 = arith.constant 5 : i32
        %add3A_278 = arith.addi %add3A_241, %add3A_277 : i32
        %sub3A_279 = arith.constant 1 : i32
        %sub3A_280 = arith.subi %add3A_278, %sub3A_279 : i32
        %dma_start3A_281 = arith.constant 0 : i32
        %dma_start3A_282 = tpu.memref_slice %arg7[%sub3A_280, %dma_start3A_281] : memref<160x128xi32, #tpu.memory_space<vmem>> -> memref<1x128xi32, #tpu.memory_space<vmem>>
        %dma_start3A_283 = tpu.memref_squeeze %dma_start3A_282 : memref<1x128xi32, #tpu.memory_space<vmem>> -> memref<128xi32, #tpu.memory_space<vmem>>
        %dma_start3A_284 = arith.constant 0 : i32
        %dma_start3A_285 = tpu.memref_slice %arg2[%arg0, %dma_start3A_284] : memref<20000x64xf32, #tpu.memory_space<hbm>> -> memref<19999x64xf32, #tpu.memory_space<hbm>>
        %dma_start3A_286 = arith.constant 0 : i32
        %dma_start3A_287 = arith.constant 0 : i32
        %dma_start3A_288 = tpu.memref_slice %dma_start3A_285[%dma_start3A_286, %dma_start3A_287] : memref<19999x64xf32, #tpu.memory_space<hbm>> -> memref<19999x64xf32, #tpu.memory_space<hbm>>
        tpu.enqueue_indirect_dma source(%dma_start3A_288 : memref<19999x64xf32, #tpu.memory_space<hbm>>) target(%arg12 : memref<128x64xf32, #tpu.memory_space<vmem>>) offsets(%dma_start3A_283 : memref<128xi32, #tpu.memory_space<vmem>>) semaphore(%arg17 : memref<!tpu.dma_semaphore, #tpu.memory_space<semaphore_mem>>)
      } else {
      }
      %scan3A_268 = arith.constant 0 : i32
      scf.yield %scan3A_268 : i32
    }
    %scan3A_75 = arith.constant 32 : i32
    %dma_wait3A = arith.constant 155 : i32
    %dma_wait3A_76 = arith.constant 0 : i32
    %dma_wait3A_77 = tpu.memref_slice %arg8[%dma_wait3A, %dma_wait3A_76] : memref<160x128xi32, #tpu.memory_space<vmem>> -> memref<1x128xi32, #tpu.memory_space<vmem>>
    %dma_wait3A_78 = tpu.memref_squeeze %dma_wait3A_77 : memref<1x128xi32, #tpu.memory_space<vmem>> -> memref<128xi32, #tpu.memory_space<vmem>>
    %dma_wait3A_79 = arith.constant 0 : i32
    %dma_wait3A_80 = arith.constant 0 : i32
    %dma_wait3A_81 = tpu.memref_slice %arg24[%dma_wait3A_79, %dma_wait3A_80] : memref<10240x64xf32, #tpu.memory_space<vmem_shared>> -> memref<10240x64xf32, #tpu.memory_space<vmem_shared>>
    tpu.wait_indirect_dma semaphore(%arg19 : memref<!tpu.dma_semaphore, #tpu.memory_space<semaphore_mem>>) src(%arg9 : memref<128x64xf32, #tpu.memory_space<vmem>>) dst(%dma_wait3A_81 : memref<10240x64xf32, #tpu.memory_space<vmem_shared>>)
    %dma_wait3A_82 = arith.constant 156 : i32
    %dma_wait3A_83 = arith.constant 0 : i32
    %dma_wait3A_84 = tpu.memref_slice %arg8[%dma_wait3A_82, %dma_wait3A_83] : memref<160x128xi32, #tpu.memory_space<vmem>> -> memref<1x128xi32, #tpu.memory_space<vmem>>
    %dma_wait3A_85 = tpu.memref_squeeze %dma_wait3A_84 : memref<1x128xi32, #tpu.memory_space<vmem>> -> memref<128xi32, #tpu.memory_space<vmem>>
    %dma_wait3A_86 = arith.constant 0 : i32
    %dma_wait3A_87 = arith.constant 0 : i32
    %dma_wait3A_88 = tpu.memref_slice %arg24[%dma_wait3A_86, %dma_wait3A_87] : memref<10240x64xf32, #tpu.memory_space<vmem_shared>> -> memref<10240x64xf32, #tpu.memory_space<vmem_shared>>
    tpu.wait_indirect_dma semaphore(%arg20 : memref<!tpu.dma_semaphore, #tpu.memory_space<semaphore_mem>>) src(%arg10 : memref<128x64xf32, #tpu.memory_space<vmem>>) dst(%dma_wait3A_88 : memref<10240x64xf32, #tpu.memory_space<vmem_shared>>)
    %dma_wait3A_89 = arith.constant 157 : i32
    %dma_wait3A_90 = arith.constant 0 : i32
    %dma_wait3A_91 = tpu.memref_slice %arg8[%dma_wait3A_89, %dma_wait3A_90] : memref<160x128xi32, #tpu.memory_space<vmem>> -> memref<1x128xi32, #tpu.memory_space<vmem>>
    %dma_wait3A_92 = tpu.memref_squeeze %dma_wait3A_91 : memref<1x128xi32, #tpu.memory_space<vmem>> -> memref<128xi32, #tpu.memory_space<vmem>>
    %dma_wait3A_93 = arith.constant 0 : i32
    %dma_wait3A_94 = arith.constant 0 : i32
    %dma_wait3A_95 = tpu.memref_slice %arg24[%dma_wait3A_93, %dma_wait3A_94] : memref<10240x64xf32, #tpu.memory_space<vmem_shared>> -> memref<10240x64xf32, #tpu.memory_space<vmem_shared>>
    tpu.wait_indirect_dma semaphore(%arg21 : memref<!tpu.dma_semaphore, #tpu.memory_space<semaphore_mem>>) src(%arg11 : memref<128x64xf32, #tpu.memory_space<vmem>>) dst(%dma_wait3A_95 : memref<10240x64xf32, #tpu.memory_space<vmem_shared>>)
    %dma_wait3A_96 = arith.constant 158 : i32
    %dma_wait3A_97 = arith.constant 0 : i32
    %dma_wait3A_98 = tpu.memref_slice %arg8[%dma_wait3A_96, %dma_wait3A_97] : memref<160x128xi32, #tpu.memory_space<vmem>> -> memref<1x128xi32, #tpu.memory_space<vmem>>
    %dma_wait3A_99 = tpu.memref_squeeze %dma_wait3A_98 : memref<1x128xi32, #tpu.memory_space<vmem>> -> memref<128xi32, #tpu.memory_space<vmem>>
    %dma_wait3A_100 = arith.constant 0 : i32
    %dma_wait3A_101 = arith.constant 0 : i32
    %dma_wait3A_102 = tpu.memref_slice %arg24[%dma_wait3A_100, %dma_wait3A_101] : memref<10240x64xf32, #tpu.memory_space<vmem_shared>> -> memref<10240x64xf32, #tpu.memory_space<vmem_shared>>
    tpu.wait_indirect_dma semaphore(%arg22 : memref<!tpu.dma_semaphore, #tpu.memory_space<semaphore_mem>>) src(%arg12 : memref<128x64xf32, #tpu.memory_space<vmem>>) dst(%dma_wait3A_102 : memref<10240x64xf32, #tpu.memory_space<vmem_shared>>)
    %dma_wait3A_103 = arith.constant 159 : i32
    %dma_wait3A_104 = arith.constant 0 : i32
    %dma_wait3A_105 = tpu.memref_slice %arg8[%dma_wait3A_103, %dma_wait3A_104] : memref<160x128xi32, #tpu.memory_space<vmem>> -> memref<1x128xi32, #tpu.memory_space<vmem>>
    %dma_wait3A_106 = tpu.memref_squeeze %dma_wait3A_105 : memref<1x128xi32, #tpu.memory_space<vmem>> -> memref<128xi32, #tpu.memory_space<vmem>>
    %dma_wait3A_107 = arith.constant 0 : i32
    %dma_wait3A_108 = arith.constant 0 : i32
    %dma_wait3A_109 = tpu.memref_slice %arg24[%dma_wait3A_107, %dma_wait3A_108] : memref<10240x64xf32, #tpu.memory_space<vmem_shared>> -> memref<10240x64xf32, #tpu.memory_space<vmem_shared>>
    tpu.wait_indirect_dma semaphore(%arg23 : memref<!tpu.dma_semaphore, #tpu.memory_space<semaphore_mem>>) src(%arg13 : memref<128x64xf32, #tpu.memory_space<vmem>>) dst(%dma_wait3A_109 : memref<10240x64xf32, #tpu.memory_space<vmem_shared>>)
    %barrier3A_110 = arith.constant 0 : index
    tpu.barrier barrier_id(%barrier3A_110)
    %mul3A_111 = arith.constant 640 : i32
    %mul3A_112 = arith.muli %arg1, %mul3A_111 : i32
    %eq3A = arith.constant 0 : i32
    %eq3A_113 = arith.cmpi eq, %arg0, %eq3A : i32
    %convert_element_type3A = arith.extui %eq3A_113 : i1 to i32
    %cond3A = arith.constant 0 : i32
    %cond3A_114 = arith.cmpi ne, %convert_element_type3A, %cond3A : i32
    scf.if %cond3A_114 {
      "tpu.region"() ({
        %run_scoped3A = tpu.sem_alloc : memref<!tpu.dma_semaphore, #tpu.memory_space<semaphore_mem>>
        %dma_start3A_120 = arith.constant 0 : i32
        %dma_start3A_121 = tpu.memref_slice %arg6[%mul3A_112, %dma_start3A_120] : memref<10240x128xf32, #tpu.memory_space<hbm>> -> memref<640x64xf32, #tpu.memory_space<hbm>>
        %dma_start3A_122 = arith.constant 0 : i32
        %dma_start3A_123 = tpu.memref_slice %arg24[%mul3A_112, %dma_start3A_122] : memref<10240x64xf32, #tpu.memory_space<vmem_shared>> -> memref<640x64xf32, #tpu.memory_space<vmem_shared>>
        tpu.enqueue_dma source(%dma_start3A_123 : memref<640x64xf32, #tpu.memory_space<vmem_shared>>) target(%dma_start3A_121 : memref<640x64xf32, #tpu.memory_space<hbm>>) target_semaphore(%run_scoped3A : memref<!tpu.dma_semaphore, #tpu.memory_space<semaphore_mem>>)
        %dma_wait3A_124 = arith.constant 0 : i32
        %dma_wait3A_125 = tpu.memref_slice %arg6[%mul3A_112, %dma_wait3A_124] : memref<10240x128xf32, #tpu.memory_space<hbm>> -> memref<640x64xf32, #tpu.memory_space<hbm>>
        %dma_wait3A_126 = arith.constant 0 : i32
        %dma_wait3A_127 = tpu.memref_slice %arg24[%mul3A_112, %dma_wait3A_126] : memref<10240x64xf32, #tpu.memory_space<vmem_shared>> -> memref<640x64xf32, #tpu.memory_space<vmem_shared>>
        tpu.wait_dma2 semaphore(%run_scoped3A : memref<!tpu.dma_semaphore, #tpu.memory_space<semaphore_mem>>) src(%dma_wait3A_127 : memref<640x64xf32, #tpu.memory_space<vmem_shared>>) dst(%dma_wait3A_125 : memref<640x64xf32, #tpu.memory_space<hbm>>)
        tpu.yield
      }) : () -> ()
    } else {
    }
    %eq3A_115 = arith.constant 1 : i32
    %eq3A_116 = arith.cmpi eq, %arg0, %eq3A_115 : i32
    %convert_element_type3A_117 = arith.extui %eq3A_116 : i1 to i32
    %cond3A_118 = arith.constant 0 : i32
    %cond3A_119 = arith.cmpi ne, %convert_element_type3A_117, %cond3A_118 : i32
    scf.if %cond3A_119 {
      "tpu.region"() ({
        %run_scoped3A = tpu.sem_alloc : memref<!tpu.dma_semaphore, #tpu.memory_space<semaphore_mem>>
        %dma_start3A_120 = arith.constant 64 : i32
        %dma_start3A_121 = tpu.memref_slice %arg6[%mul3A_112, %dma_start3A_120] : memref<10240x128xf32, #tpu.memory_space<hbm>> -> memref<640x64xf32, #tpu.memory_space<hbm>>
        %dma_start3A_122 = arith.constant 0 : i32
        %dma_start3A_123 = tpu.memref_slice %arg24[%mul3A_112, %dma_start3A_122] : memref<10240x64xf32, #tpu.memory_space<vmem_shared>> -> memref<640x64xf32, #tpu.memory_space<vmem_shared>>
        tpu.enqueue_dma source(%dma_start3A_123 : memref<640x64xf32, #tpu.memory_space<vmem_shared>>) target(%dma_start3A_121 : memref<640x64xf32, #tpu.memory_space<hbm>>) target_semaphore(%run_scoped3A : memref<!tpu.dma_semaphore, #tpu.memory_space<semaphore_mem>>)
        %dma_wait3A_124 = arith.constant 64 : i32
        %dma_wait3A_125 = tpu.memref_slice %arg6[%mul3A_112, %dma_wait3A_124] : memref<10240x128xf32, #tpu.memory_space<hbm>> -> memref<640x64xf32, #tpu.memory_space<hbm>>
        %dma_wait3A_126 = arith.constant 0 : i32
        %dma_wait3A_127 = tpu.memref_slice %arg24[%mul3A_112, %dma_wait3A_126] : memref<10240x64xf32, #tpu.memory_space<vmem_shared>> -> memref<640x64xf32, #tpu.memory_space<vmem_shared>>
        tpu.wait_dma2 semaphore(%run_scoped3A : memref<!tpu.dma_semaphore, #tpu.memory_space<semaphore_mem>>) src(%dma_wait3A_127 : memref<640x64xf32, #tpu.memory_space<vmem_shared>>) dst(%dma_wait3A_125 : memref<640x64xf32, #tpu.memory_space<hbm>>)
        tpu.yield
      }) : () -> ()
    } else {
    }
    return
  }
}

module attributes {stable_mosaic.version = 14 : i64} {
  func.func @body(%arg0: i32, %arg1: memref<2000x128xf32, #tpu.memory_space<vmem>>, %arg2: memref<2x2000x16xf32, #tpu.memory_space<vmem>>, %arg3: memref<2000x128xf32, #tpu.memory_space<vmem>>, %arg4: memref<128x128xf32, #tpu.memory_space<vmem>>, %arg5: memref<128x128xf32, #tpu.memory_space<vmem>>, %arg6: memref<1x128xf32, #tpu.memory_space<vmem>>, %arg7: memref<2000x128xf32, #tpu.memory_space<vmem>>) attributes {dimension_semantics = [#tpu.dimension_semantics<arbitrary>], iteration_bounds = array<i64: 5>, scalar_prefetch = 0 : i64, scratch_operands = 0 : i64, tpu.core_type = #tpu.core_type<tc>, window_params = [{transform_indices = @transform_0, window_bounds = array<i64: 2000, 128>}, {transform_indices = @transform_1, window_bounds = array<i64: 2, 2000, 16>}, {transform_indices = @transform_2, window_bounds = array<i64: 2000, 128>}, {pipeline_mode = #tpu.pipeline_mode<synchronous>, transform_indices = @transform_3, window_bounds = array<i64: 128, 128>}, {pipeline_mode = #tpu.pipeline_mode<synchronous>, transform_indices = @transform_4, window_bounds = array<i64: 128, 128>}, {pipeline_mode = #tpu.pipeline_mode<synchronous>, transform_indices = @transform_5, window_bounds = array<i64: 1, 128>}, {transform_indices = @transform_6, window_bounds = array<i64: 2000, 128>}]} {
    %get3A = arith.constant 0 : index
    %get3A_0 = arith.constant 0 : index
    %get3A_1 = arith.constant 0 : index
    %get3A_2 = vector.load %arg2[%get3A, %get3A_0, %get3A_1] : memref<2x2000x16xf32, #tpu.memory_space<vmem>>, vector<1x2000x1xf32>
    %get3A_3 = vector.shape_cast %get3A_2 : vector<1x2000x1xf32> to vector<2000x1xf32>
    %get3A_4 = arith.constant 1 : index
    %get3A_5 = arith.constant 0 : index
    %get3A_6 = arith.constant 0 : index
    %get3A_7 = vector.load %arg2[%get3A_4, %get3A_5, %get3A_6] : memref<2x2000x16xf32, #tpu.memory_space<vmem>>, vector<1x2000x1xf32>
    %get3A_8 = vector.shape_cast %get3A_7 : vector<1x2000x1xf32> to vector<2000x1xf32>
    %add3A = arith.addf %get3A_3, %get3A_8 : vector<2000x1xf32>
    %get3A_9 = arith.constant 0 : index
    %get3A_10 = arith.constant 0 : index
    %get3A_11 = vector.load %arg1[%get3A_9, %get3A_10] : memref<2000x128xf32, #tpu.memory_space<vmem>>, vector<2000x128xf32>
    %max3A = arith.constant 1.000000e+00 : f32
    %max3A_12 = vector.broadcast %max3A : f32 to vector<2000x1xf32>
    %max3A_13 = arith.maximumf %add3A, %max3A_12 : vector<2000x1xf32>
    %div3A = vector.broadcast %max3A_13 : vector<2000x1xf32> to vector<2000x128xf32>
    %div3A_14 = arith.divf %get3A_11, %div3A : vector<2000x128xf32>
    %get3A_15 = arith.constant 0 : index
    %get3A_16 = arith.constant 0 : index
    %get3A_17 = vector.load %arg4[%get3A_15, %get3A_16] : memref<128x128xf32, #tpu.memory_space<vmem>>, vector<128x128xf32>
    %dot_general3A = arith.constant dense<0.000000e+00> : vector<2000x128xf32>
    %dot_general3A_18 = tpu.matmul %div3A_14, %get3A_17, %dot_general3A {dimension_numbers = #tpu.dot_dimension_numbers<[1], [0], [0], [1], [0, 0, 1, 1], [], []>, transpose_lhs_hint = false} : vector<2000x128xf32>, vector<128x128xf32>, vector<2000x128xf32> -> vector<2000x128xf32>
    %get3A_19 = arith.constant 0 : index
    %get3A_20 = arith.constant 0 : index
    %get3A_21 = vector.load %arg3[%get3A_19, %get3A_20] : memref<2000x128xf32, #tpu.memory_space<vmem>>, vector<2000x128xf32>
    %get3A_22 = arith.constant 0 : index
    %get3A_23 = arith.constant 0 : index
    %get3A_24 = vector.load %arg5[%get3A_22, %get3A_23] : memref<128x128xf32, #tpu.memory_space<vmem>>, vector<128x128xf32>
    %dot_general3A_25 = arith.constant dense<0.000000e+00> : vector<2000x128xf32>
    %dot_general3A_26 = tpu.matmul %get3A_21, %get3A_24, %dot_general3A_25 {dimension_numbers = #tpu.dot_dimension_numbers<[1], [0], [0], [1], [0, 0, 1, 1], [], []>, transpose_lhs_hint = false} : vector<2000x128xf32>, vector<128x128xf32>, vector<2000x128xf32> -> vector<2000x128xf32>
    %add3A_27 = arith.addf %dot_general3A_18, %dot_general3A_26 : vector<2000x128xf32>
    %get3A_28 = arith.constant 0 : index
    %get3A_29 = arith.constant 0 : index
    %get3A_30 = vector.load %arg6[%get3A_28, %get3A_29] : memref<1x128xf32, #tpu.memory_space<vmem>>, vector<1x128xf32>
    %add3A_31 = vector.broadcast %get3A_30 : vector<1x128xf32> to vector<2000x128xf32>
    %add3A_32 = arith.addf %add3A_27, %add3A_31 : vector<2000x128xf32>
    %max3A_33 = arith.constant 0.000000e+00 : f32
    %max3A_34 = vector.broadcast %max3A_33 : f32 to vector<2000x128xf32>
    %max3A_35 = arith.maximumf %add3A_32, %max3A_34 : vector<2000x128xf32>
    %swap3A = arith.constant 0 : index
    %swap3A_36 = arith.constant 0 : index
    %swap3A_37 = vector.load %arg7[%swap3A, %swap3A_36] : memref<2000x128xf32, #tpu.memory_space<vmem>>, vector<2000x128xf32>
    tpu.vector_store %arg7[%swap3A, %swap3A_36], %max3A_35 {strides = array<i32>} : memref<2000x128xf32, #tpu.memory_space<vmem>>, vector<2000x128xf32>,
    return
  }
  func.func @transform_0(%arg0: i32) -> (i32, i32) {
    %c0_i32 = arith.constant 0 : i32
    %c0_i32_0 = arith.constant 0 : i32
    return %arg0, %c0_i32 : i32, i32
  }
  func.func @transform_1(%arg0: i32) -> (i32, i32, i32) {
    %c0_i32 = arith.constant 0 : i32
    %c0_i32_0 = arith.constant 0 : i32
    %c0_i32_1 = arith.constant 0 : i32
    return %c0_i32, %arg0, %c0_i32_0 : i32, i32, i32
  }
  func.func @transform_2(%arg0: i32) -> (i32, i32) {
    %c0_i32 = arith.constant 0 : i32
    %c0_i32_0 = arith.constant 0 : i32
    return %arg0, %c0_i32 : i32, i32
  }
  func.func @transform_3(%arg0: i32) -> (i32, i32) {
    %c0_i32 = arith.constant 0 : i32
    %c0_i32_0 = arith.constant 0 : i32
    %c0_i32_1 = arith.constant 0 : i32
    return %c0_i32, %c0_i32_0 : i32, i32
  }
  func.func @transform_4(%arg0: i32) -> (i32, i32) {
    %c0_i32 = arith.constant 0 : i32
    %c0_i32_0 = arith.constant 0 : i32
    %c0_i32_1 = arith.constant 0 : i32
    return %c0_i32, %c0_i32_0 : i32, i32
  }
  func.func @transform_5(%arg0: i32) -> (i32, i32) {
    %c0_i32 = arith.constant 0 : i32
    %c0_i32_0 = arith.constant 0 : i32
    %c0_i32_1 = arith.constant 0 : i32
    return %c0_i32, %c0_i32_0 : i32, i32
  }
  func.func @transform_6(%arg0: i32) -> (i32, i32) {
    %c0_i32 = arith.constant 0 : i32
    %c0_i32_0 = arith.constant 0 : i32
    return %arg0, %c0_i32 : i32, i32
  }
}

module attributes {stable_mosaic.version = 14 : i64} {
  func.func @body(%arg0: i32, %arg1: memref<2000x128xf32, #tpu.memory_space<vmem>>, %arg2: memref<2x2000x16xf32, #tpu.memory_space<vmem>>, %arg3: memref<2000x128xf32, #tpu.memory_space<vmem>>, %arg4: memref<128x128xf32, #tpu.memory_space<vmem>>, %arg5: memref<128x128xf32, #tpu.memory_space<vmem>>, %arg6: memref<1x128xf32, #tpu.memory_space<vmem>>, %arg7: memref<2000x128xf32, #tpu.memory_space<vmem>>) attributes {dimension_semantics = [#tpu.dimension_semantics<arbitrary>], iteration_bounds = array<i64: 5>, scalar_prefetch = 0 : i64, scratch_operands = 0 : i64, tpu.core_type = #tpu.core_type<tc>, window_params = [{transform_indices = @transform_0, window_bounds = array<i64: 2000, 128>}, {transform_indices = @transform_1, window_bounds = array<i64: 2, 2000, 16>}, {transform_indices = @transform_2, window_bounds = array<i64: 2000, 128>}, {pipeline_mode = #tpu.pipeline_mode<synchronous>, transform_indices = @transform_3, window_bounds = array<i64: 128, 128>}, {pipeline_mode = #tpu.pipeline_mode<synchronous>, transform_indices = @transform_4, window_bounds = array<i64: 128, 128>}, {pipeline_mode = #tpu.pipeline_mode<synchronous>, transform_indices = @transform_5, window_bounds = array<i64: 1, 128>}, {transform_indices = @transform_6, window_bounds = array<i64: 2000, 128>}]} {
    %get3A = arith.constant 0 : index
    %get3A_0 = arith.constant 0 : index
    %get3A_1 = arith.constant 0 : index
    %get3A_2 = vector.load %arg2[%get3A, %get3A_0, %get3A_1] : memref<2x2000x16xf32, #tpu.memory_space<vmem>>, vector<1x2000x1xf32>
    %get3A_3 = vector.shape_cast %get3A_2 : vector<1x2000x1xf32> to vector<2000x1xf32>
    %get3A_4 = arith.constant 1 : index
    %get3A_5 = arith.constant 0 : index
    %get3A_6 = arith.constant 0 : index
    %get3A_7 = vector.load %arg2[%get3A_4, %get3A_5, %get3A_6] : memref<2x2000x16xf32, #tpu.memory_space<vmem>>, vector<1x2000x1xf32>
    %get3A_8 = vector.shape_cast %get3A_7 : vector<1x2000x1xf32> to vector<2000x1xf32>
    %add3A = arith.addf %get3A_3, %get3A_8 : vector<2000x1xf32>
    %get3A_9 = arith.constant 0 : index
    %get3A_10 = arith.constant 0 : index
    %get3A_11 = vector.load %arg1[%get3A_9, %get3A_10] : memref<2000x128xf32, #tpu.memory_space<vmem>>, vector<2000x128xf32>
    %max3A = arith.constant 1.000000e+00 : f32
    %max3A_12 = vector.broadcast %max3A : f32 to vector<2000x1xf32>
    %max3A_13 = arith.maximumf %add3A, %max3A_12 : vector<2000x1xf32>
    %div3A = vector.broadcast %max3A_13 : vector<2000x1xf32> to vector<2000x128xf32>
    %div3A_14 = arith.divf %get3A_11, %div3A : vector<2000x128xf32>
    %get3A_15 = arith.constant 0 : index
    %get3A_16 = arith.constant 0 : index
    %get3A_17 = vector.load %arg4[%get3A_15, %get3A_16] : memref<128x128xf32, #tpu.memory_space<vmem>>, vector<128x128xf32>
    %dot_general3A = arith.constant dense<0.000000e+00> : vector<2000x128xf32>
    %dot_general3A_18 = tpu.matmul %div3A_14, %get3A_17, %dot_general3A {dimension_numbers = #tpu.dot_dimension_numbers<[1], [0], [0], [1], [0, 0, 1, 1], [], []>, transpose_lhs_hint = false} : vector<2000x128xf32>, vector<128x128xf32>, vector<2000x128xf32> -> vector<2000x128xf32>
    %get3A_19 = arith.constant 0 : index
    %get3A_20 = arith.constant 0 : index
    %get3A_21 = vector.load %arg3[%get3A_19, %get3A_20] : memref<2000x128xf32, #tpu.memory_space<vmem>>, vector<2000x128xf32>
    %get3A_22 = arith.constant 0 : index
    %get3A_23 = arith.constant 0 : index
    %get3A_24 = vector.load %arg5[%get3A_22, %get3A_23] : memref<128x128xf32, #tpu.memory_space<vmem>>, vector<128x128xf32>
    %dot_general3A_25 = arith.constant dense<0.000000e+00> : vector<2000x128xf32>
    %dot_general3A_26 = tpu.matmul %get3A_21, %get3A_24, %dot_general3A_25 {dimension_numbers = #tpu.dot_dimension_numbers<[1], [0], [0], [1], [0, 0, 1, 1], [], []>, transpose_lhs_hint = false} : vector<2000x128xf32>, vector<128x128xf32>, vector<2000x128xf32> -> vector<2000x128xf32>
    %add3A_27 = arith.addf %dot_general3A_18, %dot_general3A_26 : vector<2000x128xf32>
    %get3A_28 = arith.constant 0 : index
    %get3A_29 = arith.constant 0 : index
    %get3A_30 = vector.load %arg6[%get3A_28, %get3A_29] : memref<1x128xf32, #tpu.memory_space<vmem>>, vector<1x128xf32>
    %add3A_31 = vector.broadcast %get3A_30 : vector<1x128xf32> to vector<2000x128xf32>
    %add3A_32 = arith.addf %add3A_27, %add3A_31 : vector<2000x128xf32>
    %swap3A = arith.constant 0 : index
    %swap3A_33 = arith.constant 0 : index
    %swap3A_34 = vector.load %arg7[%swap3A, %swap3A_33] : memref<2000x128xf32, #tpu.memory_space<vmem>>, vector<2000x128xf32>
    tpu.vector_store %arg7[%swap3A, %swap3A_33], %add3A_32 {strides = array<i32>} : memref<2000x128xf32, #tpu.memory_space<vmem>>, vector<2000x128xf32>,
    return
  }
  func.func @transform_0(%arg0: i32) -> (i32, i32) {
    %c0_i32 = arith.constant 0 : i32
    %c0_i32_0 = arith.constant 0 : i32
    return %arg0, %c0_i32 : i32, i32
  }
  func.func @transform_1(%arg0: i32) -> (i32, i32, i32) {
    %c0_i32 = arith.constant 0 : i32
    %c0_i32_0 = arith.constant 0 : i32
    %c0_i32_1 = arith.constant 0 : i32
    return %c0_i32, %arg0, %c0_i32_0 : i32, i32, i32
  }
  func.func @transform_2(%arg0: i32) -> (i32, i32) {
    %c0_i32 = arith.constant 0 : i32
    %c0_i32_0 = arith.constant 0 : i32
    return %arg0, %c0_i32 : i32, i32
  }
  func.func @transform_3(%arg0: i32) -> (i32, i32) {
    %c0_i32 = arith.constant 0 : i32
    %c0_i32_0 = arith.constant 0 : i32
    %c0_i32_1 = arith.constant 0 : i32
    return %c0_i32, %c0_i32_0 : i32, i32
  }
  func.func @transform_4(%arg0: i32) -> (i32, i32) {
    %c0_i32 = arith.constant 0 : i32
    %c0_i32_0 = arith.constant 0 : i32
    %c0_i32_1 = arith.constant 0 : i32
    return %c0_i32, %c0_i32_0 : i32, i32
  }
  func.func @transform_5(%arg0: i32) -> (i32, i32) {
    %c0_i32 = arith.constant 0 : i32
    %c0_i32_0 = arith.constant 0 : i32
    %c0_i32_1 = arith.constant 0 : i32
    return %c0_i32, %c0_i32_0 : i32, i32
  }
  func.func @transform_6(%arg0: i32) -> (i32, i32) {
    %c0_i32 = arith.constant 0 : i32
    %c0_i32_0 = arith.constant 0 : i32
    return %arg0, %c0_i32 : i32, i32
  }
}

</mosaic_0001>

<sc_bundles>
// kernel: kernel.6.cloned.1.call-start
scs
__scs_entry_jumppad:
0x0: {  	(pc) =	sbr.rel $0x88, $3  }
0x1: {  	(tag) =	ssettag $0x0;
	lr =	simm.s32 $0x1  }
0x2: {  	[smem:$0x3F99] =	sst lr;
	_ =	strace $0xD0000000  }
0x3: {  	_ = 	snop  }
0x4: {  	_ = 	snop  }
0x5: {  	_ = 	snop  }
0x6: {  	_ = 	snop  }
0x7: {  	_ = 	snop  }
__scs_overlays_trampoline_lowered:
0x8: {  	[smem:$0x3FA8] =	sst s0  }
0x9: {  	[smem:$0x3FA9] =	sst s1  }
0xa: {  	[smem:$0x3FAA] =	sst s2  }
0xb: {  	[smem:$0x3FAB] =	sst s3  }
0xc: {  	[smem:$0x3FAC] =	sst s4  }
0xd: {  	[smem:$0x3FAD] =	sst s5  }
0xe: {  	[smem:$0x3FAE] =	sst s6  }
0xf: {  	[smem:$0x3FAF] =	sst s7  }
0x10: {  	[smem:$0x3FB0] =	sst s8  }
0x11: {  	[smem:$0x3FB1] =	sst s9;
	s0 =	simm.s32 @!p0 $0x0  }
0x12: {  	s1 =	sld [smem:$0x3F97];
	s0 =	simm.s32 @p0 $0x1  }
0x13: {  	[smem:$0x3FB2] =	sst s0;
	s0 =	simm.s32 @!p1 $0x0  }
0x14: {  	s2 =	sld [smem:$0x3F96];
	s0 =	simm.s32 @p1 $0x1  }
0x15: {  	[smem:$0x3FB3] =	sst s0;
	s0 =	simm.s32 @!p2 $0x0  }
0x16: {  	s3 =	sld [smem:$0x3FDB];
	s0 =	simm.s32 @p2 $0x1  }
0x17: {  	s4 =	simm.s32 $0x1BF5;
	[smem:$0x3FB5] =	sst s0  }
0x18: {  	s0 =	sld [smem:$0x3F98];
	_ =	swait.ge [sflag:s4], $0x0  }
0x19: {  	s7 =	sld [smem:$0x3F99]  }
0x1a: {  	s8 =	sadd.s32 $0xFFFFE003, lr  }
0x1b: {  	s9 =	sadd.s32 $0xFFFFFEF7, lr;
	s5 =	simm.s32 $0xFFFFFFFF;
	p2 =	slt.u32 s8, $0xFFFFF086  }
0x1c: {  	p1 =	slt.u32 s9, $0xF7A;
	s5 =	simm.s32 @!p2 $0x0  }
0x1d: {  	s5 =	simm.s32 @p1 $0x1;
	p0 =	seq.s32 s7, s2  }
0x1e: {  	s7 =	smul.u32 @!p0 $0xF7A, s2;
	p2 =	seq.s32 @!p0 s5, $0x0  }
0x1f: {  	s9 =	smul.u32 $0xF7A, s1;
	s8 =	simm.s32 @!p0 $0x1BF5;
	p2 =	por !p2, p0  }
0x20: {  	[sflag:s8] =	ssyncset.s32 @!p0 $0xFFFFF086;
	s6 =	sadd.s32 @!p0 s3, s7;
	s7 =	simm.s32 @!p0 $0x108  }
0x21: {  	s3 =	sadd.s32 s3, s9;
	s6 =	sadd.s32 @!p0 $0x88, s6;
	s7 =	simm.s32 @p2 $0x1082  }
0x22: {  	[simem:s7], [sflag:s8] =	dma.local @!p0 [hbm:s6], $0xF7A  }
0x23: {  	s9 =	sor.u32 $0xD0000000, s2;
	s6 =	simm.s32 $0x108;
	_ =	swait.ge @!p0 [sflag:s8], $0x0  }
0x24: {  	s3 =	sadd.s32 $0x88, s3;
	s6 =	simm.s32 @!p1 $0x1082;
	[sflag:s4] =	ssyncset.s32 $0xFFFFF086  }
0x25: {  	[simem:s6], [sflag:s4] =	dma.local [hbm:s3], $0xF7A  }
0x26: {  	[smem:$0x3F99] =	sst s1;
	(tag) =	ssettag s2;
	_ =	strace s9  }
0x27: {  	s1 =	sld [smem:$0x3FA9]  }
0x28: {  	s2 =	sld [smem:$0x3FAA]  }
0x29: {  	s4 =	sld [smem:$0x3FAC]  }
0x2a: {  	p0 =	seq.s32 s5, $0x0;
	s5 =	sld [smem:$0x3FAD]  }
0x2b: {  	s6 =	sld [smem:$0x3FAE]  }
0x2c: {  	s7 =	sld [smem:$0x3FAF]  }
0x2d: {  	s3 =	simm.s32 $0x108;
	s8 =	sld [smem:$0x3FB0]  }
0x2e: {  	s3 =	simm.s32 @!p0 $0x1082;
	s9 =	sld [smem:$0x3FB1]  }
0x2f: {  	lr =	sadd.s32 s0, s3;
	s0 =	sld [smem:$0x3FA8]  }
0x30: {  	s3 =	sld [smem:$0x3FAB]  }
0x31: {  	[smem:$0x3FB4] =	sst s10  }
0x32: {  	s10 =	sld [smem:$0x3FB2];
	_ =	sdelay $0x3  }
0x33: {  	p0 =	seq.s32 s10, $0x1;
	s10 =	sld [smem:$0x3FB4];
	_ =	sdelay $0x3  }
0x34: {  	[smem:$0x3FB4] =	sst s10  }
0x35: {  	s10 =	sld [smem:$0x3FB3];
	_ =	sdelay $0x3  }
0x36: {  	p1 =	seq.s32 s10, $0x1;
	s10 =	sld [smem:$0x3FB4];
	_ =	sdelay $0x3  }
0x37: {  	[smem:$0x3FB4] =	sst s10  }
0x38: {  	s10 =	sld [smem:$0x3FB5]  }
0x39: {  	_ = 	snop;
	(pc) =	sbr.ind lr, $3  }
0x3a: {  	_ = 	snop  }
0x3b: {  	_ = 	snop  }
0x3c: {  	p2 =	seq.s32 s10, $0x1;
	s10 =	sld [smem:$0x3FB4]  }
0x3d: {  	_ =	shalt  }
0x3e: {  	_ =	shalt  }
0x3f: {  	_ =	shalt  }
0x40: {  	_ =	shalt  }
0x41: {  	_ =	shalt  }
0x42: {  	_ =	shalt  }
0x43: {  	_ =	shalt  }
0x44: {  	_ =	shalt  }
0x45: {  	_ =	shalt  }
0x46: {  	_ =	shalt  }
0x47: {  	_ =	shalt  }
0x48: {  	_ =	shalt  }
0x49: {  	_ =	shalt  }
0x4a: {  	_ =	shalt  }
0x4b: {  	_ =	shalt  }
0x4c: {  	_ =	shalt  }
0x4d: {  	_ =	shalt  }
0x4e: {  	_ =	shalt  }
0x4f: {  	_ =	shalt  }
0x50: {  	_ =	shalt  }
0x51: {  	_ =	shalt  }
0x52: {  	_ =	shalt  }
0x53: {  	_ =	shalt  }
0x54: {  	_ =	shalt  }
0x55: {  	_ =	shalt  }
0x56: {  	_ =	shalt  }
0x57: {  	_ =	shalt  }
0x58: {  	_ =	shalt  }
0x59: {  	_ =	shalt  }
0x5a: {  	_ =	shalt  }
0x5b: {  	_ =	shalt  }
0x5c: {  	_ =	shalt  }
0x5d: {  	_ =	shalt  }
0x5e: {  	_ =	shalt  }
0x5f: {  	_ =	shalt  }
0x60: {  	_ =	shalt  }
0x61: {  	_ =	shalt  }
0x62: {  	_ =	shalt  }
0x63: {  	_ =	shalt  }
0x64: {  	_ =	shalt  }
0x65: {  	_ =	shalt  }
0x66: {  	_ =	shalt  }
0x67: {  	_ =	shalt  }
0x68: {  	_ =	shalt  }
0x69: {  	_ =	shalt  }
0x6a: {  	_ =	shalt  }
0x6b: {  	_ =	shalt  }
0x6c: {  	_ =	shalt  }
0x6d: {  	_ =	shalt  }
0x6e: {  	_ =	shalt  }
0x6f: {  	_ =	shalt  }
0x70: {  	_ =	shalt  }
0x71: {  	_ =	shalt  }
0x72: {  	_ =	shalt  }
0x73: {  	_ =	shalt  }
0x74: {  	_ =	shalt  }
0x75: {  	_ =	shalt  }
0x76: {  	_ =	shalt  }
0x77: {  	_ =	shalt  }
0x78: {  	_ =	shalt  }
0x79: {  	_ =	shalt  }
0x7a: {  	_ =	shalt  }
0x7b: {  	_ =	shalt  }
0x7c: {  	_ =	shalt  }
0x7d: {  	_ =	shalt  }
0x7e: {  	_ =	shalt  }
0x7f: {  	_ =	shalt  }
0x80: {  	_ =	shalt  }
0x81: {  	_ =	shalt  }
0x82: {  	_ =	shalt  }
0x83: {  	_ =	shalt  }
0x84: {  	_ =	shalt  }
0x85: {  	_ =	shalt  }
0x86: {  	_ =	shalt  }
0x87: {  	_ =	shalt  }
.Lfunc_end0:
.L_simem_size_0:
called_computation_lowered:
.L_overlay_start_0:
0x88: {  	s2 =	sld [smem:$0x3FD9]  }
0x89: {  	s3 =	sld [smem:$0x3FFE];
	_ =	sdelay $0x1  }
0x8a: {  	s1 =	srdreg.scid  }
0x8b: {  	s0 =	sand.u32 $0x1, s1  }
0x8c: {  	s17 =	sshll.u32 s0, $0xA;
	s2 =	sadd.s32 s3, s2  }
0x8d: {  	s2 =	sadd.s32 s2, s17  }
0x8e: {  	[smem:$0x3FC0] =	sst s2  }
0x8f: {  	_ = 	snop  }
0x90: {  	s2 =	sld [smem:$0x3FC9]  }
0x91: {  	s18 =	sld [smem:$0x3FD0];
	(tm) =	ssettm $0x1  }
0x92: {  	s4 =	sld [smem:$0x3FFB];
	_ =	sdelay $0x3  }
0x93: {  	_ =	strace s4  }
0x94: {  	s4 =	sld [smem:$0x3FFC];
	_ =	sdelay $0x3  }
0x95: {  	_ =	strace s4  }
0x96: {  	s4 =	sld [smem:$0x3FFD];
	_ =	sdelay $0x3  }
0x97: {  	_ =	strace s4  }
0x98: {  	_ =	strace $0x8FFFFFFF  }
0x99: {  	s19 =	sld [smem:$0x3FDB];
	_ =	sdelay $0x1  }
0x9a: {  	s5 =	simm.s32 $_scs_section_size  }
0x9b: {  	s6 =	simm.s32 $_size__tile_overlayer_lowered;
	s7 =	simm.s32 $_tile_overlayer_lowered  }
0x9c: {  	s22 =	simm.s32 $0x1BFF;
	s21 =	sshll.u32 s7, $0x1;
	s4 =	sadd.s32 s5, s19  }
0x9d: {  	s8 =	simm.s32 $0x0;
	s20 =	sshll.u32 s6, $0x1;
	s6 =	sadd.s32 s21, s4  }
0x9e: {  	[timem:s8], [sflag:s22] =	dma.local [hbm:s6], s20  }
0x9f: {  	_ =	swait.ge [sflag:s22], s20  }
0xa0: {  	s5 =	ssub.s32 $0x0, s20;
	[sflag:s22] =	ssyncset.done $0x0  }
0xa1: {  	[sflag:s22] =	ssyncadd.s32 s5;
	_ =	sdelay $0x1  }
0xa2: {  	s23 =	simm.s32 $0x1B8B  }
0xa3: {  	_ =	swait.ge [sflag:s23], $0x1  }
0xa4: {  	[sflag:s23] =	ssyncset.done $0x0  }
0xa5: {  	s25 =	simm.s32 $0x1B8E;
	s24 =	sld [smem:$0x3FFE];
	[sflag:s23] =	ssyncadd.s32 $0xFFFFFFFF  }
0xa6: {  	s26 =	simm.s32 $execute0_lowered;
	[smem:$0x3FD2] =	sst s25  }
0xa7: {  	s6 =	sshll.u32 s26, $0x1;
	_ =	strace $0x80000046;
	[dreg:$0x1] =	wrdreg $0xFFFFFFFF  }
0xa8: {  	s28 =	simm.s32 $_size_execute0_lowered;
	s4 =	sadd.s32 s4, s6;
	[dreg:$0x0] =	wrdreg $0x0  }
0xa9: {  	s6 =	sshll.u32 s28, $0x1;
	[dreg:$0x2] =	wrdreg s4  }
0xaa: {  	[dreg:$0x3] =	wrdreg s6  }
0xab: {  	[dreg:$0x4] =	wrdreg $0xC0  }
0xac: {  	_ =	task [dreg:s8], $0x5FFFF  }
0xad: {  	[dreg:$0x1] =	wrdreg $0xFFFFFFFF  }
0xae: {  	[dreg:$0x0] =	wrdreg $0x60  }
0xaf: {  	[dreg:$0x2] =	wrdreg s2  }
0xb0: {  	[dreg:$0x3] =	wrdreg s24  }
0xb1: {  	[dreg:$0x4] =	wrdreg s18  }
0xb2: {  	[dreg:$0x5] =	wrdreg $0x128000  }
0xb3: {  	[dreg:$0x6] =	wrdreg $0x1C8000  }
0xb4: {  	[dreg:$0x7] =	wrdreg $0x9  }
0xb5: {  	_ =	task.clear_ibuf [dreg:s8], $0x8FFFF;
	_ =	strace $0x90000046  }
0xb6: {  	s29 =	simm.s32 $0x9;
	_ =	strace $0x80000048  }
0xb7: {  	_ =	swait.ge [sflag:s29], $0x1  }
0xb8: {  	[sflag:s29] =	ssyncadd.s32 $0xFFFFFFFF  }
0xb9: {  	_ =	strace $0x90000048  }
0xba: {  	_ =	sfence  }
0xbb: {  	s30 =	sld [smem:$0x0];
	_ =	sdelay $0x2  }
0xbc: {  	s31 =	sshll.u32 s1, $0xD;
	s1 =	sshrl.u32 s1, $0x2  }
0xbd: {  	s3 =	sand.u32 $0x4000, s31;
	s1 =	sadd.s32 s1, s30  }
0xbe: {  	s0 =	sor.u32 s3, s0;
	s1 =	sshll.u32 s1, $0x11  }
0xbf: {  	s0 =	sor.u32 s1, s0  }
0xc0: {  	s0 =	sadd.s32 $0x8F2B, s0  }
0xc1: {  	[sflag:s0] =	ssyncadd.remote.s32 $0x1  }
0xc2: {  	_ =	sfence.sel $0xFFFF  }
0xc3: {  	[dreg:$0x0] =	wrdreg $0xFFFFFFFF;
	(pc) =	sbr.abs _section_cstart, $3  }
0xc4: {  	[dreg:$0x1] =	wrdreg $0xFFFFFFFF  }
0xc5: {  	_ =	task.clear_ibuf [dreg:s8], $0x2FFFF;
	_ =	strace $0x9FFFFFFF  }
0xc6: {  	(tm) =	ssettm $0x7FFFFFFF  }
0xc7: {  	_ =	shalt  }
tec
execute0_lowered:
.L_overlay_start_1:
0x0: {  	(tag) =	ssettag $0x1  }
0x1: {  	s0 =	rddreg [dreg:$0x0]  }
0x2: {  	s1 =	rddreg [dreg:$0x1]  }
0x3: {  	s5 =	rddreg [dreg:$0x2]  }
0x4: {  	s2 =	rddreg [dreg:$0x3]  }
0x5: {  	s3 =	rddreg [dreg:$0x4];
	s4 =	stileid.u32;
	s19 =	simm.s32 $0x0  }
0x6: {  	s7 =	srdreg.scid;
	s28 =	simm.s32 $0xC000;
	s30 =	simm.s32 $0xE000  }
0x7: {  	s31 =	simm.s32 $0x3;
	s29 =	simm.s32 $0x7;
	s6 =	smul.u32 $0xA00, s4  }
0x8: {  	[smem:$0x7FF] =	sst s19;
	s9 =	sand.u32 $0x1, s7;
	s11 =	smul.u32 $0x280, s4  }
0x9: {  	s8 =	sadd.s32 $0x17400, s1;
	s7 =	sshll.u32 s7, $0x3;
	s21 =	smul.u32 $0x28000, s4  }
0xa: {  	_ =	strace $0x80000047;
	[dreg:$0x6] =	wrdreg s8;
	s20 =	ssub.s32 $0x2, s9  }
0xb: {  	s7 =	sand.u32 $0x8, s7;
	p0 =	sne.s32 s9, $0x0;
	p1 =	seq.s32 s9, $0x0  }
0xc: {  	s6 =	sadd.s32 s6, s1;
	s10 =	sshrl.u32 s20, $0x1;
	s1 =	sadd.s32 s7, s1  }
0xd: {  	s23 =	sadd.s32 $0x80, s11;
	s8 =	sshrl.u32 s21, $0x2;
	s12 =	sadd.s32 $0x100, s11  }
0xe: {  	s26 =	sadd.s32 $0x180, s11;
	s11 =	sadd.s32 $0x200, s11;
	s21 =	smul.u32 $0x5000, s9  }
0xf: {  	s7 =	ssub.s32 s20, s10;
	s22 =	sadd.s32 $0x3400, s6;
	s6 =	sadd.s32 $0xD400, s6  }
0x10: {  	s24 =	sshll.u32 s23, $0x6;
	s8 =	sadd.s32 s8, s2;
	s25 =	sshll.u32 s12, $0x6  }
0x11: {  	s13 =	sshll.u32 s26, $0x6;
	s14 =	sshll.u32 s11, $0x6;
	s20 =	smul.u32 $0x2800, s4  }
0x12: {  	s17 =	sshll.u32 s12, $0x4;
	s18 =	sshll.u32 s26, $0x4;
	[dreg:$0x7] =	wrdreg s22  }
0x13: {  	s4 =	simm.s32 $0x5000;
	[dreg:$0x8] =	wrdreg s6;
	s10 =	sadd.s32 s24, s2  }
0x14: {  	s15 =	sadd.s32 s13, s2;
	s16 =	sadd.s32 s14, s2;
	s6 =	sshll.u32 s23, $0x4  }
0x15: {  	s22 =	sshll.u32 s11, $0x4;
	s23 =	sshll.u32 s9, $0x3;
	[dreg:$0x9] =	wrdreg s8  }
0x16: {  	s24 =	sadd.s32 s5, s21;
	s26 =	smax.u32 s7, $0x1;
	[dreg:$0xa] =	wrdreg s10  }
0x17: {  	s21 =	simm.s32 $0x9;
	s5 =	simm.s32 $0x8;
	[dreg:$0xc] =	wrdreg s15  }
0x18: {  	s7 =	simm.s32 $0x4;
	s10 =	sadd.s32 s25, s2;
	[dreg:$0xd] =	wrdreg s16  }
0x19: {  	s13 =	sadd.s32 s20, s3;
	s14 =	sadd.s32 s6, s3;
	s15 =	sadd.s32 s17, s3  }
0x1a: {  	s16 =	sadd.s32 s18, s3;
	s17 =	sadd.s32 s22, s3;
	s18 =	sadd.s32 s0, s23  }
.Ltmp0:
0x1b: {  	s25 =	sshrl.u32 s20, $0x3;
	[dreg:$0xe] =	wrdreg s26;
	(pc) =	sbr.rel .LBB2_1-.Ltmp0, $4  }
0x1c: {  	s1 =	sadd.s32 s20, s1;
	s26 =	simm.s32 $0xA000;
	s23 =	simm.s32 $0x1  }
0x1d: {  	s6 =	simm.s32 $0x2;
	[dreg:$0xb] =	wrdreg s10;
	s1 =	sadd.s32 $0x17600, s1  }
0x1e: {  	s0 =	sadd.s32 s25, s24;
	s25 =	simm.s32 $0x80;
	[dreg:$0xf] =	wrdreg s1  }
0x1f: {  	v0 =	vimm.f32 $0.0e+00;
	s10 =	simm.s32 $0x0;
	[dreg:$0x10] =	wrdreg s0;
	s0 =	simm.s32 $0x10000  }
.LBB2_16:
0x20: {  	s1 =	simm.s32 $0x5  }
0x21: {  	_ =	swait.ge [sflag:s1], $0x2000  }
0x22: {  	[sflag:s1] =	ssyncset.done $0x0  }
0x23: {  	s12 =	simm.s32 $0x6;
	[sflag:s1] =	ssyncadd.s32 $0xFFFFE000  }
0x24: {  	_ =	swait.ge [sflag:s12], $0x2000  }
0x25: {  	[sflag:s12] =	ssyncset.done $0x0  }
0x26: {  	[sflag:s12] =	ssyncadd.s32 $0xFFFFE000  }
0x27: {  	_ =	swait.ge [sflag:s29], $0x2000  }
0x28: {  	[sflag:s29] =	ssyncset.done $0x0  }
0x29: {  	[sflag:s29] =	ssyncadd.s32 $0xFFFFE000  }
0x2a: {  	_ =	swait.ge [sflag:s5], $0x2000  }
0x2b: {  	[sflag:s5] =	ssyncset.done $0x0  }
0x2c: {  	[sflag:s5] =	ssyncadd.s32 $0xFFFFE000  }
0x2d: {  	s19 =	stileid.u32;
	[bflag:$0x0] =	sbarrier.arrive $0xFFFF  }
0x2e: {  	s11 =	simm.s32 $0x10;
	s1 =	sshll.u32 s19, $0x6;
	s8 =	rddreg [dreg:$0x9]  }
0x2f: {  	s1 =	sor.u32 $0x1C09, s1;
	s9 =	rddreg [dreg:$0xf];
	s4 =	sshrl.u32 s8, $0x3  }
0x30: {  	[hbm:s9@s11], [sflag:s1] =	dma.strided [spmem:s4@s5], $0x1400, s23, $0x8   }
0x31: {  	_ =	swait.ge [sflag:s21], $0x1400  }
0x32: {  	[sflag:s21] =	ssyncset.done $0x0  }
0x33: {  	s20 =	sshrl.u32 s13, $0x3;
	s22 =	rddreg [dreg:$0x10];
	[sflag:s21] =	ssyncadd.s32 $0xFFFFEC00  }
0x34: {  	[hbm:s22], [sflag:s1] =	dma.local [spmem:s20], $0x500  }
0x35: {  	_ =	swait.ge [sflag:s21], $0x500  }
0x36: {  	s10 =	sadd.s32 $0x1, s10;
	s24 =	rddreg [dreg:$0xe]  }
0x37: {  	p2 =	sne.s32 s10, s24  }
.Ltmp1:
0x38: {  	_ = 	snop;
	(pc) =	sbr.rel @!p2 .LBB2_17-.Ltmp1, $3  }
0x39: {  	_ =	sdelay $0x1  }
0x3a: {  	[sflag:s21] =	ssyncset.done $0x0  }
0x3b: {  	s19 =	simm.s32 $0x0;
	s4 =	simm.s32 $0x5000;
	[sflag:s21] =	ssyncadd.s32 $0xFFFFFB00  }
.LBB2_1:
0x3c: {  	s1 =	rddreg [dreg:$0x7]  }
0x3d: {  	[tilespmem:s19], [sflag:$0x9] =	stream.linear.gather [hbm4b:s1+s19], $0x5000, $0x38;
	[tilespmem:$0x1F000] =	vst v63  }
0x3e: {  	_ =	swait.ge [sflag:s21], $0x5000  }
0x3f: {  	[sflag:s21] =	ssyncset.done $0x0  }
0x40: {  	s22 =	rddreg [dreg:$0x8];
	[sflag:s21] =	ssyncadd.s32 $0xFFFFB000  }
0x41: {  	[tilespmem:s4], [sflag:$0x9] =	stream.linear.gather [hbm4b:s22+s19], $0x5000, $0x38;
	[tilespmem:$0x1F000] =	vst v63  }
0x42: {  	_ =	swait.ge [sflag:s21], $0x5000  }
0x43: {  	[sflag:s21] =	ssyncset.done $0x0  }
0x44: {  	s9 =	simm.s32 $0x12000;
	s24 =	rddreg [dreg:$0x6];
	[sflag:s21] =	ssyncadd.s32 $0xFFFFB000  }
0x45: {  	[tilespmem:s9], [sflag:$0x9] =	stream.linear.gather [hbm4b:s24+s19], $0x800, $0x38;
	[tilespmem:$0x1F000] =	vst v63  }
0x46: {  	_ =	swait.ge [sflag:s21], $0x800  }
0x47: {  	[sflag:s21] =	ssyncset.done $0x0  }
0x48: {  	s12 =	simm.s32 $0x100;
	s11 =	simm.s32 $0x0;
	[sflag:s21] =	ssyncadd.s32 $0xFFFFF800  }
.LBB2_2:
0x49: {  	p2 =	sne.s32 s12, $0x7F00;
	[tilespmem:s11+$0xA030] =	vst v0;
	s22 =	smov.u32 s12;
	s12 =	sadd.s32 $0x100, s12  }
.Ltmp2:
0x4a: {  	[tilespmem:s11+$0xA020] =	vst v0;
	(pc) =	sbr.rel @p2 .LBB2_2-.Ltmp2, $3  }
0x4b: {  	[tilespmem:s11+$0xA000] =	vst v0  }
0x4c: {  	[tilespmem:s11+$0xA010] =	vst v0;
	_ =	sdelay $0x1  }
0x4d: {  	s11 =	sshra.s32 s22, $0x2  }
0x4e: {  	[tilespmem:s11+$0xA030] =	vst v0  }
0x4f: {  	[tilespmem:s11+$0xA020] =	vst v0  }
0x50: {  	[tilespmem:s11+$0xA000] =	vst v0  }
0x51: {  	[tilespmem:s11+$0xA010] =	vst v0;
	s11 =	simm.s32 $0xA000  }
0x52: {  	[spmem:s8] =	stream.linear.scatter [tilespmem:s11], [sflag:$0x9], $0x2000, $0x38;
	[tilespmem:$0x1F000] =	vst v63  }
0x53: {  	_ =	swait.ge [sflag:s21], $0x2000  }
0x54: {  	[sflag:s21] =	ssyncset.done $0x0  }
0x55: {  	s1 =	rddreg [dreg:$0xa];
	[sflag:s21] =	ssyncadd.s32 $0xFFFFE000  }
0x56: {  	[spmem:s1] =	stream.linear.scatter [tilespmem:s11], [sflag:$0x9], $0x2000, $0x38;
	[tilespmem:$0x1F000] =	vst v63  }
0x57: {  	_ =	swait.ge [sflag:s21], $0x2000  }
0x58: {  	[sflag:s21] =	ssyncset.done $0x0  }
0x59: {  	s20 =	rddreg [dreg:$0xb];
	[sflag:s21] =	ssyncadd.s32 $0xFFFFE000  }
0x5a: {  	[spmem:s20] =	stream.linear.scatter [tilespmem:s11], [sflag:$0x9], $0x2000, $0x38;
	[tilespmem:$0x1F000] =	vst v63  }
0x5b: {  	_ =	swait.ge [sflag:s21], $0x2000  }
0x5c: {  	[sflag:s21] =	ssyncset.done $0x0  }
0x5d: {  	s22 =	rddreg [dreg:$0xc];
	[sflag:s21] =	ssyncadd.s32 $0xFFFFE000  }
0x5e: {  	[spmem:s22] =	stream.linear.scatter [tilespmem:s11], [sflag:$0x9], $0x2000, $0x38;
	[tilespmem:$0x1F000] =	vst v63  }
0x5f: {  	_ =	swait.ge [sflag:s21], $0x2000  }
0x60: {  	[sflag:s21] =	ssyncset.done $0x0  }
0x61: {  	s24 =	rddreg [dreg:$0xd];
	[sflag:s21] =	ssyncadd.s32 $0xFFFFE000  }
0x62: {  	[spmem:s24] =	stream.linear.scatter [tilespmem:s11], [sflag:$0x9], $0x2000, $0x38;
	[tilespmem:$0x1F000] =	vst v63  }
0x63: {  	_ =	swait.ge [sflag:s21], $0x2000  }
0x64: {  	[sflag:s21] =	ssyncset.done $0x0  }
0x65: {  	s12 =	sadd.s32 $0x0, s13;
	[sflag:s21] =	ssyncadd.s32 $0xFFFFE000  }
0x66: {  	[spmem:s12] =	stream.linear.scatter [tilespmem:s11], [sflag:$0x9], $0x10, $0x38;
	[tilespmem:$0x1F000] =	vst v63  }
0x67: {  	s12 =	simm.s32 $0x40  }
.LBB2_4:
0x68: {  	p2 =	sne.s32 s12, $0x1FC0  }
.Ltmp3:
0x69: {  	_ = 	snop;
	(pc) =	sbr.rel @p2 .LBB2_4-.Ltmp3, $4  }
0x6a: {  	_ = 	snop  }
0x6b: {  	s22 =	sshra.s32 s12, $0x2;
	s12 =	sadd.s32 $0x40, s12  }
0x6c: {  	s11 =	sadd.s32 $0x40, s11;
	s22 =	sadd.s32 s22, s13  }
0x6d: {  	[spmem:s22] =	stream.linear.scatter [tilespmem:s11], [sflag:$0x9], $0x10, $0x38;
	[tilespmem:$0x1F000] =	vst v63  }
0x6e: {  	_ =	swait.ge [sflag:s21], $0x800  }
0x6f: {  	[sflag:s21] =	ssyncset.done $0x0  }
0x70: {  	s11 =	simm.s32 $0xA000;
	s12 =	sadd.s32 $0x0, s14;
	[sflag:s21] =	ssyncadd.s32 $0xFFFFF800  }
0x71: {  	[spmem:s12] =	stream.linear.scatter [tilespmem:s11], [sflag:$0x9], $0x10, $0x38;
	[tilespmem:$0x1F000] =	vst v63  }
0x72: {  	s12 =	simm.s32 $0x40  }
.LBB2_6:
0x73: {  	p2 =	sne.s32 s12, $0x1FC0  }
.Ltmp4:
0x74: {  	_ = 	snop;
	(pc) =	sbr.rel @p2 .LBB2_6-.Ltmp4, $4  }
0x75: {  	_ = 	snop  }
0x76: {  	s22 =	sshra.s32 s12, $0x2;
	s12 =	sadd.s32 $0x40, s12  }
0x77: {  	s11 =	sadd.s32 $0x40, s11;
	s22 =	sadd.s32 s22, s14  }
0x78: {  	[spmem:s22] =	stream.linear.scatter [tilespmem:s11], [sflag:$0x9], $0x10, $0x38;
	[tilespmem:$0x1F000] =	vst v63  }
0x79: {  	_ =	swait.ge [sflag:s21], $0x800  }
0x7a: {  	[sflag:s21] =	ssyncset.done $0x0  }
0x7b: {  	s11 =	simm.s32 $0xA000;
	s12 =	sadd.s32 $0x0, s15;
	[sflag:s21] =	ssyncadd.s32 $0xFFFFF800  }
0x7c: {  	[spmem:s12] =	stream.linear.scatter [tilespmem:s11], [sflag:$0x9], $0x10, $0x38;
	[tilespmem:$0x1F000] =	vst v63  }
0x7d: {  	s12 =	simm.s32 $0x40  }
.LBB2_8:
0x7e: {  	p2 =	sne.s32 s12, $0x1FC0  }
.Ltmp5:
0x7f: {  	_ = 	snop;
	(pc) =	sbr.rel @p2 .LBB2_8-.Ltmp5, $4  }
0x80: {  	_ = 	snop  }
0x81: {  	s22 =	sshra.s32 s12, $0x2;
	s12 =	sadd.s32 $0x40, s12  }
0x82: {  	s11 =	sadd.s32 $0x40, s11;
	s22 =	sadd.s32 s22, s15  }
0x83: {  	[spmem:s22] =	stream.linear.scatter [tilespmem:s11], [sflag:$0x9], $0x10, $0x38;
	[tilespmem:$0x1F000] =	vst v63  }
0x84: {  	_ =	swait.ge [sflag:s21], $0x800  }
0x85: {  	[sflag:s21] =	ssyncset.done $0x0  }
0x86: {  	s11 =	simm.s32 $0xA000;
	s12 =	sadd.s32 $0x0, s16;
	[sflag:s21] =	ssyncadd.s32 $0xFFFFF800  }
0x87: {  	[spmem:s12] =	stream.linear.scatter [tilespmem:s11], [sflag:$0x9], $0x10, $0x38;
	[tilespmem:$0x1F000] =	vst v63  }
0x88: {  	s12 =	simm.s32 $0x40  }
.LBB2_10:
0x89: {  	p2 =	sne.s32 s12, $0x1FC0  }
.Ltmp6:
0x8a: {  	_ = 	snop;
	(pc) =	sbr.rel @p2 .LBB2_10-.Ltmp6, $4  }
0x8b: {  	_ = 	snop  }
0x8c: {  	s22 =	sshra.s32 s12, $0x2;
	s12 =	sadd.s32 $0x40, s12  }
0x8d: {  	s11 =	sadd.s32 $0x40, s11;
	s22 =	sadd.s32 s22, s16  }
0x8e: {  	[spmem:s22] =	stream.linear.scatter [tilespmem:s11], [sflag:$0x9], $0x10, $0x38;
	[tilespmem:$0x1F000] =	vst v63  }
0x8f: {  	_ =	swait.ge [sflag:s21], $0x800  }
0x90: {  	[sflag:s21] =	ssyncset.done $0x0  }
0x91: {  	s11 =	simm.s32 $0xA000;
	s12 =	sadd.s32 $0x0, s17;
	[sflag:s21] =	ssyncadd.s32 $0xFFFFF800  }
0x92: {  	[spmem:s12] =	stream.linear.scatter [tilespmem:s11], [sflag:$0x9], $0x10, $0x38;
	[tilespmem:$0x1F000] =	vst v63  }
0x93: {  	s12 =	simm.s32 $0x40  }
.LBB2_12:
0x94: {  	p2 =	sne.s32 s12, $0x1FC0  }
.Ltmp7:
0x95: {  	_ = 	snop;
	(pc) =	sbr.rel @p2 .LBB2_12-.Ltmp7, $4  }
0x96: {  	_ = 	snop  }
0x97: {  	s22 =	sshra.s32 s12, $0x2;
	s12 =	sadd.s32 $0x40, s12  }
0x98: {  	s11 =	sadd.s32 $0x40, s11;
	s22 =	sadd.s32 s22, s17  }
0x99: {  	[spmem:s22] =	stream.linear.scatter [tilespmem:s11], [sflag:$0x9], $0x10, $0x38;
	[tilespmem:$0x1F000] =	vst v63  }
0x9a: {  	_ =	swait.ge [sflag:s21], $0x800  }
0x9b: {  	[sflag:s21] =	ssyncset.done $0x0  }
0x9c: {  	[sflag:s21] =	ssyncadd.s32 $0xFFFFF800  }
0x9d: {  	[bflag:$0x0] =	sbarrier.arrive $0xFFFF  }
0x9e: {  	[tilespmem:s26], [sflag:$0x1] =	stream.indirect.gather [hbm4b:s18+s25], $0x40, s19, s25, $0xb8;
	[tilespmem:$0x1F000] =	vst v63  }
0x9f: {  	_ = 	snop  }
0xa0: {  	[tilespmem:s28], [sflag:$0x2] =	stream.indirect.gather [hbm4b:s18+s25], $0x40, s25, s25, $0xb8;
	[tilespmem:$0x1F000] =	vst v63  }
0xa1: {  	s1 =	simm.s32 $0x100  }
0xa2: {  	[tilespmem:s30], [sflag:$0x3] =	stream.indirect.gather [hbm4b:s18+s25], $0x40, s1, s25, $0xb8;
	[tilespmem:$0x1F000] =	vst v63  }
0xa3: {  	s22 =	simm.s32 $0x180  }
0xa4: {  	[tilespmem:s0], [sflag:$0x4] =	stream.indirect.gather [hbm4b:s18+s25], $0x40, s22, s25, $0xb8;
	[tilespmem:$0x1F000] =	vst v63  }
0xa5: {  	_ =	swait.ge [sflag:s23], $0x2000  }
0xa6: {  	[sflag:s23] =	ssyncset.done $0x0  }
0xa7: {  	s11 =	simm.s32 @p0 $0x2;
	[sflag:s23] =	ssyncadd.s32 $0xFFFFE000  }
0xa8: {  	[spmem:s2] =	stream.indirect.scatter.add.f32 [tilespmem:s26], [sflag:$0x5], $0x40, s4, s25, $0xb8;
	[tilespmem:$0x1F000] =	vst v63  }
0xa9: {  	_ =	swait.ge @p0 [sflag:s11], $0x2000  }
0xaa: {  	s12 =	simm.s32 @p0 $0x5080;
	[sflag:s11] =	ssyncset.done @p0 $0x0  }
0xab: {  	s22 =	simm.s32 @p0 $0xC000;
	[sflag:s11] =	ssyncadd.s32 @p0 $0xFFFFE000;
	s11 =	simm.s32 @p0 $0x80  }
0xac: {  	[spmem:s2] =	stream.indirect.scatter.add.f32 @p0 [tilespmem:s22], [sflag:$0x6], $0x40, s12, s11, $0xb8;
	[tilespmem:$0x1F000] =	vst v63  }
0xad: {  	s20 =	simm.s32 @!p0 $0x12000;
	s19 =	simm.s32 @!p0 $0x5000;
	s12 =	simm.s32 @!p0 $0x80  }
0xae: {  	[spmem:s3] =	stream.indirect.scatter.add.f32 @!p0 [tilespmem:s20], [sflag:$0x9], $0x10, s19, s12, $0xb8;
	[tilespmem:$0x1F000] =	vst v63  }
0xaf: {  	s19 =	simm.s32 @!p0 $0x9  }
0xb0: {  	_ =	swait.ge @!p0 [sflag:s19], $0x800  }
0xb1: {  	[sflag:s19] =	ssyncset.done @!p0 $0x0  }
0xb2: {  	s24 =	simm.s32 @!p0 $0x2;
	[sflag:s19] =	ssyncadd.s32 @!p0 $0xFFFFF800  }
0xb3: {  	_ =	swait.ge @!p0 [sflag:s24], $0x2000  }
0xb4: {  	[sflag:s24] =	ssyncset.done @!p0 $0x0  }
0xb5: {  	s9 =	simm.s32 @!p0 $0xC000;
	[sflag:s24] =	ssyncadd.s32 @!p0 $0xFFFFE000;
	s24 =	simm.s32 @!p0 $0x5080  }
0xb6: {  	[spmem:s2] =	stream.indirect.scatter.add.f32 @!p0 [tilespmem:s9], [sflag:$0x6], $0x40, s24, s12, $0xb8;
	[tilespmem:$0x1F000] =	vst v63  }
0xb7: {  	_ = 	snop  }
0xb8: {  	[spmem:s3] =	stream.indirect.scatter.add.f32 @!p0 [tilespmem:s20], [sflag:$0x9], $0x10, s24, s12, $0xb8;
	[tilespmem:$0x1F000] =	vst v63  }
0xb9: {  	_ =	swait.ge @!p0 [sflag:s19], $0x800  }
0xba: {  	[sflag:s19] =	ssyncset.done @!p0 $0x0  }
0xbb: {  	s24 =	simm.s32 $0x5;
	[sflag:s19] =	ssyncadd.s32 @!p0 $0xFFFFF800  }
0xbc: {  	_ =	swait.ge [sflag:s24], $0x2000  }
0xbd: {  	[sflag:s24] =	ssyncset.done $0x0  }
0xbe: {  	s4 =	simm.s32 $0x200;
	[sflag:s24] =	ssyncadd.s32 $0xFFFFE000  }
0xbf: {  	[tilespmem:s26], [sflag:$0x1] =	stream.indirect.gather [hbm4b:s18+s25], $0x40, s4, s25, $0xb8;
	[tilespmem:$0x1F000] =	vst v63  }
0xc0: {  	_ =	swait.ge [sflag:s31], $0x2000  }
0xc1: {  	[sflag:s31] =	ssyncset.done $0x0  }
0xc2: {  	s8 =	simm.s32 $0x5100;
	s24 =	simm.s32 @p0 $0x6;
	[sflag:s31] =	ssyncadd.s32 $0xFFFFE000  }
0xc3: {  	[spmem:s2] =	stream.indirect.scatter.add.f32 [tilespmem:s30], [sflag:$0x7], $0x40, s8, s25, $0xb8;
	[tilespmem:$0x1F000] =	vst v63  }
0xc4: {  	_ =	swait.ge @p0 [sflag:s24], $0x2000  }
0xc5: {  	[sflag:s24] =	ssyncset.done @p0 $0x0  }
0xc6: {  	[sflag:s24] =	ssyncadd.s32 @p0 $0xFFFFE000;
	s24 =	simm.s32 @p0 $0x280  }
0xc7: {  	[tilespmem:s22], [sflag:$0x2] =	stream.indirect.gather @p0 [hbm4b:s18+s11], $0x40, s24, s11, $0xb8;
	[tilespmem:$0x1F000] =	vst v63  }
0xc8: {  	s22 =	simm.s32 @p0 $0x4  }
0xc9: {  	_ =	swait.ge @p0 [sflag:s22], $0x2000  }
0xca: {  	[sflag:s22] =	ssyncset.done @p0 $0x0  }
0xcb: {  	s24 =	simm.s32 @p0 $0x10000;
	[sflag:s22] =	ssyncadd.s32 @p0 $0xFFFFE000;
	s22 =	simm.s32 @p0 $0x5180  }
0xcc: {  	[spmem:s2] =	stream.indirect.scatter.add.f32 @p0 [tilespmem:s24], [sflag:$0x8], $0x40, s22, s11, $0xb8;
	[tilespmem:$0x1F000] =	vst v63  }
0xcd: {  	s11 =	simm.s32 @!p0 $0x5100  }
0xce: {  	[spmem:s3] =	stream.indirect.scatter.add.f32 @!p0 [tilespmem:s20], [sflag:$0x9], $0x10, s11, s12, $0xb8;
	[tilespmem:$0x1F000] =	vst v63  }
0xcf: {  	_ =	swait.ge @!p0 [sflag:s19], $0x800  }
0xd0: {  	[sflag:s19] =	ssyncset.done @!p0 $0x0  }
0xd1: {  	s11 =	simm.s32 @!p0 $0x6;
	[sflag:s19] =	ssyncadd.s32 @!p0 $0xFFFFF800  }
0xd2: {  	_ =	swait.ge @!p0 [sflag:s11], $0x2000  }
0xd3: {  	[sflag:s11] =	ssyncset.done @!p0 $0x0  }
0xd4: {  	[sflag:s11] =	ssyncadd.s32 @!p0 $0xFFFFE000;
	s11 =	simm.s32 @!p0 $0x280  }
0xd5: {  	[tilespmem:s9], [sflag:$0x2] =	stream.indirect.gather @!p0 [hbm4b:s18+s12], $0x40, s11, s12, $0xb8;
	[tilespmem:$0x1F000] =	vst v63  }
0xd6: {  	s9 =	simm.s32 @!p0 $0x4  }
0xd7: {  	_ =	swait.ge @!p0 [sflag:s9], $0x2000  }
0xd8: {  	[sflag:s9] =	ssyncset.done @!p0 $0x0  }
0xd9: {  	s11 =	simm.s32 @!p0 $0x10000;
	[sflag:s9] =	ssyncadd.s32 @!p0 $0xFFFFE000;
	s9 =	simm.s32 @!p0 $0x5180  }
0xda: {  	[spmem:s2] =	stream.indirect.scatter.add.f32 @!p0 [tilespmem:s11], [sflag:$0x8], $0x40, s9, s12, $0xb8;
	[tilespmem:$0x1F000] =	vst v63  }
0xdb: {  	_ = 	snop  }
0xdc: {  	[spmem:s3] =	stream.indirect.scatter.add.f32 @!p0 [tilespmem:s20], [sflag:$0x9], $0x10, s9, s12, $0xb8;
	[tilespmem:$0x1F000] =	vst v63  }
0xdd: {  	_ =	swait.ge @!p0 [sflag:s19], $0x800  }
0xde: {  	[sflag:s19] =	ssyncset.done @!p0 $0x0  }
0xdf: {  	[sflag:s19] =	ssyncadd.s32 @!p0 $0xFFFFF800  }
0xe0: {  	_ =	swait.ge [sflag:s29], $0x2000  }
0xe1: {  	s24 =	simm.s32 $0x300;
	[sflag:s29] =	ssyncset.done $0x0  }
0xe2: {  	s11 =	simm.s32 $0x1;
	s12 =	simm.s32 $0x0;
	[sflag:s29] =	ssyncadd.s32 $0xFFFFE000  }
0xe3: {  	[tilespmem:s30], [sflag:$0x3] =	stream.indirect.gather [hbm4b:s18+s25], $0x40, s24, s25, $0xb8;
	[tilespmem:$0x1F000] =	vst v63  }
.LBB2_14:
0xe4: {  	_ =	swait.ge [sflag:s23], $0x2000;
	s22 =	sshra.s32 s12, $0x2  }
0xe5: {  	p3 =	sgt.u32 s11, $0x13;
	s19 =	simm.s32 $0x1;
	s20 =	simm.s32 $0x1  }
0xe6: {  	[sflag:s23] =	ssyncset.done $0x0;
	s19 =	simm.s32 @!p3 $0x0;
	s20 =	simm.s32 @!p1 $0x0  }
0xe7: {  	s9 =	sadd.s32 $0x5200, s22;
	[sflag:s23] =	ssyncadd.s32 $0xFFFFE000;
	p2 =	seq.s32 s20, s19  }
0xe8: {  	[spmem:s2] =	stream.indirect.scatter.add.f32 [tilespmem:s26], [sflag:$0x5], $0x40, s9, s25, $0xb8;
	[tilespmem:$0x1F000] =	vst v63  }
0xe9: {  	s19 =	simm.s32 @!p2 $0x80;
	s20 =	simm.s32 @!p2 $0x12000  }
0xea: {  	[spmem:s3] =	stream.indirect.scatter.add.f32 @!p2 [tilespmem:s20], [sflag:$0x9], $0x10, s9, s19, $0xb8;
	[tilespmem:$0x1F000] =	vst v63  }
0xeb: {  	s9 =	simm.s32 @!p2 $0x9  }
0xec: {  	_ =	swait.ge @!p2 [sflag:s9], $0x800  }
0xed: {  	[sflag:s9] =	ssyncset.done @!p2 $0x0  }
0xee: {  	[sflag:s9] =	ssyncadd.s32 @!p2 $0xFFFFF800  }
0xef: {  	_ =	swait.ge [sflag:s5], $0x2000  }
0xf0: {  	[sflag:s5] =	ssyncset.done $0x0  }
0xf1: {  	s24 =	sadd.s32 $0x380, s22;
	[sflag:s5] =	ssyncadd.s32 $0xFFFFE000  }
0xf2: {  	[tilespmem:s0], [sflag:$0x4] =	stream.indirect.gather [hbm4b:s18+s25], $0x40, s24, s25, $0xb8;
	[tilespmem:$0x1F000] =	vst v63  }
0xf3: {  	_ =	swait.ge [sflag:s6], $0x2000  }
0xf4: {  	p2 =	por !p3, !p3;
	[sflag:s6] =	ssyncset.done $0x0  }
0xf5: {  	s9 =	sadd.s32 $0x5280, s22;
	p2 =	por @!p1 p3, p3;
	[sflag:s6] =	ssyncadd.s32 $0xFFFFE000  }
0xf6: {  	[spmem:s2] =	stream.indirect.scatter.add.f32 [tilespmem:s28], [sflag:$0x6], $0x40, s9, s25, $0xb8;
	[tilespmem:$0x1F000] =	vst v63  }
0xf7: {  	s19 =	simm.s32 @p2 $0x80;
	s20 =	simm.s32 @p2 $0x12000  }
0xf8: {  	[spmem:s3] =	stream.indirect.scatter.add.f32 @p2 [tilespmem:s20], [sflag:$0x9], $0x10, s9, s19, $0xb8;
	[tilespmem:$0x1F000] =	vst v63  }
0xf9: {  	s9 =	simm.s32 @p2 $0x9  }
0xfa: {  	_ =	swait.ge @p2 [sflag:s9], $0x800  }
0xfb: {  	p3 =	seq.s32 s12, $0x13000;
	[sflag:s9] =	ssyncset.done @p2 $0x0  }
0xfc: {  	s24 =	simm.s32 @!p3 $0x5;
	[sflag:s9] =	ssyncadd.s32 @p2 $0xFFFFF800  }
0xfd: {  	_ =	swait.ge @!p3 [sflag:s24], $0x2000  }
0xfe: {  	[sflag:s24] =	ssyncset.done @!p3 $0x0  }
0xff: {  	[sflag:s24] =	ssyncadd.s32 @!p3 $0xFFFFE000;
	s24 =	sshra.s32 @!p3 s12, $0x2  }
0x100: {  	s8 =	simm.s32 @!p3 $0x80;
	s1 =	simm.s32 @!p3 $0xA000;
	s4 =	sadd.s32 @!p3 $0x400, s24  }
0x101: {  	[tilespmem:s1], [sflag:$0x1] =	stream.indirect.gather @!p3 [hbm4b:s18+s8], $0x40, s4, s8, $0xb8;
	[tilespmem:$0x1F000] =	vst v63  }
0x102: {  	_ =	swait.ge [sflag:s31], $0x2000  }
0x103: {  	[sflag:s31] =	ssyncset.done $0x0  }
0x104: {  	s1 =	sadd.s32 $0x5300, s22;
	[sflag:s31] =	ssyncadd.s32 $0xFFFFE000  }
0x105: {  	[spmem:s2] =	stream.indirect.scatter.add.f32 [tilespmem:s30], [sflag:$0x7], $0x40, s1, s25, $0xb8;
	[tilespmem:$0x1F000] =	vst v63  }
0x106: {  	_ = 	snop  }
0x107: {  	[spmem:s3] =	stream.indirect.scatter.add.f32 @p2 [tilespmem:s20], [sflag:$0x9], $0x10, s1, s19, $0xb8;
	[tilespmem:$0x1F000] =	vst v63  }
0x108: {  	_ =	swait.ge @p2 [sflag:s9], $0x800  }
0x109: {  	[sflag:s9] =	ssyncset.done @p2 $0x0  }
0x10a: {  	s1 =	simm.s32 @!p3 $0x6;
	[sflag:s9] =	ssyncadd.s32 @p2 $0xFFFFF800  }
0x10b: {  	_ =	swait.ge @!p3 [sflag:s1], $0x2000  }
0x10c: {  	[sflag:s1] =	ssyncset.done @!p3 $0x0  }
0x10d: {  	s4 =	simm.s32 @!p3 $0xC000;
	[sflag:s1] =	ssyncadd.s32 @!p3 $0xFFFFE000;
	s1 =	sadd.s32 @!p3 $0x480, s24  }
0x10e: {  	[tilespmem:s4], [sflag:$0x2] =	stream.indirect.gather @!p3 [hbm4b:s18+s8], $0x40, s1, s8, $0xb8;
	[tilespmem:$0x1F000] =	vst v63  }
0x10f: {  	_ =	swait.ge [sflag:s7], $0x2000  }
0x110: {  	[sflag:s7] =	ssyncset.done $0x0  }
0x111: {  	s1 =	sadd.s32 $0x5380, s22;
	[sflag:s7] =	ssyncadd.s32 $0xFFFFE000  }
0x112: {  	[spmem:s2] =	stream.indirect.scatter.add.f32 [tilespmem:s0], [sflag:$0x8], $0x40, s1, s25, $0xb8;
	[tilespmem:$0x1F000] =	vst v63  }
.Ltmp8:
0x113: {  	_ = 	snop;
	(pc) =	sbr.rel @p3 .LBB2_16-.Ltmp8, $4  }
0x114: {  	[spmem:s3] =	stream.indirect.scatter.add.f32 @p2 [tilespmem:s20], [sflag:$0x9], $0x10, s1, s19, $0xb8;
	[tilespmem:$0x1F000] =	vst v63  }
0x115: {  	_ =	swait.ge @p2 [sflag:s9], $0x800  }
0x116: {  	[sflag:s9] =	ssyncset.done @p2 $0x0  }
0x117: {  	[sflag:s9] =	ssyncadd.s32 @p2 $0xFFFFF800  }
.Ltmp9:
0x118: {  	(pc) =	sbr.rel .LBB2_14-.Ltmp9, $4  }
0x119: {  	_ =	swait.ge [sflag:s29], $0x2000  }
0x11a: {  	s1 =	sadd.s32 $0x500, s22;
	[sflag:s29] =	ssyncset.done $0x0  }
0x11b: {  	s11 =	sadd.s32 $0x1, s11;
	s12 =	sadd.s32 $0x800, s12;
	[sflag:s29] =	ssyncadd.s32 $0xFFFFE000  }
0x11c: {  	[tilespmem:s30], [sflag:$0x3] =	stream.indirect.gather [hbm4b:s18+s25], $0x40, s1, s25, $0xb8;
	[tilespmem:$0x1F000] =	vst v63  }
.LBB2_17:
0x11d: {  	_ =	sfence.sel $0x180000  }
0x11e: {  	[bflag:$0x0] =	sbarrier.arrive $0xFFFF  }
0x11f: {  	_ =	strace $0x90000047  }
0x120: {  	s0 =	stileid.u32;
	[bflag:$0x2] =	sbarrier.arrive $0xFFFF  }
0x121: {  	p0 =	sne.s32 s0, $0x0;
	s0 =	rddreg [dreg:$0x5]  }
0x122: {  	s0 =	sadd.s32 @!p0 $0x100000, s0  }
0x123: {  	[sflag:s0] =	ssyncadd.tile.s32 @!p0 $0x1;
	_ =	shalt  }
.Lfunc_end2:
_tile_overlayer_lowered:
.L_overlay_start_2:
0x124: {  	(tag) =	ssettag $0x2  }
0x125: {  	s0 =	rddreg [dreg:$0x0];
	s2 =	stileid.u32  }
0x126: {  	s1 =	rddreg [dreg:$0x1];
	p0 =	sne.s32 s2, $0x0  }
0x127: {  	s3 =	rddreg [dreg:$0x2];
	[bflag:$0x3] =	sbarrier.arrive $0xFFFF;
	s2 =	simm.s32 @!p0 $0x1C09  }
0x128: {  	[timem:s3], [sflag:s2] =	dma.local @!p0 [hbm:s0], s1  }
0x129: {  	s0 =	simm.s32 @!p0 $0x9  }
0x12a: {  	_ =	swait.ge @!p0 [sflag:s0], s1  }
0x12b: {  	s1 =	ssub.s32 @!p0 $0x0, s1;
	[sflag:s0] =	ssyncset.done @!p0 $0x0  }
0x12c: {  	[sflag:s0] =	ssyncadd.s32 @!p0 s1  }
0x12d: {  	[bflag:$0x3] =	sbarrier.arrive $0xFFFF  }
0x12e: {  	_ =	shalt  }

// kernel: kernel.9.cloned.1.call-start
scs
__scs_entry_jumppad:
0x0: {  	(pc) =	sbr.rel $0x88, $3  }
0x1: {  	(tag) =	ssettag $0x0;
	lr =	simm.s32 $0x1  }
0x2: {  	[smem:$0x3F99] =	sst lr;
	_ =	strace $0xD0000000  }
0x3: {  	_ = 	snop  }
0x4: {  	_ = 	snop  }
0x5: {  	_ = 	snop  }
0x6: {  	_ = 	snop  }
0x7: {  	_ = 	snop  }
__scs_overlays_trampoline_lowered:
0x8: {  	[smem:$0x3FA8] =	sst s0  }
0x9: {  	[smem:$0x3FA9] =	sst s1  }
0xa: {  	[smem:$0x3FAA] =	sst s2  }
0xb: {  	[smem:$0x3FAB] =	sst s3  }
0xc: {  	[smem:$0x3FAC] =	sst s4  }
0xd: {  	[smem:$0x3FAD] =	sst s5  }
0xe: {  	[smem:$0x3FAE] =	sst s6  }
0xf: {  	[smem:$0x3FAF] =	sst s7  }
0x10: {  	[smem:$0x3FB0] =	sst s8  }
0x11: {  	[smem:$0x3FB1] =	sst s9;
	s0 =	simm.s32 @!p0 $0x0  }
0x12: {  	s1 =	sld [smem:$0x3F97];
	s0 =	simm.s32 @p0 $0x1  }
0x13: {  	[smem:$0x3FB2] =	sst s0;
	s0 =	simm.s32 @!p1 $0x0  }
0x14: {  	s2 =	sld [smem:$0x3F96];
	s0 =	simm.s32 @p1 $0x1  }
0x15: {  	[smem:$0x3FB3] =	sst s0;
	s0 =	simm.s32 @!p2 $0x0  }
0x16: {  	s3 =	sld [smem:$0x3FDB];
	s0 =	simm.s32 @p2 $0x1  }
0x17: {  	s4 =	simm.s32 $0x1BF5;
	[smem:$0x3FB5] =	sst s0  }
0x18: {  	s0 =	sld [smem:$0x3F98];
	_ =	swait.ge [sflag:s4], $0x0  }
0x19: {  	s7 =	sld [smem:$0x3F99]  }
0x1a: {  	s8 =	sadd.s32 $0xFFFFE003, lr  }
0x1b: {  	s9 =	sadd.s32 $0xFFFFFEF7, lr;
	s5 =	simm.s32 $0xFFFFFFFF;
	p2 =	slt.u32 s8, $0xFFFFF086  }
0x1c: {  	p1 =	slt.u32 s9, $0xF7A;
	s5 =	simm.s32 @!p2 $0x0  }
0x1d: {  	s5 =	simm.s32 @p1 $0x1;
	p0 =	seq.s32 s7, s2  }
0x1e: {  	s7 =	smul.u32 @!p0 $0xF7A, s2;
	p2 =	seq.s32 @!p0 s5, $0x0  }
0x1f: {  	s9 =	smul.u32 $0xF7A, s1;
	s8 =	simm.s32 @!p0 $0x1BF5;
	p2 =	por !p2, p0  }
0x20: {  	[sflag:s8] =	ssyncset.s32 @!p0 $0xFFFFF086;
	s6 =	sadd.s32 @!p0 s3, s7;
	s7 =	simm.s32 @!p0 $0x108  }
0x21: {  	s3 =	sadd.s32 s3, s9;
	s6 =	sadd.s32 @!p0 $0x88, s6;
	s7 =	simm.s32 @p2 $0x1082  }
0x22: {  	[simem:s7], [sflag:s8] =	dma.local @!p0 [hbm:s6], $0xF7A  }
0x23: {  	s9 =	sor.u32 $0xD0000000, s2;
	s6 =	simm.s32 $0x108;
	_ =	swait.ge @!p0 [sflag:s8], $0x0  }
0x24: {  	s3 =	sadd.s32 $0x88, s3;
	s6 =	simm.s32 @!p1 $0x1082;
	[sflag:s4] =	ssyncset.s32 $0xFFFFF086  }
0x25: {  	[simem:s6], [sflag:s4] =	dma.local [hbm:s3], $0xF7A  }
0x26: {  	[smem:$0x3F99] =	sst s1;
	(tag) =	ssettag s2;
	_ =	strace s9  }
0x27: {  	s1 =	sld [smem:$0x3FA9]  }
0x28: {  	s2 =	sld [smem:$0x3FAA]  }
0x29: {  	s4 =	sld [smem:$0x3FAC]  }
0x2a: {  	p0 =	seq.s32 s5, $0x0;
	s5 =	sld [smem:$0x3FAD]  }
0x2b: {  	s6 =	sld [smem:$0x3FAE]  }
0x2c: {  	s7 =	sld [smem:$0x3FAF]  }
0x2d: {  	s3 =	simm.s32 $0x108;
	s8 =	sld [smem:$0x3FB0]  }
0x2e: {  	s3 =	simm.s32 @!p0 $0x1082;
	s9 =	sld [smem:$0x3FB1]  }
0x2f: {  	lr =	sadd.s32 s0, s3;
	s0 =	sld [smem:$0x3FA8]  }
0x30: {  	s3 =	sld [smem:$0x3FAB]  }
0x31: {  	[smem:$0x3FB4] =	sst s10  }
0x32: {  	s10 =	sld [smem:$0x3FB2];
	_ =	sdelay $0x3  }
0x33: {  	p0 =	seq.s32 s10, $0x1;
	s10 =	sld [smem:$0x3FB4];
	_ =	sdelay $0x3  }
0x34: {  	[smem:$0x3FB4] =	sst s10  }
0x35: {  	s10 =	sld [smem:$0x3FB3];
	_ =	sdelay $0x3  }
0x36: {  	p1 =	seq.s32 s10, $0x1;
	s10 =	sld [smem:$0x3FB4];
	_ =	sdelay $0x3  }
0x37: {  	[smem:$0x3FB4] =	sst s10  }
0x38: {  	s10 =	sld [smem:$0x3FB5]  }
0x39: {  	_ = 	snop;
	(pc) =	sbr.ind lr, $3  }
0x3a: {  	_ = 	snop  }
0x3b: {  	_ = 	snop  }
0x3c: {  	p2 =	seq.s32 s10, $0x1;
	s10 =	sld [smem:$0x3FB4]  }
0x3d: {  	_ =	shalt  }
0x3e: {  	_ =	shalt  }
0x3f: {  	_ =	shalt  }
0x40: {  	_ =	shalt  }
0x41: {  	_ =	shalt  }
0x42: {  	_ =	shalt  }
0x43: {  	_ =	shalt  }
0x44: {  	_ =	shalt  }
0x45: {  	_ =	shalt  }
0x46: {  	_ =	shalt  }
0x47: {  	_ =	shalt  }
0x48: {  	_ =	shalt  }
0x49: {  	_ =	shalt  }
0x4a: {  	_ =	shalt  }
0x4b: {  	_ =	shalt  }
0x4c: {  	_ =	shalt  }
0x4d: {  	_ =	shalt  }
0x4e: {  	_ =	shalt  }
0x4f: {  	_ =	shalt  }
0x50: {  	_ =	shalt  }
0x51: {  	_ =	shalt  }
0x52: {  	_ =	shalt  }
0x53: {  	_ =	shalt  }
0x54: {  	_ =	shalt  }
0x55: {  	_ =	shalt  }
0x56: {  	_ =	shalt  }
0x57: {  	_ =	shalt  }
0x58: {  	_ =	shalt  }
0x59: {  	_ =	shalt  }
0x5a: {  	_ =	shalt  }
0x5b: {  	_ =	shalt  }
0x5c: {  	_ =	shalt  }
0x5d: {  	_ =	shalt  }
0x5e: {  	_ =	shalt  }
0x5f: {  	_ =	shalt  }
0x60: {  	_ =	shalt  }
0x61: {  	_ =	shalt  }
0x62: {  	_ =	shalt  }
0x63: {  	_ =	shalt  }
0x64: {  	_ =	shalt  }
0x65: {  	_ =	shalt  }
0x66: {  	_ =	shalt  }
0x67: {  	_ =	shalt  }
0x68: {  	_ =	shalt  }
0x69: {  	_ =	shalt  }
0x6a: {  	_ =	shalt  }
0x6b: {  	_ =	shalt  }
0x6c: {  	_ =	shalt  }
0x6d: {  	_ =	shalt  }
0x6e: {  	_ =	shalt  }
0x6f: {  	_ =	shalt  }
0x70: {  	_ =	shalt  }
0x71: {  	_ =	shalt  }
0x72: {  	_ =	shalt  }
0x73: {  	_ =	shalt  }
0x74: {  	_ =	shalt  }
0x75: {  	_ =	shalt  }
0x76: {  	_ =	shalt  }
0x77: {  	_ =	shalt  }
0x78: {  	_ =	shalt  }
0x79: {  	_ =	shalt  }
0x7a: {  	_ =	shalt  }
0x7b: {  	_ =	shalt  }
0x7c: {  	_ =	shalt  }
0x7d: {  	_ =	shalt  }
0x7e: {  	_ =	shalt  }
0x7f: {  	_ =	shalt  }
0x80: {  	_ =	shalt  }
0x81: {  	_ =	shalt  }
0x82: {  	_ =	shalt  }
0x83: {  	_ =	shalt  }
0x84: {  	_ =	shalt  }
0x85: {  	_ =	shalt  }
0x86: {  	_ =	shalt  }
0x87: {  	_ =	shalt  }
.Lfunc_end0:
.L_simem_size_0:
called_computation.1_lowered:
.L_overlay_start_0:
0x88: {  	s2 =	sld [smem:$0x3FD9]  }
0x89: {  	s3 =	sld [smem:$0x3FFE];
	_ =	sdelay $0x1  }
0x8a: {  	s1 =	srdreg.scid  }
0x8b: {  	s0 =	sand.u32 $0x1, s1  }
0x8c: {  	s17 =	sshll.u32 s0, $0xA;
	s2 =	sadd.s32 s3, s2  }
0x8d: {  	s2 =	sadd.s32 s2, s17  }
0x8e: {  	[smem:$0x3FC0] =	sst s2  }
0x8f: {  	_ = 	snop  }
0x90: {  	s2 =	sld [smem:$0x3FD0];
	(tm) =	ssettm $0x1  }
0x91: {  	s18 =	sld [smem:$0x3FFB];
	_ =	sdelay $0x3  }
0x92: {  	_ =	strace s18  }
0x93: {  	s3 =	sld [smem:$0x3FFC];
	_ =	sdelay $0x3  }
0x94: {  	_ =	strace s3  }
0x95: {  	s3 =	sld [smem:$0x3FFD];
	_ =	sdelay $0x3  }
0x96: {  	_ =	strace s3  }
0x97: {  	_ =	strace $0x8FFFFFFF  }
0x98: {  	s19 =	sld [smem:$0x3FDB];
	_ =	sdelay $0x1  }
0x99: {  	s4 =	simm.s32 $_scs_section_size  }
0x9a: {  	s5 =	simm.s32 $_size__tile_overlayer_lowered;
	s6 =	simm.s32 $_tile_overlayer_lowered  }
0x9b: {  	s22 =	simm.s32 $0x1BFF;
	s21 =	sshll.u32 s6, $0x1;
	s3 =	sadd.s32 s4, s19  }
0x9c: {  	s7 =	simm.s32 $0x0;
	s20 =	sshll.u32 s5, $0x1;
	s5 =	sadd.s32 s21, s3  }
0x9d: {  	[timem:s7], [sflag:s22] =	dma.local [hbm:s5], s20  }
0x9e: {  	_ =	swait.ge [sflag:s22], s20  }
0x9f: {  	s4 =	ssub.s32 $0x0, s20;
	[sflag:s22] =	ssyncset.done $0x0  }
0xa0: {  	[sflag:s22] =	ssyncadd.s32 s4;
	_ =	sdelay $0x1  }
0xa1: {  	s23 =	simm.s32 $0x1B8B  }
0xa2: {  	_ =	swait.ge [sflag:s23], $0x1  }
0xa3: {  	[sflag:s23] =	ssyncset.done $0x0  }
0xa4: {  	s25 =	simm.s32 $0x1B8E;
	s24 =	sld [smem:$0x3FFE];
	[sflag:s23] =	ssyncadd.s32 $0xFFFFFFFF  }
0xa5: {  	s26 =	simm.s32 $execute0_lowered;
	[smem:$0x3FD2] =	sst s25  }
0xa6: {  	s5 =	sshll.u32 s26, $0x1;
	_ =	strace $0x80000049;
	[dreg:$0x1] =	wrdreg $0xFFFFFFFF  }
0xa7: {  	s28 =	simm.s32 $_size_execute0_lowered;
	s3 =	sadd.s32 s3, s5;
	[dreg:$0x0] =	wrdreg $0x0  }
0xa8: {  	s5 =	sshll.u32 s28, $0x1;
	[dreg:$0x2] =	wrdreg s3  }
0xa9: {  	[dreg:$0x3] =	wrdreg s5  }
0xaa: {  	[dreg:$0x4] =	wrdreg $0xC0  }
0xab: {  	_ =	task [dreg:s7], $0x5FFFF  }
0xac: {  	[dreg:$0x1] =	wrdreg $0xFFFFFFFF  }
0xad: {  	[dreg:$0x0] =	wrdreg $0x60  }
0xae: {  	[dreg:$0x2] =	wrdreg s2  }
0xaf: {  	[dreg:$0x3] =	wrdreg s24  }
0xb0: {  	[dreg:$0x4] =	wrdreg $0x140000  }
0xb1: {  	[dreg:$0x5] =	wrdreg $0x9  }
0xb2: {  	_ =	task.clear_ibuf [dreg:s7], $0x6FFFF;
	_ =	strace $0x90000049  }
0xb3: {  	s29 =	simm.s32 $0x9;
	_ =	strace $0x8000004B  }
0xb4: {  	_ =	swait.ge [sflag:s29], $0x1  }
0xb5: {  	[sflag:s29] =	ssyncadd.s32 $0xFFFFFFFF  }
0xb6: {  	_ =	strace $0x9000004B  }
0xb7: {  	_ =	sfence  }
0xb8: {  	s30 =	sld [smem:$0x0];
	_ =	sdelay $0x2  }
0xb9: {  	s31 =	sshll.u32 s1, $0xD;
	s1 =	sshrl.u32 s1, $0x2  }
0xba: {  	s3 =	sand.u32 $0x4000, s31;
	s1 =	sadd.s32 s1, s30  }
0xbb: {  	s0 =	sor.u32 s3, s0;
	s1 =	sshll.u32 s1, $0x11  }
0xbc: {  	s0 =	sor.u32 s1, s0  }
0xbd: {  	s0 =	sadd.s32 $0x8F2B, s0  }
0xbe: {  	[sflag:s0] =	ssyncadd.remote.s32 $0x1  }
0xbf: {  	_ =	sfence.sel $0xFFFF  }
0xc0: {  	[dreg:$0x0] =	wrdreg $0xFFFFFFFF;
	(pc) =	sbr.abs _section_cstart, $3  }
0xc1: {  	[dreg:$0x1] =	wrdreg $0xFFFFFFFF  }
0xc2: {  	_ =	task.clear_ibuf [dreg:s7], $0x2FFFF;
	_ =	strace $0x9FFFFFFF  }
0xc3: {  	(tm) =	ssettm $0x7FFFFFFF  }
tec
execute0_lowered:
.L_overlay_start_1:
0x0: {  	(tag) =	ssettag $0x1  }
0x1: {  	s0 =	rddreg [dreg:$0x0]  }
0x2: {  	s1 =	rddreg [dreg:$0x1]  }
0x3: {  	s2 =	rddreg [dreg:$0x2]  }
0x4: {  	s3 =	simm.s32 $0x0;
	s8 =	stileid.u32;
	s19 =	srdreg.scid  }
0x5: {  	s14 =	simm.s32 $0xB;
	s15 =	simm.s32 $0x5000;
	s16 =	simm.s32 $0xA000  }
0x6: {  	s17 =	simm.s32 $0x80;
	s18 =	simm.s32 $0xC000;
	s29 =	simm.s32 $0x6  }
0x7: {  	s31 =	simm.s32 $0x3;
	s28 =	simm.s32 $0x8;
	s4 =	smul.u32 $0xA00, s8  }
0x8: {  	s30 =	simm.s32 $0x0;
	[smem:$0x7FF] =	sst s3;
	s6 =	smul.u32 $0x28000, s8  }
0x9: {  	s11 =	sand.u32 $0x1, s19;
	s3 =	sshll.u32 s19, $0x3;
	s24 =	smul.u32 $0x2800, s8  }
0xa: {  	s19 =	simm.s32 $0xA;
	_ =	strace $0x8000004A;
	s5 =	ssub.s32 $0x2, s11  }
0xb: {  	s3 =	sand.u32 $0x8, s3;
	s11 =	sshll.u32 s11, $0x3;
	s4 =	sadd.s32 s4, s1  }
0xc: {  	s7 =	sshrl.u32 s5, $0x1;
	s1 =	sadd.s32 s3, s1;
	s6 =	sshrl.u32 s6, $0x2  }
0xd: {  	s11 =	sadd.s32 s0, s11;
	s0 =	simm.s32 $0x5;
	s20 =	ssub.s32 s5, s7  }
0xe: {  	s21 =	sadd.s32 $0x3400, s4;
	s4 =	sadd.s32 $0xD400, s4;
	s6 =	sadd.s32 s6, s2  }
0xf: {  	s26 =	sadd.s32 s24, s1;
	s24 =	simm.s32 $0x12000;
	[dreg:$0x4] =	wrdreg s21  }
0x10: {  	s1 =	simm.s32 $0x7;
	[dreg:$0x5] =	wrdreg s4;
	s22 =	sadd.s32 $0x2000, s6  }
.Ltmp0:
0x11: {  	s23 =	sadd.s32 $0x4000, s6;
	s25 =	sadd.s32 $0x6000, s6;
	(pc) =	sbr.rel .LBB2_1-.Ltmp0, $4  }
0x12: {  	s10 =	sadd.s32 $0x8000, s6;
	s12 =	smax.u32 s20, $0x1;
	[dreg:$0x6] =	wrdreg s22  }
0x13: {  	s13 =	sadd.s32 $0x17600, s26;
	s20 =	simm.s32 $0xE000;
	[dreg:$0x7] =	wrdreg s23  }
0x14: {  	s26 =	simm.s32 $0x2;
	s21 =	simm.s32 $0x4;
	[dreg:$0x8] =	wrdreg s25  }
0x15: {  	v0 =	vimm.f32 $0.0e+00;
	s22 =	simm.s32 $0x10000;
	s25 =	simm.s32 $0x1;
	s23 =	simm.s32 $0x9  }
.LBB2_6:
0x16: {  	_ =	swait.ge [sflag:s0], $0x2000  }
0x17: {  	[sflag:s0] =	ssyncset.done $0x0  }
0x18: {  	s3 =	simm.s32 $0x9F80;
	[sflag:s0] =	ssyncadd.s32 $0xFFFFE000  }
0x19: {  	[spmem:s2] =	stream.indirect.scatter.add.f32 [tilespmem:s24], [sflag:$0xA], $0x40, s3, s17, $0xb8;
	[tilespmem:$0x1E000] =	vst v63  }
0x1a: {  	_ =	swait.ge [sflag:s29], $0x2000  }
0x1b: {  	[sflag:s29] =	ssyncset.done $0x0  }
0x1c: {  	[sflag:s29] =	ssyncadd.s32 $0xFFFFE000  }
0x1d: {  	_ =	swait.ge [sflag:s1], $0x2000  }
0x1e: {  	[sflag:s1] =	ssyncset.done $0x0  }
0x1f: {  	[sflag:s1] =	ssyncadd.s32 $0xFFFFE000  }
0x20: {  	_ =	swait.ge [sflag:s28], $0x2000  }
0x21: {  	[sflag:s28] =	ssyncset.done $0x0  }
0x22: {  	[sflag:s28] =	ssyncadd.s32 $0xFFFFE000  }
0x23: {  	_ =	swait.ge [sflag:s23], $0x2000  }
0x24: {  	[sflag:s23] =	ssyncset.done $0x0  }
0x25: {  	[sflag:s23] =	ssyncadd.s32 $0xFFFFE000  }
0x26: {  	s9 =	stileid.u32;
	s4 =	sshrl.u32 s6, $0x3;
	_ =	swait.ge [sflag:s19], $0x2000  }
0x27: {  	s5 =	simm.s32 $0x10;
	s30 =	sadd.s32 $0x1, s30;
	[sflag:s19] =	ssyncset.done $0x0  }
0x28: {  	p0 =	sne.s32 s30, s12;
	s3 =	sshll.u32 s9, $0x6;
	[sflag:s19] =	ssyncadd.s32 $0xFFFFE000  }
.Ltmp1:
0x29: {  	s3 =	sor.u32 $0x1C0B, s3;
	[bflag:$0x0] =	sbarrier.arrive $0xFFFF;
	(pc) =	sbr.rel @!p0 .LBB2_7-.Ltmp1, $4  }
0x2a: {  	[hbm:s13@s5], [sflag:s3] =	dma.strided [spmem:s4@s28], $0x1400, s25, $0x8   }
0x2b: {  	_ =	swait.ge [sflag:s14], $0x1400  }
0x2c: {  	[sflag:s14] =	ssyncset.done $0x0  }
0x2d: {  	[sflag:s14] =	ssyncadd.s32 $0xFFFFEC00  }
.LBB2_1:
0x2e: {  	s3 =	simm.s32 $0x0;
	s4 =	rddreg [dreg:$0x4]  }
0x2f: {  	[tilespmem:s3], [sflag:$0xB] =	stream.linear.gather [hbm4b:s4+s3], $0x5000, $0x38;
	[tilespmem:$0x1E000] =	vst v63  }
0x30: {  	_ =	swait.ge [sflag:s14], $0x5000  }
0x31: {  	[sflag:s14] =	ssyncset.done $0x0  }
0x32: {  	s9 =	rddreg [dreg:$0x5];
	[sflag:s14] =	ssyncadd.s32 $0xFFFFB000  }
0x33: {  	[tilespmem:s15], [sflag:$0xB] =	stream.linear.gather [hbm4b:s9+s3], $0x5000, $0x38;
	[tilespmem:$0x1E000] =	vst v63  }
0x34: {  	_ =	swait.ge [sflag:s14], $0x5000  }
0x35: {  	[sflag:s14] =	ssyncset.done $0x0  }
0x36: {  	s4 =	simm.s32 $0x100;
	s3 =	simm.s32 $0x0;
	[sflag:s14] =	ssyncadd.s32 $0xFFFFB000  }
.LBB2_2:
0x37: {  	p0 =	sne.s32 s4, $0x7F00;
	[tilespmem:s3+$0xA030] =	vst v0;
	s5 =	smov.u32 s4;
	s4 =	sadd.s32 $0x100, s4  }
.Ltmp2:
0x38: {  	[tilespmem:s3+$0xA020] =	vst v0;
	(pc) =	sbr.rel @p0 .LBB2_2-.Ltmp2, $3  }
0x39: {  	[tilespmem:s3+$0xA000] =	vst v0  }
0x3a: {  	[tilespmem:s3+$0xA010] =	vst v0;
	_ =	sdelay $0x1  }
0x3b: {  	s3 =	sshra.s32 s5, $0x2  }
0x3c: {  	[tilespmem:s3+$0xA030] =	vst v0  }
0x3d: {  	[tilespmem:s3+$0xA020] =	vst v0  }
0x3e: {  	[tilespmem:s3+$0xA000] =	vst v0  }
0x3f: {  	[tilespmem:s3+$0xA010] =	vst v0  }
0x40: {  	[spmem:s6] =	stream.linear.scatter [tilespmem:s16], [sflag:$0xB], $0x2000, $0x38;
	[tilespmem:$0x1E000] =	vst v63  }
0x41: {  	_ =	swait.ge [sflag:s14], $0x2000  }
0x42: {  	[sflag:s14] =	ssyncset.done $0x0  }
0x43: {  	s4 =	rddreg [dreg:$0x6];
	[sflag:s14] =	ssyncadd.s32 $0xFFFFE000  }
0x44: {  	[spmem:s4] =	stream.linear.scatter [tilespmem:s16], [sflag:$0xB], $0x2000, $0x38;
	[tilespmem:$0x1E000] =	vst v63  }
0x45: {  	_ =	swait.ge [sflag:s14], $0x2000  }
0x46: {  	[sflag:s14] =	ssyncset.done $0x0  }
0x47: {  	s5 =	rddreg [dreg:$0x7];
	[sflag:s14] =	ssyncadd.s32 $0xFFFFE000  }
0x48: {  	[spmem:s5] =	stream.linear.scatter [tilespmem:s16], [sflag:$0xB], $0x2000, $0x38;
	[tilespmem:$0x1E000] =	vst v63  }
0x49: {  	_ =	swait.ge [sflag:s14], $0x2000  }
0x4a: {  	[sflag:s14] =	ssyncset.done $0x0  }
0x4b: {  	s7 =	rddreg [dreg:$0x8];
	[sflag:s14] =	ssyncadd.s32 $0xFFFFE000  }
0x4c: {  	[spmem:s7] =	stream.linear.scatter [tilespmem:s16], [sflag:$0xB], $0x2000, $0x38;
	[tilespmem:$0x1E000] =	vst v63  }
0x4d: {  	_ =	swait.ge [sflag:s14], $0x2000  }
0x4e: {  	[sflag:s14] =	ssyncset.done $0x0  }
0x4f: {  	[sflag:s14] =	ssyncadd.s32 $0xFFFFE000  }
0x50: {  	[spmem:s10] =	stream.linear.scatter [tilespmem:s16], [sflag:$0xB], $0x2000, $0x38;
	[tilespmem:$0x1E000] =	vst v63  }
0x51: {  	_ =	swait.ge [sflag:s14], $0x2000  }
0x52: {  	[sflag:s14] =	ssyncset.done $0x0  }
0x53: {  	[sflag:s14] =	ssyncadd.s32 $0xFFFFE000  }
0x54: {  	s3 =	simm.s32 $0x0;
	[bflag:$0x0] =	sbarrier.arrive $0xFFFF  }
0x55: {  	[tilespmem:s16], [sflag:$0x1] =	stream.indirect.gather [hbm4b:s11+s17], $0x40, s3, s17, $0xb8;
	[tilespmem:$0x1E000] =	vst v63  }
0x56: {  	_ = 	snop  }
0x57: {  	[tilespmem:s18], [sflag:$0x2] =	stream.indirect.gather [hbm4b:s11+s17], $0x40, s17, s17, $0xb8;
	[tilespmem:$0x1E000] =	vst v63  }
0x58: {  	s4 =	simm.s32 $0x100  }
0x59: {  	[tilespmem:s20], [sflag:$0x3] =	stream.indirect.gather [hbm4b:s11+s17], $0x40, s4, s17, $0xb8;
	[tilespmem:$0x1E000] =	vst v63  }
0x5a: {  	s8 =	simm.s32 $0x180  }
0x5b: {  	[tilespmem:s22], [sflag:$0x4] =	stream.indirect.gather [hbm4b:s11+s17], $0x40, s8, s17, $0xb8;
	[tilespmem:$0x1E000] =	vst v63  }
0x5c: {  	s9 =	simm.s32 $0x200  }
0x5d: {  	[tilespmem:s24], [sflag:$0x5] =	stream.indirect.gather [hbm4b:s11+s17], $0x40, s9, s17, $0xb8;
	[tilespmem:$0x1E000] =	vst v63  }
0x5e: {  	_ =	swait.ge [sflag:s25], $0x2000  }
0x5f: {  	[sflag:s25] =	ssyncset.done $0x0  }
0x60: {  	[sflag:s25] =	ssyncadd.s32 $0xFFFFE000  }
0x61: {  	[spmem:s2] =	stream.indirect.scatter.add.f32 [tilespmem:s16], [sflag:$0x6], $0x40, s15, s17, $0xb8;
	[tilespmem:$0x1E000] =	vst v63  }
0x62: {  	_ =	swait.ge [sflag:s26], $0x2000  }
0x63: {  	[sflag:s26] =	ssyncset.done $0x0  }
0x64: {  	s5 =	simm.s32 $0x5080;
	[sflag:s26] =	ssyncadd.s32 $0xFFFFE000  }
0x65: {  	[spmem:s2] =	stream.indirect.scatter.add.f32 [tilespmem:s18], [sflag:$0x7], $0x40, s5, s17, $0xb8;
	[tilespmem:$0x1E000] =	vst v63  }
0x66: {  	_ =	swait.ge [sflag:s29], $0x2000  }
0x67: {  	[sflag:s29] =	ssyncset.done $0x0  }
0x68: {  	s7 =	simm.s32 $0x280;
	[sflag:s29] =	ssyncadd.s32 $0xFFFFE000  }
0x69: {  	[tilespmem:s16], [sflag:$0x1] =	stream.indirect.gather [hbm4b:s11+s17], $0x40, s7, s17, $0xb8;
	[tilespmem:$0x1E000] =	vst v63  }
0x6a: {  	_ =	swait.ge [sflag:s31], $0x2000  }
0x6b: {  	[sflag:s31] =	ssyncset.done $0x0  }
0x6c: {  	s8 =	simm.s32 $0x5100;
	[sflag:s31] =	ssyncadd.s32 $0xFFFFE000  }
0x6d: {  	[spmem:s2] =	stream.indirect.scatter.add.f32 [tilespmem:s20], [sflag:$0x8], $0x40, s8, s17, $0xb8;
	[tilespmem:$0x1E000] =	vst v63  }
0x6e: {  	_ =	swait.ge [sflag:s1], $0x2000  }
0x6f: {  	[sflag:s1] =	ssyncset.done $0x0  }
0x70: {  	s9 =	simm.s32 $0x300;
	[sflag:s1] =	ssyncadd.s32 $0xFFFFE000  }
0x71: {  	[tilespmem:s18], [sflag:$0x2] =	stream.indirect.gather [hbm4b:s11+s17], $0x40, s9, s17, $0xb8;
	[tilespmem:$0x1E000] =	vst v63  }
0x72: {  	_ =	swait.ge [sflag:s21], $0x2000  }
0x73: {  	[sflag:s21] =	ssyncset.done $0x0  }
0x74: {  	s5 =	simm.s32 $0x5180;
	[sflag:s21] =	ssyncadd.s32 $0xFFFFE000  }
0x75: {  	[spmem:s2] =	stream.indirect.scatter.add.f32 [tilespmem:s22], [sflag:$0x9], $0x40, s5, s17, $0xb8;
	[tilespmem:$0x1E000] =	vst v63  }
0x76: {  	_ =	swait.ge [sflag:s28], $0x2000  }
0x77: {  	[sflag:s28] =	ssyncset.done $0x0  }
0x78: {  	s7 =	simm.s32 $0x380;
	[sflag:s28] =	ssyncadd.s32 $0xFFFFE000  }
0x79: {  	[tilespmem:s20], [sflag:$0x3] =	stream.indirect.gather [hbm4b:s11+s17], $0x40, s7, s17, $0xb8;
	[tilespmem:$0x1E000] =	vst v63  }
0x7a: {  	_ =	swait.ge [sflag:s0], $0x2000  }
0x7b: {  	[sflag:s0] =	ssyncset.done $0x0  }
0x7c: {  	s8 =	simm.s32 $0x5200;
	[sflag:s0] =	ssyncadd.s32 $0xFFFFE000  }
0x7d: {  	[spmem:s2] =	stream.indirect.scatter.add.f32 [tilespmem:s24], [sflag:$0xA], $0x40, s8, s17, $0xb8;
	[tilespmem:$0x1E000] =	vst v63  }
0x7e: {  	_ =	swait.ge [sflag:s23], $0x2000  }
0x7f: {  	[sflag:s23] =	ssyncset.done $0x0  }
0x80: {  	s9 =	simm.s32 $0x400;
	[sflag:s23] =	ssyncadd.s32 $0xFFFFE000  }
0x81: {  	[tilespmem:s22], [sflag:$0x4] =	stream.indirect.gather [hbm4b:s11+s17], $0x40, s9, s17, $0xb8;
	[tilespmem:$0x1E000] =	vst v63  }
.LBB2_4:
0x82: {  	_ =	swait.ge [sflag:s25], $0x2000  }
0x83: {  	s4 =	sshra.s32 s3, $0x2;
	[sflag:s25] =	ssyncset.done $0x0  }
0x84: {  	s5 =	sadd.s32 $0x5280, s4;
	[sflag:s25] =	ssyncadd.s32 $0xFFFFE000  }
0x85: {  	[spmem:s2] =	stream.indirect.scatter.add.f32 [tilespmem:s16], [sflag:$0x6], $0x40, s5, s17, $0xb8;
	[tilespmem:$0x1E000] =	vst v63  }
0x86: {  	_ =	swait.ge [sflag:s19], $0x2000  }
0x87: {  	[sflag:s19] =	ssyncset.done $0x0  }
0x88: {  	s7 =	sadd.s32 $0x480, s4;
	[sflag:s19] =	ssyncadd.s32 $0xFFFFE000  }
0x89: {  	[tilespmem:s24], [sflag:$0x5] =	stream.indirect.gather [hbm4b:s11+s17], $0x40, s7, s17, $0xb8;
	[tilespmem:$0x1E000] =	vst v63  }
0x8a: {  	_ =	swait.ge [sflag:s26], $0x2000  }
0x8b: {  	p0 =	seq.s32 s3, $0x12C00;
	[sflag:s26] =	ssyncset.done $0x0  }
0x8c: {  	s8 =	sadd.s32 $0x5300, s4;
	s5 =	simm.s32 @p0 $0x3;
	[sflag:s26] =	ssyncadd.s32 $0xFFFFE000  }
0x8d: {  	[spmem:s2] =	stream.indirect.scatter.add.f32 [tilespmem:s18], [sflag:$0x7], $0x40, s8, s17, $0xb8;
	[tilespmem:$0x1E000] =	vst v63  }
0x8e: {  	_ =	swait.ge @p0 [sflag:s5], $0x2000  }
0x8f: {  	[sflag:s5] =	ssyncset.done @p0 $0x0  }
0x90: {  	[sflag:s5] =	ssyncadd.s32 @p0 $0xFFFFE000;
	s5 =	sshra.s32 @p0 s3, $0x2  }
0x91: {  	s7 =	simm.s32 @p0 $0x80;
	s8 =	simm.s32 @p0 $0xE000;
	s5 =	sadd.s32 @p0 $0x5380, s5  }
0x92: {  	[spmem:s2] =	stream.indirect.scatter.add.f32 @p0 [tilespmem:s8], [sflag:$0x8], $0x40, s5, s7, $0xb8;
	[tilespmem:$0x1E000] =	vst v63  }
0x93: {  	s5 =	simm.s32 @!p0 $0x6  }
0x94: {  	_ =	swait.ge @!p0 [sflag:s5], $0x2000  }
0x95: {  	[sflag:s5] =	ssyncset.done @!p0 $0x0  }
0x96: {  	[sflag:s5] =	ssyncadd.s32 @!p0 $0xFFFFE000;
	s5 =	sshra.s32 @!p0 s3, $0x2  }
0x97: {  	s9 =	simm.s32 @!p0 $0xA000;
	s8 =	simm.s32 @!p0 $0x80;
	s7 =	sadd.s32 @!p0 $0x500, s5  }
0x98: {  	[tilespmem:s9], [sflag:$0x1] =	stream.indirect.gather @!p0 [hbm4b:s11+s8], $0x40, s7, s8, $0xb8;
	[tilespmem:$0x1E000] =	vst v63  }
0x99: {  	s7 =	simm.s32 @!p0 $0x3  }
0x9a: {  	_ =	swait.ge @!p0 [sflag:s7], $0x2000  }
0x9b: {  	[sflag:s7] =	ssyncset.done @!p0 $0x0  }
0x9c: {  	s9 =	simm.s32 @!p0 $0xE000;
	[sflag:s7] =	ssyncadd.s32 @!p0 $0xFFFFE000;
	s7 =	sadd.s32 @!p0 $0x5380, s5  }
0x9d: {  	[spmem:s2] =	stream.indirect.scatter.add.f32 @!p0 [tilespmem:s9], [sflag:$0x8], $0x40, s7, s8, $0xb8;
	[tilespmem:$0x1E000] =	vst v63  }
0x9e: {  	s7 =	simm.s32 @!p0 $0x7  }
0x9f: {  	_ =	swait.ge @!p0 [sflag:s7], $0x2000  }
0xa0: {  	[sflag:s7] =	ssyncset.done @!p0 $0x0  }
0xa1: {  	s5 =	sadd.s32 @!p0 $0x580, s5;
	[sflag:s7] =	ssyncadd.s32 @!p0 $0xFFFFE000;
	s7 =	simm.s32 @!p0 $0xC000  }
0xa2: {  	[tilespmem:s7], [sflag:$0x2] =	stream.indirect.gather @!p0 [hbm4b:s11+s8], $0x40, s5, s8, $0xb8;
	[tilespmem:$0x1E000] =	vst v63  }
.Ltmp3:
0xa3: {  	_ = 	snop;
	(pc) =	sbr.rel @p0 .LBB2_6-.Ltmp3, $4  }
0xa4: {  	_ =	swait.ge [sflag:s21], $0x2000  }
0xa5: {  	[sflag:s21] =	ssyncset.done $0x0  }
0xa6: {  	s9 =	sadd.s32 $0x5400, s4;
	[sflag:s21] =	ssyncadd.s32 $0xFFFFE000  }
0xa7: {  	[spmem:s2] =	stream.indirect.scatter.add.f32 [tilespmem:s22], [sflag:$0x9], $0x40, s9, s17, $0xb8;
	[tilespmem:$0x1E000] =	vst v63  }
0xa8: {  	_ =	swait.ge [sflag:s28], $0x2000  }
0xa9: {  	[sflag:s28] =	ssyncset.done $0x0  }
0xaa: {  	s5 =	sadd.s32 $0x600, s4;
	[sflag:s28] =	ssyncadd.s32 $0xFFFFE000  }
0xab: {  	[tilespmem:s20], [sflag:$0x3] =	stream.indirect.gather [hbm4b:s11+s17], $0x40, s5, s17, $0xb8;
	[tilespmem:$0x1E000] =	vst v63  }
0xac: {  	_ =	swait.ge [sflag:s0], $0x2000  }
0xad: {  	[sflag:s0] =	ssyncset.done $0x0  }
0xae: {  	s8 =	sadd.s32 $0x5480, s4;
	[sflag:s0] =	ssyncadd.s32 $0xFFFFE000  }
0xaf: {  	[spmem:s2] =	stream.indirect.scatter.add.f32 [tilespmem:s24], [sflag:$0xA], $0x40, s8, s17, $0xb8;
	[tilespmem:$0x1E000] =	vst v63  }
.Ltmp4:
0xb0: {  	_ = 	snop;
	(pc) =	sbr.rel .LBB2_4-.Ltmp4, $4  }
0xb1: {  	_ =	swait.ge [sflag:s23], $0x2000  }
0xb2: {  	[sflag:s23] =	ssyncset.done $0x0  }
0xb3: {  	s9 =	sadd.s32 $0x680, s4;
	s3 =	sadd.s32 $0xA00, s3;
	[sflag:s23] =	ssyncadd.s32 $0xFFFFE000  }
0xb4: {  	[tilespmem:s22], [sflag:$0x4] =	stream.indirect.gather [hbm4b:s11+s17], $0x40, s9, s17, $0xb8;
	[tilespmem:$0x1E000] =	vst v63  }
.LBB2_7:
0xb5: {  	_ =	sfence.sel $0x180000  }
0xb6: {  	[bflag:$0x0] =	sbarrier.arrive $0xFFFF  }
0xb7: {  	_ =	strace $0x9000004A  }
0xb8: {  	s0 =	stileid.u32;
	[bflag:$0x2] =	sbarrier.arrive $0xFFFF  }
0xb9: {  	p0 =	sne.s32 s0, $0x0;
	s0 =	rddreg [dreg:$0x3]  }
0xba: {  	s0 =	sadd.s32 @!p0 $0x100000, s0  }
0xbb: {  	[sflag:s0] =	ssyncadd.tile.s32 @!p0 $0x1;
	_ =	shalt  }
.Lfunc_end2:
_tile_overlayer_lowered:
.L_overlay_start_2:
0xbc: {  	(tag) =	ssettag $0x2  }
0xbd: {  	s0 =	rddreg [dreg:$0x0];
	s2 =	stileid.u32  }
0xbe: {  	s1 =	rddreg [dreg:$0x1];
	p0 =	sne.s32 s2, $0x0  }
0xbf: {  	s3 =	rddreg [dreg:$0x2];
	[bflag:$0x3] =	sbarrier.arrive $0xFFFF;
	s2 =	simm.s32 @!p0 $0x1C0B  }
0xc0: {  	[timem:s3], [sflag:s2] =	dma.local @!p0 [hbm:s0], s1  }
0xc1: {  	s0 =	simm.s32 @!p0 $0xB  }
0xc2: {  	_ =	swait.ge @!p0 [sflag:s0], s1  }
0xc3: {  	s1 =	ssub.s32 @!p0 $0x0, s1;
	[sflag:s0] =	ssyncset.done @!p0 $0x0  }
0xc4: {  	[sflag:s0] =	ssyncadd.s32 @!p0 s1  }
0xc5: {  	[bflag:$0x3] =	sbarrier.arrive $0xFFFF  }
0xc6: {  	_ =	shalt  }

</sc_bundles>
